<compile_context>
chip_gen: v7x
topology: tpu7x:2x2x1
jax: 0.10.2.dev20260603
libtpu: 0.0.44.dev20260713+nightly
codegen_flags: <defaults>
</compile_context>

<pallas_src>
import functools

import jax
import jax.numpy as jnp
from jax import lax
from jax.experimental import pallas as pl
from jax.experimental.pallas import tpu as pltpu
from jax.experimental.pallas import tpu_sc as plsc

N = 10000
E = 160000
D = 256
H = 8
HD = 32

NC = 2
NS = 16
L = 16

CH = 80
NCHUNKS = E // CH
NP = 10240
NB = 32
NNB = NP // NB
NPT = NP // NS
BN = 400

_MESH = plsc.VectorSubcoreMesh(
    core_axis_name="c", subcore_axis_name="s",
    num_cores=NC, num_subcores=NS)


def _proj_body(x_ref, ws_ref, wr_ref, bs_ref, br_ref, s_ref, r_ref):
    xb = x_ref[...]
    s_ref[...] = (
        jnp.dot(xb, ws_ref[...], preferred_element_type=jnp.float32)
        + bs_ref[...]
    )
    r_ref[...] = (
        jnp.dot(xb, wr_ref[...], preferred_element_type=jnp.float32)
        + br_ref[...]
    )


_proj = pl.pallas_call(
    _proj_body,
    grid=(NC, N // BN),
    in_specs=[
        pl.BlockSpec((BN, D), lambda c, i: (i, 0)),
        pl.BlockSpec((D, 128), lambda c, i: (0, c)),
        pl.BlockSpec((D, 128), lambda c, i: (0, c)),
        pl.BlockSpec((1, 128), lambda c, i: (0, c)),
        pl.BlockSpec((1, 128), lambda c, i: (0, c)),
    ],
    out_specs=[
        pl.BlockSpec((BN, 128), lambda c, i: (c * (N // BN) + i, 0)),
        pl.BlockSpec((BN, 128), lambda c, i: (c * (N // BN) + i, 0)),
    ],
    out_shape=[jax.ShapeDtypeStruct((NC * N, 128), jnp.float32)] * 2,
)


def _k1_body(s2, r2, snd, rcv, a_in, w16_out, accw_out,
             idxs_v, idxrt_v, idxra_v, bufs_v, bufr_v, wbuf_v, wout_v,
             stage_v, cbuf_v, a_v, tbuf_v, accw_sh, sem1, sem2):
    cid = lax.axis_index("c")
    sid = lax.axis_index("s")
    iota = lax.iota(jnp.int32, L)
    zeros16 = jnp.zeros((L,), jnp.float32)
    ones16 = jnp.ones((L,), jnp.float32)

    pltpu.sync_copy(a_in, a_v)
    av0 = a_v[pl.ds(0, L)]
    av1 = a_v[pl.ds(L, L)]

    def zero_wbuf(i, c):
        for j in range(128 // L):
            wbuf_v[i, pl.ds(j * L, L)] = zeros16
        return c
    lax.fori_loop(0, CH, zero_wbuf, 0)

    def zero_stage(i, c):
        for j in range(128 // L):
            stage_v[i, pl.ds(j * L, L)] = zeros16
        return c
    lax.fori_loop(0, NB, zero_stage, 0)

    def zero_chunk(k, carry):
        pltpu.sync_copy(stage_v, accw_sh.at[pl.ds((sid + NS * k) * NB, NB)])
        return carry
    lax.fori_loop(0, NNB // NS, zero_chunk, 0)
    plsc.subcore_barrier()

    def edge_chunk(k, carry):
        base = (sid + NS * k) * CH
        pltpu.sync_copy(snd.at[pl.ds(base, CH)], idxs_v)
        pltpu.sync_copy(rcv.at[pl.ds(base, CH)], idxra_v)

        off = cid * N

        def adjust(j, c):
            idxs_v[pl.ds(j * L, L)] = idxs_v[pl.ds(j * L, L)] + off
            idxrt_v[pl.ds(j * L, L)] = idxra_v[pl.ds(j * L, L)] + off
            return c
        lax.fori_loop(0, CH // L, adjust, 0)

        cp1 = pltpu.async_copy(s2.at[idxs_v], bufs_v, sem1)
        cp2 = pltpu.async_copy(r2.at[idxrt_v], bufr_v, sem2)
        cp1.wait()
        cp2.wait()

        def edge(i, c):
            ts = []
            for h in range(4):
                z0 = bufs_v[i, pl.ds(2 * h * L, L)] \
                    + bufr_v[i, pl.ds(2 * h * L, L)]
                z1 = bufs_v[i, pl.ds((2 * h + 1) * L, L)] \
                    + bufr_v[i, pl.ds((2 * h + 1) * L, L)]
                z0 = jnp.where(z0 >= 0.0, z0, z0 * 0.01)
                z1 = jnp.where(z1 >= 0.0, z1, z1 * 0.01)
                t = z0 * av0 + z1 * av1
                tbuf_v[pl.ds(h * 32, L)] = t
                ts.append(t)
            red = ts
            for shift in (8, 4, 2, 1):
                nred = []
                for h in range(4):
                    s = red[h] + tbuf_v[pl.ds(h * 32 + shift, L)]
                    if shift != 1:
                        tbuf_v[pl.ds(h * 32, L)] = s
                    nred.append(s)
                red = nred
            wrow = zeros16
            for h in range(4):
                wb = jnp.exp(ones16 * red[h][0])
                wrow = jnp.where(iota == h, wb, wrow)
            wbuf_v[i, pl.ds(0, L)] = wrow
            wout_v[i, pl.ds(0, L)] = wrow
            return c
        lax.fori_loop(0, CH, edge, 0)

        pltpu.sync_copy(wout_v, w16_out.at[pl.ds(cid * E + base, CH)])
        pltpu.sync_copy(wbuf_v, accw_sh.at[idxra_v], add=True)
        return carry
    lax.fori_loop(0, NCHUNKS // NS, edge_chunk, 0)
    plsc.subcore_barrier()

    def compact_chunk(ch, carry):
        row0 = sid * NPT + ch * NB
        pltpu.sync_copy(accw_sh.at[pl.ds(row0, NB)], stage_v)
        for q in range(NB // 4):
            for qn in range(4):
                cbuf_v[pl.ds(q * 16 + qn * 4, L)] = \
                    stage_v[q * 4 + qn, pl.ds(0, L)]
        pltpu.sync_copy(
            cbuf_v.at[pl.ds(0, 128)],
            accw_out.at[pl.ds(cid * NP * 4 + row0 * 4, 128)])
        return carry
    lax.fori_loop(0, NPT // NB, compact_chunk, 0)


def _k2_body(s2, snd, rcv, w16, accw_c, out,
             idxs_v, idxra_v, bufs_v, msg_v, wbuf_v,
             nstage_v, ostage_v, wvec_v, acc_sh, sem1, sem2):
    cid = lax.axis_index("c")
    sid = lax.axis_index("s")
    zeros16 = jnp.zeros((L,), jnp.float32)

    def zero_stage(i, c):
        for j in range(128 // L):
            nstage_v[i, pl.ds(j * L, L)] = zeros16
        return c
    lax.fori_loop(0, NB, zero_stage, 0)

    def zero_chunk(k, carry):
        pltpu.sync_copy(nstage_v, acc_sh.at[pl.ds((sid + NS * k) * NB, NB)])
        return carry
    lax.fori_loop(0, NNB // NS, zero_chunk, 0)
    plsc.subcore_barrier()

    def edge_chunk(k, carry):
        base = (sid + NS * k) * CH
        pltpu.sync_copy(snd.at[pl.ds(base, CH)], idxs_v)
        pltpu.sync_copy(rcv.at[pl.ds(base, CH)], idxra_v)
        pltpu.sync_copy(w16.at[pl.ds(cid * E + base, CH)], wbuf_v)

        off = cid * N

        def adjust(j, c):
            idxs_v[pl.ds(j * L, L)] = idxs_v[pl.ds(j * L, L)] + off
            return c
        lax.fori_loop(0, CH // L, adjust, 0)

        cp1 = pltpu.async_copy(s2.at[idxs_v], bufs_v, sem1)
        cp1.wait()

        def edge(i, c):
            wrow = wbuf_v[i, pl.ds(0, L)]
            for j in range(8):
                ws = wrow[j // 2]
                msg_v[i, pl.ds(j * L, L)] = bufs_v[i, pl.ds(j * L, L)] * ws
            return c
        lax.fori_loop(0, CH, edge, 0)

        pltpu.sync_copy(msg_v, acc_sh.at[idxra_v], add=True)
        return carry
    lax.fori_loop(0, NCHUNKS // NS, edge_chunk, 0)
    plsc.subcore_barrier()

    def node_chunk(k, carry):
        nm = sid + NS * k
        pltpu.sync_copy(acc_sh.at[pl.ds(nm * NB, NB)], nstage_v)
        pltpu.sync_copy(
            accw_c.at[pl.ds(cid * NP * 4 + nm * NB * 4, NB * 4)], wvec_v)

        def quad(q, c):
            w16v = wvec_v[pl.ds(q * L, L)]
            rec = jnp.where(w16v > 0.0, 1.0 / w16v, 0.0)
            for qn in range(4):
                i = q * 4 + qn
                for h in range(4):
                    rh = rec[qn * 4 + h]
                    ostage_v[i, pl.ds(2 * h * L, L)] = (
                        nstage_v[i, pl.ds(2 * h * L, L)] * rh)
                    ostage_v[i, pl.ds((2 * h + 1) * L, L)] = (
                        nstage_v[i, pl.ds((2 * h + 1) * L, L)] * rh)
            return c
        lax.fori_loop(0, NB // 4, quad, 0)
        pltpu.sync_copy(ostage_v, out.at[pl.ds(cid * NP + nm * NB, NB)])
        return carry
    lax.fori_loop(0, NNB // NS, node_chunk, 0)


_k1 = functools.partial(
    pl.kernel,
    out_type=[
        jax.ShapeDtypeStruct((NC * E, L), jnp.float32),
        jax.ShapeDtypeStruct((NC * NP * 4,), jnp.float32),
    ],
    mesh=_MESH,
    scratch_types=[
        pltpu.VMEM((CH,), jnp.int32),
        pltpu.VMEM((CH,), jnp.int32),
        pltpu.VMEM((CH,), jnp.int32),
        pltpu.VMEM((CH, 128), jnp.float32),
        pltpu.VMEM((CH, 128), jnp.float32),
        pltpu.VMEM((CH, 128), jnp.float32),
        pltpu.VMEM((CH, L), jnp.float32),
        pltpu.VMEM((NB, 128), jnp.float32),
        pltpu.VMEM((256,), jnp.float32),
        pltpu.VMEM((128,), jnp.float32),
        pltpu.VMEM((128,), jnp.float32),
        pltpu.VMEM_SHARED((NP, 128), jnp.float32),
        pltpu.SemaphoreType.DMA,
        pltpu.SemaphoreType.DMA,
    ],
)(_k1_body)


_k2 = functools.partial(
    pl.kernel,
    out_type=jax.ShapeDtypeStruct((NC * NP, 128), jnp.float32),
    mesh=_MESH,
    scratch_types=[
        pltpu.VMEM((CH,), jnp.int32),
        pltpu.VMEM((CH,), jnp.int32),
        pltpu.VMEM((CH, 128), jnp.float32),
        pltpu.VMEM((CH, 128), jnp.float32),
        pltpu.VMEM((CH, L), jnp.float32),
        pltpu.VMEM((NB, 128), jnp.float32),
        pltpu.VMEM((NB, 128), jnp.float32),
        pltpu.VMEM((128,), jnp.float32),
        pltpu.VMEM_SHARED((NP, 128), jnp.float32),
        pltpu.SemaphoreType.DMA,
        pltpu.SemaphoreType.DMA,
    ],
)(_k2_body)


def kernel(x, senders, receivers, Ws, bs, Wr, br, a, ab):
    wsf = Ws.reshape(D, H * HD)
    wrf = Wr.reshape(D, H * HD)
    bsf = bs.reshape(1, H * HD)
    brf = br.reshape(1, H * HD)
    s2, r2 = _proj(x, wsf, wrf, bsf, brf)
    snd = senders.astype(jnp.int32)
    rcv = receivers.astype(jnp.int32)
    a128 = jnp.concatenate(
        [a.reshape(HD), jnp.zeros((128 - HD,), jnp.float32)])
    del ab
    w16, accw_c = _k1(s2, r2, snd, rcv, a128)
    outab = _k2(s2, snd, rcv, w16, accw_c)
    return (outab.reshape(NC, NP, 128)[:, :N]
            .transpose(1, 0, 2).reshape(N, H * HD))

# --- scband reference (transcript-rebuilt; emitter-appended) ---
"""Pipeline reference for scband-gatv2-14259291423150 (READ-ONLY COPY).

The authoritative reference and input builder live on the scoring server;
editing this copy changes nothing except your own understanding.
"""

import jax, jax.numpy as jnp
import numpy as np

N = 10000
E = 160000
D = 256
H = 8
HD = 32

def setup_inputs(seed: int = 0) -> dict:
    key = jax.random.key(seed)
    ks = jax.random.split(key, 8)
    x = jax.random.normal(ks[0], (N, D), dtype=jnp.float32)
    senders = jax.random.randint(ks[1], (E,), 0, N)
    receivers = jax.random.randint(ks[2], (E,), 0, N)
    Ws = jax.random.normal(ks[3], (D, H, HD), dtype=jnp.float32) * 0.05
    bs = jnp.zeros((H, HD), dtype=jnp.float32)
    Wr = jax.random.normal(ks[4], (D, H, HD), dtype=jnp.float32) * 0.05
    br = jnp.zeros((H, HD), dtype=jnp.float32)
    a = jax.random.normal(ks[5], (HD, 1), dtype=jnp.float32) * 0.05
    ab = jnp.zeros((1,), dtype=jnp.float32)
    return {"x": x, "senders": senders, "receivers": receivers,
            "Ws": Ws, "bs": bs, "Wr": Wr, "br": br, "a": a, "ab": ab}

def reference(x, senders, receivers, Ws, bs, Wr, br, a, ab):
    # Edge features: W_s applied to sender node attributes (edges/globals are None)
    sent = jnp.einsum('nd,dhk->nhk', x, Ws) + bs          # [N, H, HD]
    recv = jnp.einsum('nd,dhk->nhk', x, Wr) + br          # [N, H, HD]
    edges = jnp.take(sent, senders, axis=0)               # [E, H, HD]
    z = jax.nn.leaky_relu(edges + jnp.take(recv, receivers, axis=0))
    logits = jnp.einsum('ehk,ko->eho', z, a) + ab         # [E, H, 1]
    # segment softmax over receiver nodes (jraph.segment_softmax)
    seg_max = jax.ops.segment_max(logits, receivers, num_segments=N)
    seg_max = jax.lax.stop_gradient(jnp.where(jnp.isfinite(seg_max), seg_max, 0.0))
    expl = jnp.exp(logits - jnp.take(seg_max, receivers, axis=0))
    denom = jax.ops.segment_sum(expl, receivers, num_segments=N)
    weights = expl / jnp.take(denom, receivers, axis=0)   # [E, H, 1]
    # attention_reduce: weights * edges, merge heads, aggregate to dst nodes
    msgs = weights * edges                                # [E, H, HD]
    agg = jax.ops.segment_sum(msgs, receivers, num_segments=N)  # [N, H, HD]
    nodes = agg.reshape(N, H * HD)
    return nodes

if __name__ == "__main__":
    import jax
    _d = setup_inputs()
    print(jax.jit(kernel)(*tuple(_d.values())))

</pallas_src>

<mosaic_0001>
#map = affine_map<(d0, d1) -> (0, 0)>
#map1 = affine_map<(d0, d1) -> (0)>
module attributes {stable_mosaic.version = 14 : i64} {
  func.func @_k1_body(%arg0: i32, %arg1: i32, %arg2: memref<20000x128xf32, #tpu.memory_space<hbm>>, %arg3: memref<20000x128xf32, #tpu.memory_space<hbm>>, %arg4: memref<160000xi32, #tpu.memory_space<hbm>>, %arg5: memref<160000xi32, #tpu.memory_space<hbm>>, %arg6: memref<128xf32, #tpu.memory_space<hbm>>, %arg7: memref<320000x16xf32, #tpu.memory_space<hbm>>, %arg8: memref<81920xf32, #tpu.memory_space<hbm>>, %arg9: memref<80xi32, #tpu.memory_space<vmem>>, %arg10: memref<80xi32, #tpu.memory_space<vmem>>, %arg11: memref<80xi32, #tpu.memory_space<vmem>>, %arg12: memref<80x128xf32, #tpu.memory_space<vmem>>, %arg13: memref<80x128xf32, #tpu.memory_space<vmem>>, %arg14: memref<80x128xf32, #tpu.memory_space<vmem>>, %arg15: memref<80x16xf32, #tpu.memory_space<vmem>>, %arg16: memref<32x128xf32, #tpu.memory_space<vmem>>, %arg17: memref<256xf32, #tpu.memory_space<vmem>>, %arg18: memref<128xf32, #tpu.memory_space<vmem>>, %arg19: memref<128xf32, #tpu.memory_space<vmem>>, %arg20: memref<10240x128xf32, #tpu.memory_space<vmem_shared>>, %arg21: memref<!tpu.dma_semaphore, #tpu.memory_space<semaphore_mem>>, %arg22: memref<!tpu.dma_semaphore, #tpu.memory_space<semaphore_mem>>) attributes {dimension_semantics = [#tpu.dimension_semantics<core_parallel>, #tpu.dimension_semantics<subcore_parallel>], iteration_bounds = array<i64: 2, 16>, scalar_prefetch = 0 : i64, scratch_operands = 14 : i64, tpu.core_type = #tpu.core_type<sc_vector_subcore>, window_params = [{transform_indices = #map}, {transform_indices = #map}, {transform_indices = #map1}, {transform_indices = #map1}, {transform_indices = #map1}, {transform_indices = #map}, {transform_indices = #map1}]} {
    %iota3A = tpu.iota {dimensions = array<i32: 0>} : vector<16xi32>
    %broadcast_in_dim3A = arith.constant 0.000000e+00 : f32
    %broadcast_in_dim3A_0 = vector.broadcast %broadcast_in_dim3A : f32 to vector<16xf32>
    %broadcast_in_dim3A_1 = arith.constant 1.000000e+00 : f32
    %broadcast_in_dim3A_2 = vector.broadcast %broadcast_in_dim3A_1 : f32 to vector<16xf32>
    "tpu.region"() ({
      %run_scoped3A = tpu.sem_alloc : memref<!tpu.dma_semaphore, #tpu.memory_space<semaphore_mem>>
      tpu.enqueue_dma source(%arg6 : memref<128xf32, #tpu.memory_space<hbm>>) target(%arg18 : memref<128xf32, #tpu.memory_space<vmem>>) target_semaphore(%run_scoped3A : memref<!tpu.dma_semaphore, #tpu.memory_space<semaphore_mem>>)
      tpu.wait_dma2 semaphore(%run_scoped3A : memref<!tpu.dma_semaphore, #tpu.memory_space<semaphore_mem>>) src(%arg6 : memref<128xf32, #tpu.memory_space<hbm>>) dst(%arg18 : memref<128xf32, #tpu.memory_space<vmem>>)
      tpu.yield
    }) : () -> ()
    %get3A = arith.constant 0 : index
    %get3A_3 = tpu.vector_load %arg18[%get3A] {strides = array<i32>} : memref<128xf32, #tpu.memory_space<vmem>>, vector<16xf32>,
    %get3A_4 = vector.shape_cast %get3A_3 : vector<16xf32> to vector<16xf32>
    %get3A_5 = arith.constant 16 : index
    %get3A_6 = tpu.vector_load %arg18[%get3A_5] {strides = array<i32>} : memref<128xf32, #tpu.memory_space<vmem>>, vector<16xf32>,
    %get3A_7 = vector.shape_cast %get3A_6 : vector<16xf32> to vector<16xf32>
    %scan3A = arith.constant 0 : i32
    %scan3A_8 = arith.constant 0 : i32
    %scan3A_9 = arith.constant 80 : i32
    %scan3A_10 = arith.addi %scan3A_8, %scan3A_9 : i32
    %scan3A_11 = arith.constant 1 : i32
    scf.for %scan3A_38 = %scan3A_8 to %scan3A_10 step %scan3A_11  : i32 {
      %swap3A = arith.index_cast %scan3A_38 : i32 to index
      %swap3A_39 = arith.constant 0 : index
      %swap3A_40 = tpu.vector_load %arg14[%swap3A, %swap3A_39] {strides = array<i32>} : memref<80x128xf32, #tpu.memory_space<vmem>>, vector<1x16xf32>,
      %swap3A_41 = vector.shape_cast %swap3A_40 : vector<1x16xf32> to vector<16xf32>
      %swap3A_42 = vector.shape_cast %broadcast_in_dim3A_0 : vector<16xf32> to vector<1x16xf32>
      tpu.vector_store %arg14[%swap3A, %swap3A_39], %swap3A_42 {strides = array<i32>} : memref<80x128xf32, #tpu.memory_space<vmem>>, vector<1x16xf32>,
      %swap3A_43 = arith.index_cast %scan3A_38 : i32 to index
      %swap3A_44 = arith.constant 16 : index
      %swap3A_45 = tpu.vector_load %arg14[%swap3A_43, %swap3A_44] {strides = array<i32>} : memref<80x128xf32, #tpu.memory_space<vmem>>, vector<1x16xf32>,
      %swap3A_46 = vector.shape_cast %swap3A_45 : vector<1x16xf32> to vector<16xf32>
      %swap3A_47 = vector.shape_cast %broadcast_in_dim3A_0 : vector<16xf32> to vector<1x16xf32>
      tpu.vector_store %arg14[%swap3A_43, %swap3A_44], %swap3A_47 {strides = array<i32>} : memref<80x128xf32, #tpu.memory_space<vmem>>, vector<1x16xf32>,
      %swap3A_48 = arith.index_cast %scan3A_38 : i32 to index
      %swap3A_49 = arith.constant 32 : index
      %swap3A_50 = tpu.vector_load %arg14[%swap3A_48, %swap3A_49] {strides = array<i32>} : memref<80x128xf32, #tpu.memory_space<vmem>>, vector<1x16xf32>,
      %swap3A_51 = vector.shape_cast %swap3A_50 : vector<1x16xf32> to vector<16xf32>
      %swap3A_52 = vector.shape_cast %broadcast_in_dim3A_0 : vector<16xf32> to vector<1x16xf32>
      tpu.vector_store %arg14[%swap3A_48, %swap3A_49], %swap3A_52 {strides = array<i32>} : memref<80x128xf32, #tpu.memory_space<vmem>>, vector<1x16xf32>,
      %swap3A_53 = arith.index_cast %scan3A_38 : i32 to index
      %swap3A_54 = arith.constant 48 : index
      %swap3A_55 = tpu.vector_load %arg14[%swap3A_53, %swap3A_54] {strides = array<i32>} : memref<80x128xf32, #tpu.memory_space<vmem>>, vector<1x16xf32>,
      %swap3A_56 = vector.shape_cast %swap3A_55 : vector<1x16xf32> to vector<16xf32>
      %swap3A_57 = vector.shape_cast %broadcast_in_dim3A_0 : vector<16xf32> to vector<1x16xf32>
      tpu.vector_store %arg14[%swap3A_53, %swap3A_54], %swap3A_57 {strides = array<i32>} : memref<80x128xf32, #tpu.memory_space<vmem>>, vector<1x16xf32>,
      %swap3A_58 = arith.index_cast %scan3A_38 : i32 to index
      %swap3A_59 = arith.constant 64 : index
      %swap3A_60 = tpu.vector_load %arg14[%swap3A_58, %swap3A_59] {strides = array<i32>} : memref<80x128xf32, #tpu.memory_space<vmem>>, vector<1x16xf32>,
      %swap3A_61 = vector.shape_cast %swap3A_60 : vector<1x16xf32> to vector<16xf32>
      %swap3A_62 = vector.shape_cast %broadcast_in_dim3A_0 : vector<16xf32> to vector<1x16xf32>
      tpu.vector_store %arg14[%swap3A_58, %swap3A_59], %swap3A_62 {strides = array<i32>} : memref<80x128xf32, #tpu.memory_space<vmem>>, vector<1x16xf32>,
      %swap3A_63 = arith.index_cast %scan3A_38 : i32 to index
      %swap3A_64 = arith.constant 80 : index
      %swap3A_65 = tpu.vector_load %arg14[%swap3A_63, %swap3A_64] {strides = array<i32>} : memref<80x128xf32, #tpu.memory_space<vmem>>, vector<1x16xf32>,
      %swap3A_66 = vector.shape_cast %swap3A_65 : vector<1x16xf32> to vector<16xf32>
      %swap3A_67 = vector.shape_cast %broadcast_in_dim3A_0 : vector<16xf32> to vector<1x16xf32>
      tpu.vector_store %arg14[%swap3A_63, %swap3A_64], %swap3A_67 {strides = array<i32>} : memref<80x128xf32, #tpu.memory_space<vmem>>, vector<1x16xf32>,
      %swap3A_68 = arith.index_cast %scan3A_38 : i32 to index
      %swap3A_69 = arith.constant 96 : index
      %swap3A_70 = tpu.vector_load %arg14[%swap3A_68, %swap3A_69] {strides = array<i32>} : memref<80x128xf32, #tpu.memory_space<vmem>>, vector<1x16xf32>,
      %swap3A_71 = vector.shape_cast %swap3A_70 : vector<1x16xf32> to vector<16xf32>
      %swap3A_72 = vector.shape_cast %broadcast_in_dim3A_0 : vector<16xf32> to vector<1x16xf32>
      tpu.vector_store %arg14[%swap3A_68, %swap3A_69], %swap3A_72 {strides = array<i32>} : memref<80x128xf32, #tpu.memory_space<vmem>>, vector<1x16xf32>,
      %swap3A_73 = arith.index_cast %scan3A_38 : i32 to index
      %swap3A_74 = arith.constant 112 : index
      %swap3A_75 = tpu.vector_load %arg14[%swap3A_73, %swap3A_74] {strides = array<i32>} : memref<80x128xf32, #tpu.memory_space<vmem>>, vector<1x16xf32>,
      %swap3A_76 = vector.shape_cast %swap3A_75 : vector<1x16xf32> to vector<16xf32>
      %swap3A_77 = vector.shape_cast %broadcast_in_dim3A_0 : vector<16xf32> to vector<1x16xf32>
      tpu.vector_store %arg14[%swap3A_73, %swap3A_74], %swap3A_77 {strides = array<i32>} : memref<80x128xf32, #tpu.memory_space<vmem>>, vector<1x16xf32>,
    }
    %scan3A_12 = arith.constant 80 : i32
    %scan3A_13 = arith.constant 0 : i32
    %scan3A_14 = arith.constant 0 : i32
    %scan3A_15 = arith.constant 32 : i32
    %scan3A_16 = arith.addi %scan3A_14, %scan3A_15 : i32
    %scan3A_17 = arith.constant 1 : i32
    scf.for %scan3A_38 = %scan3A_14 to %scan3A_16 step %scan3A_17  : i32 {
      %swap3A = arith.index_cast %scan3A_38 : i32 to index
      %swap3A_39 = arith.constant 0 : index
      %swap3A_40 = tpu.vector_load %arg16[%swap3A, %swap3A_39] {strides = array<i32>} : memref<32x128xf32, #tpu.memory_space<vmem>>, vector<1x16xf32>,
      %swap3A_41 = vector.shape_cast %swap3A_40 : vector<1x16xf32> to vector<16xf32>
      %swap3A_42 = vector.shape_cast %broadcast_in_dim3A_0 : vector<16xf32> to vector<1x16xf32>
      tpu.vector_store %arg16[%swap3A, %swap3A_39], %swap3A_42 {strides = array<i32>} : memref<32x128xf32, #tpu.memory_space<vmem>>, vector<1x16xf32>,
      %swap3A_43 = arith.index_cast %scan3A_38 : i32 to index
      %swap3A_44 = arith.constant 16 : index
      %swap3A_45 = tpu.vector_load %arg16[%swap3A_43, %swap3A_44] {strides = array<i32>} : memref<32x128xf32, #tpu.memory_space<vmem>>, vector<1x16xf32>,
      %swap3A_46 = vector.shape_cast %swap3A_45 : vector<1x16xf32> to vector<16xf32>
      %swap3A_47 = vector.shape_cast %broadcast_in_dim3A_0 : vector<16xf32> to vector<1x16xf32>
      tpu.vector_store %arg16[%swap3A_43, %swap3A_44], %swap3A_47 {strides = array<i32>} : memref<32x128xf32, #tpu.memory_space<vmem>>, vector<1x16xf32>,
      %swap3A_48 = arith.index_cast %scan3A_38 : i32 to index
      %swap3A_49 = arith.constant 32 : index
      %swap3A_50 = tpu.vector_load %arg16[%swap3A_48, %swap3A_49] {strides = array<i32>} : memref<32x128xf32, #tpu.memory_space<vmem>>, vector<1x16xf32>,
      %swap3A_51 = vector.shape_cast %swap3A_50 : vector<1x16xf32> to vector<16xf32>
      %swap3A_52 = vector.shape_cast %broadcast_in_dim3A_0 : vector<16xf32> to vector<1x16xf32>
      tpu.vector_store %arg16[%swap3A_48, %swap3A_49], %swap3A_52 {strides = array<i32>} : memref<32x128xf32, #tpu.memory_space<vmem>>, vector<1x16xf32>,
      %swap3A_53 = arith.index_cast %scan3A_38 : i32 to index
      %swap3A_54 = arith.constant 48 : index
      %swap3A_55 = tpu.vector_load %arg16[%swap3A_53, %swap3A_54] {strides = array<i32>} : memref<32x128xf32, #tpu.memory_space<vmem>>, vector<1x16xf32>,
      %swap3A_56 = vector.shape_cast %swap3A_55 : vector<1x16xf32> to vector<16xf32>
      %swap3A_57 = vector.shape_cast %broadcast_in_dim3A_0 : vector<16xf32> to vector<1x16xf32>
      tpu.vector_store %arg16[%swap3A_53, %swap3A_54], %swap3A_57 {strides = array<i32>} : memref<32x128xf32, #tpu.memory_space<vmem>>, vector<1x16xf32>,
      %swap3A_58 = arith.index_cast %scan3A_38 : i32 to index
      %swap3A_59 = arith.constant 64 : index
      %swap3A_60 = tpu.vector_load %arg16[%swap3A_58, %swap3A_59] {strides = array<i32>} : memref<32x128xf32, #tpu.memory_space<vmem>>, vector<1x16xf32>,
      %swap3A_61 = vector.shape_cast %swap3A_60 : vector<1x16xf32> to vector<16xf32>
      %swap3A_62 = vector.shape_cast %broadcast_in_dim3A_0 : vector<16xf32> to vector<1x16xf32>
      tpu.vector_store %arg16[%swap3A_58, %swap3A_59], %swap3A_62 {strides = array<i32>} : memref<32x128xf32, #tpu.memory_space<vmem>>, vector<1x16xf32>,
      %swap3A_63 = arith.index_cast %scan3A_38 : i32 to index
      %swap3A_64 = arith.constant 80 : index
      %swap3A_65 = tpu.vector_load %arg16[%swap3A_63, %swap3A_64] {strides = array<i32>} : memref<32x128xf32, #tpu.memory_space<vmem>>, vector<1x16xf32>,
      %swap3A_66 = vector.shape_cast %swap3A_65 : vector<1x16xf32> to vector<16xf32>
      %swap3A_67 = vector.shape_cast %broadcast_in_dim3A_0 : vector<16xf32> to vector<1x16xf32>
      tpu.vector_store %arg16[%swap3A_63, %swap3A_64], %swap3A_67 {strides = array<i32>} : memref<32x128xf32, #tpu.memory_space<vmem>>, vector<1x16xf32>,
      %swap3A_68 = arith.index_cast %scan3A_38 : i32 to index
      %swap3A_69 = arith.constant 96 : index
      %swap3A_70 = tpu.vector_load %arg16[%swap3A_68, %swap3A_69] {strides = array<i32>} : memref<32x128xf32, #tpu.memory_space<vmem>>, vector<1x16xf32>,
      %swap3A_71 = vector.shape_cast %swap3A_70 : vector<1x16xf32> to vector<16xf32>
      %swap3A_72 = vector.shape_cast %broadcast_in_dim3A_0 : vector<16xf32> to vector<1x16xf32>
      tpu.vector_store %arg16[%swap3A_68, %swap3A_69], %swap3A_72 {strides = array<i32>} : memref<32x128xf32, #tpu.memory_space<vmem>>, vector<1x16xf32>,
      %swap3A_73 = arith.index_cast %scan3A_38 : i32 to index
      %swap3A_74 = arith.constant 112 : index
      %swap3A_75 = tpu.vector_load %arg16[%swap3A_73, %swap3A_74] {strides = array<i32>} : memref<32x128xf32, #tpu.memory_space<vmem>>, vector<1x16xf32>,
      %swap3A_76 = vector.shape_cast %swap3A_75 : vector<1x16xf32> to vector<16xf32>
      %swap3A_77 = vector.shape_cast %broadcast_in_dim3A_0 : vector<16xf32> to vector<1x16xf32>
      tpu.vector_store %arg16[%swap3A_73, %swap3A_74], %swap3A_77 {strides = array<i32>} : memref<32x128xf32, #tpu.memory_space<vmem>>, vector<1x16xf32>,
    }
    %scan3A_18 = arith.constant 32 : i32
    %scan3A_19 = arith.constant 0 : i32
    %scan3A_20 = arith.constant 0 : i32
    %scan3A_21 = arith.constant 20 : i32
    %scan3A_22 = arith.addi %scan3A_20, %scan3A_21 : i32
    %scan3A_23 = arith.constant 1 : i32
    scf.for %scan3A_38 = %scan3A_20 to %scan3A_22 step %scan3A_23  : i32 {
      %mul3A = arith.constant 16 : i32
      %mul3A_39 = arith.muli %mul3A, %scan3A_38 : i32
      %add3A = arith.addi %arg1, %mul3A_39 : i32
      %mul3A_40 = arith.constant 32 : i32
      %mul3A_41 = arith.muli %add3A, %mul3A_40 : i32
      "tpu.region"() ({
        %run_scoped3A = tpu.sem_alloc : memref<!tpu.dma_semaphore, #tpu.memory_space<semaphore_mem>>
        %dma_start3A = arith.constant 0 : i32
        %dma_start3A_42 = tpu.memref_slice %arg20[%mul3A_41, %dma_start3A] : memref<10240x128xf32, #tpu.memory_space<vmem_shared>> -> memref<32x128xf32, #tpu.memory_space<vmem_shared>>
        %dma_start3A_43 = arith.constant 0 : i32
        %dma_start3A_44 = tpu.memref_slice %arg20[%mul3A_41, %dma_start3A_43] : memref<10240x128xf32, #tpu.memory_space<vmem_shared>> -> memref<32x128xf32, #tpu.memory_space<vmem_shared>>
        tpu.enqueue_dma source(%arg16 : memref<32x128xf32, #tpu.memory_space<vmem>>) target(%dma_start3A_44 : memref<32x128xf32, #tpu.memory_space<vmem_shared>>) target_semaphore(%run_scoped3A : memref<!tpu.dma_semaphore, #tpu.memory_space<semaphore_mem>>)
        %dma_wait3A = arith.constant 0 : i32
        %dma_wait3A_45 = tpu.memref_slice %arg20[%mul3A_41, %dma_wait3A] : memref<10240x128xf32, #tpu.memory_space<vmem_shared>> -> memref<32x128xf32, #tpu.memory_space<vmem_shared>>
        %dma_wait3A_46 = arith.constant 0 : i32
        %dma_wait3A_47 = tpu.memref_slice %arg20[%mul3A_41, %dma_wait3A_46] : memref<10240x128xf32, #tpu.memory_space<vmem_shared>> -> memref<32x128xf32, #tpu.memory_space<vmem_shared>>
        tpu.wait_dma2 semaphore(%run_scoped3A : memref<!tpu.dma_semaphore, #tpu.memory_space<semaphore_mem>>) src(%arg16 : memref<32x128xf32, #tpu.memory_space<vmem>>) dst(%dma_wait3A_47 : memref<32x128xf32, #tpu.memory_space<vmem_shared>>)
        tpu.yield
      }) : () -> ()
    }
    %scan3A_24 = arith.constant 20 : i32
    %barrier3A = arith.constant 0 : index
    tpu.barrier barrier_id(%barrier3A)
    %scan3A_25 = arith.constant 0 : i32
    %scan3A_26 = arith.constant 0 : i32
    %scan3A_27 = arith.constant 125 : i32
    %scan3A_28 = arith.addi %scan3A_26, %scan3A_27 : i32
    %scan3A_29 = arith.constant 1 : i32
    scf.for %scan3A_38 = %scan3A_26 to %scan3A_28 step %scan3A_29  : i32 {
      %mul3A = arith.constant 16 : i32
      %mul3A_39 = arith.muli %mul3A, %scan3A_38 : i32
      %add3A = arith.addi %arg1, %mul3A_39 : i32
      %mul3A_40 = arith.constant 80 : i32
      %mul3A_41 = arith.muli %add3A, %mul3A_40 : i32
      "tpu.region"() ({
        %run_scoped3A = tpu.sem_alloc : memref<!tpu.dma_semaphore, #tpu.memory_space<semaphore_mem>>
        %dma_start3A_69 = tpu.memref_slice %arg4[%mul3A_41] : memref<160000xi32, #tpu.memory_space<hbm>> -> memref<80xi32, #tpu.memory_space<hbm>>
        %dma_start3A_70 = tpu.memref_slice %arg4[%mul3A_41] : memref<160000xi32, #tpu.memory_space<hbm>> -> memref<80xi32, #tpu.memory_space<hbm>>
        tpu.enqueue_dma source(%dma_start3A_70 : memref<80xi32, #tpu.memory_space<hbm>>) target(%arg9 : memref<80xi32, #tpu.memory_space<vmem>>) target_semaphore(%run_scoped3A : memref<!tpu.dma_semaphore, #tpu.memory_space<semaphore_mem>>)
        %dma_wait3A_71 = tpu.memref_slice %arg4[%mul3A_41] : memref<160000xi32, #tpu.memory_space<hbm>> -> memref<80xi32, #tpu.memory_space<hbm>>
        %dma_wait3A_72 = tpu.memref_slice %arg4[%mul3A_41] : memref<160000xi32, #tpu.memory_space<hbm>> -> memref<80xi32, #tpu.memory_space<hbm>>
        tpu.wait_dma2 semaphore(%run_scoped3A : memref<!tpu.dma_semaphore, #tpu.memory_space<semaphore_mem>>) src(%dma_wait3A_72 : memref<80xi32, #tpu.memory_space<hbm>>) dst(%arg9 : memref<80xi32, #tpu.memory_space<vmem>>)
        tpu.yield
      }) : () -> ()
      "tpu.region"() ({
        %run_scoped3A = tpu.sem_alloc : memref<!tpu.dma_semaphore, #tpu.memory_space<semaphore_mem>>
        %dma_start3A_69 = tpu.memref_slice %arg5[%mul3A_41] : memref<160000xi32, #tpu.memory_space<hbm>> -> memref<80xi32, #tpu.memory_space<hbm>>
        %dma_start3A_70 = tpu.memref_slice %arg5[%mul3A_41] : memref<160000xi32, #tpu.memory_space<hbm>> -> memref<80xi32, #tpu.memory_space<hbm>>
        tpu.enqueue_dma source(%dma_start3A_70 : memref<80xi32, #tpu.memory_space<hbm>>) target(%arg11 : memref<80xi32, #tpu.memory_space<vmem>>) target_semaphore(%run_scoped3A : memref<!tpu.dma_semaphore, #tpu.memory_space<semaphore_mem>>)
        %dma_wait3A_71 = tpu.memref_slice %arg5[%mul3A_41] : memref<160000xi32, #tpu.memory_space<hbm>> -> memref<80xi32, #tpu.memory_space<hbm>>
        %dma_wait3A_72 = tpu.memref_slice %arg5[%mul3A_41] : memref<160000xi32, #tpu.memory_space<hbm>> -> memref<80xi32, #tpu.memory_space<hbm>>
        tpu.wait_dma2 semaphore(%run_scoped3A : memref<!tpu.dma_semaphore, #tpu.memory_space<semaphore_mem>>) src(%dma_wait3A_72 : memref<80xi32, #tpu.memory_space<hbm>>) dst(%arg11 : memref<80xi32, #tpu.memory_space<vmem>>)
        tpu.yield
      }) : () -> ()
      %mul3A_42 = arith.constant 10000 : i32
      %mul3A_43 = arith.muli %arg0, %mul3A_42 : i32
      %scan3A_44 = arith.constant 0 : i32
      %scan3A_45 = arith.constant 0 : i32
      %scan3A_46 = arith.constant 5 : i32
      %scan3A_47 = arith.addi %scan3A_45, %scan3A_46 : i32
      %scan3A_48 = arith.constant 1 : i32
      scf.for %scan3A_69 = %scan3A_45 to %scan3A_47 step %scan3A_48  : i32 {
        %mul3A_70 = arith.constant 16 : i32
        %mul3A_71 = arith.muli %scan3A_69, %mul3A_70 : i32
        %get3A_72 = arith.index_cast %mul3A_71 : i32 to index
        %get3A_73 = tpu.vector_load %arg9[%get3A_72] {strides = array<i32>} : memref<80xi32, #tpu.memory_space<vmem>>, vector<16xi32>,
        %get3A_74 = vector.shape_cast %get3A_73 : vector<16xi32> to vector<16xi32>
        %add3A_75 = vector.broadcast %mul3A_43 : i32 to vector<16xi32>
        %add3A_76 = arith.addi %get3A_74, %add3A_75 : vector<16xi32>
        %mul3A_77 = arith.constant 16 : i32
        %mul3A_78 = arith.muli %scan3A_69, %mul3A_77 : i32
        %swap3A = arith.index_cast %mul3A_78 : i32 to index
        %swap3A_79 = tpu.vector_load %arg9[%swap3A] {strides = array<i32>} : memref<80xi32, #tpu.memory_space<vmem>>, vector<16xi32>,
        %swap3A_80 = vector.shape_cast %swap3A_79 : vector<16xi32> to vector<16xi32>
        %swap3A_81 = vector.shape_cast %add3A_76 : vector<16xi32> to vector<16xi32>
        tpu.vector_store %arg9[%swap3A], %swap3A_81 {strides = array<i32>} : memref<80xi32, #tpu.memory_space<vmem>>, vector<16xi32>,
        %mul3A_82 = arith.constant 16 : i32
        %mul3A_83 = arith.muli %scan3A_69, %mul3A_82 : i32
        %get3A_84 = arith.index_cast %mul3A_83 : i32 to index
        %get3A_85 = tpu.vector_load %arg11[%get3A_84] {strides = array<i32>} : memref<80xi32, #tpu.memory_space<vmem>>, vector<16xi32>,
        %get3A_86 = vector.shape_cast %get3A_85 : vector<16xi32> to vector<16xi32>
        %add3A_87 = vector.broadcast %mul3A_43 : i32 to vector<16xi32>
        %add3A_88 = arith.addi %get3A_86, %add3A_87 : vector<16xi32>
        %mul3A_89 = arith.constant 16 : i32
        %mul3A_90 = arith.muli %scan3A_69, %mul3A_89 : i32
        %swap3A_91 = arith.index_cast %mul3A_90 : i32 to index
        %swap3A_92 = tpu.vector_load %arg10[%swap3A_91] {strides = array<i32>} : memref<80xi32, #tpu.memory_space<vmem>>, vector<16xi32>,
        %swap3A_93 = vector.shape_cast %swap3A_92 : vector<16xi32> to vector<16xi32>
        %swap3A_94 = vector.shape_cast %add3A_88 : vector<16xi32> to vector<16xi32>
        tpu.vector_store %arg10[%swap3A_91], %swap3A_94 {strides = array<i32>} : memref<80xi32, #tpu.memory_space<vmem>>, vector<16xi32>,
      }
      %scan3A_49 = arith.constant 5 : i32
      %dma_start3A = arith.constant 0 : i32
      %dma_start3A_50 = arith.constant 0 : i32
      %dma_start3A_51 = tpu.memref_slice %arg2[%dma_start3A, %dma_start3A_50] : memref<20000x128xf32, #tpu.memory_space<hbm>> -> memref<20000x128xf32, #tpu.memory_space<hbm>>
      tpu.enqueue_indirect_dma source(%dma_start3A_51 : memref<20000x128xf32, #tpu.memory_space<hbm>>) target(%arg12 : memref<80x128xf32, #tpu.memory_space<vmem>>) offsets(%arg9 : memref<80xi32, #tpu.memory_space<vmem>>) semaphore(%arg21 : memref<!tpu.dma_semaphore, #tpu.memory_space<semaphore_mem>>)
      %dma_start3A_52 = arith.constant 0 : i32
      %dma_start3A_53 = arith.constant 0 : i32
      %dma_start3A_54 = tpu.memref_slice %arg3[%dma_start3A_52, %dma_start3A_53] : memref<20000x128xf32, #tpu.memory_space<hbm>> -> memref<20000x128xf32, #tpu.memory_space<hbm>>
      tpu.enqueue_indirect_dma source(%dma_start3A_54 : memref<20000x128xf32, #tpu.memory_space<hbm>>) target(%arg13 : memref<80x128xf32, #tpu.memory_space<vmem>>) offsets(%arg10 : memref<80xi32, #tpu.memory_space<vmem>>) semaphore(%arg22 : memref<!tpu.dma_semaphore, #tpu.memory_space<semaphore_mem>>)
      %dma_wait3A = arith.constant 0 : i32
      %dma_wait3A_55 = arith.constant 0 : i32
      %dma_wait3A_56 = tpu.memref_slice %arg2[%dma_wait3A, %dma_wait3A_55] : memref<20000x128xf32, #tpu.memory_space<hbm>> -> memref<20000x128xf32, #tpu.memory_space<hbm>>
      tpu.wait_indirect_dma semaphore(%arg21 : memref<!tpu.dma_semaphore, #tpu.memory_space<semaphore_mem>>) src(%dma_wait3A_56 : memref<20000x128xf32, #tpu.memory_space<hbm>>) dst(%arg12 : memref<80x128xf32, #tpu.memory_space<vmem>>)
      %dma_wait3A_57 = arith.constant 0 : i32
      %dma_wait3A_58 = arith.constant 0 : i32
      %dma_wait3A_59 = tpu.memref_slice %arg3[%dma_wait3A_57, %dma_wait3A_58] : memref<20000x128xf32, #tpu.memory_space<hbm>> -> memref<20000x128xf32, #tpu.memory_space<hbm>>
      tpu.wait_indirect_dma semaphore(%arg22 : memref<!tpu.dma_semaphore, #tpu.memory_space<semaphore_mem>>) src(%dma_wait3A_59 : memref<20000x128xf32, #tpu.memory_space<hbm>>) dst(%arg13 : memref<80x128xf32, #tpu.memory_space<vmem>>)
      %scan3A_60 = arith.constant 0 : i32
      %scan3A_61 = arith.constant 0 : i32
      %scan3A_62 = arith.constant 80 : i32
      %scan3A_63 = arith.addi %scan3A_61, %scan3A_62 : i32
      %scan3A_64 = arith.constant 1 : i32
      scf.for %scan3A_69 = %scan3A_61 to %scan3A_63 step %scan3A_64  : i32 {
        %get3A_70 = arith.index_cast %scan3A_69 : i32 to index
        %get3A_71 = arith.constant 0 : index
        %get3A_72 = tpu.vector_load %arg12[%get3A_70, %get3A_71] {strides = array<i32>} : memref<80x128xf32, #tpu.memory_space<vmem>>, vector<1x16xf32>,
        %get3A_73 = vector.shape_cast %get3A_72 : vector<1x16xf32> to vector<16xf32>
        %get3A_74 = arith.index_cast %scan3A_69 : i32 to index
        %get3A_75 = arith.constant 0 : index
        %get3A_76 = tpu.vector_load %arg13[%get3A_74, %get3A_75] {strides = array<i32>} : memref<80x128xf32, #tpu.memory_space<vmem>>, vector<1x16xf32>,
        %get3A_77 = vector.shape_cast %get3A_76 : vector<1x16xf32> to vector<16xf32>
        %add3A_78 = arith.addf %get3A_73, %get3A_77 : vector<16xf32>
        %get3A_79 = arith.index_cast %scan3A_69 : i32 to index
        %get3A_80 = arith.constant 16 : index
        %get3A_81 = tpu.vector_load %arg12[%get3A_79, %get3A_80] {strides = array<i32>} : memref<80x128xf32, #tpu.memory_space<vmem>>, vector<1x16xf32>,
        %get3A_82 = vector.shape_cast %get3A_81 : vector<1x16xf32> to vector<16xf32>
        %get3A_83 = arith.index_cast %scan3A_69 : i32 to index
        %get3A_84 = arith.constant 16 : index
        %get3A_85 = tpu.vector_load %arg13[%get3A_83, %get3A_84] {strides = array<i32>} : memref<80x128xf32, #tpu.memory_space<vmem>>, vector<1x16xf32>,
        %get3A_86 = vector.shape_cast %get3A_85 : vector<1x16xf32> to vector<16xf32>
        %add3A_87 = arith.addf %get3A_82, %get3A_86 : vector<16xf32>
        %ge3A = arith.constant 0.000000e+00 : f32
        %ge3A_88 = vector.broadcast %ge3A : f32 to vector<16xf32>
        %ge3A_89 = arith.cmpf oge, %add3A_78, %ge3A_88 : vector<16xf32>
        %mul3A_90 = arith.constant 0.00999999977 : f32
        %mul3A_91 = vector.broadcast %mul3A_90 : f32 to vector<16xf32>
        %mul3A_92 = arith.mulf %add3A_78, %mul3A_91 : vector<16xf32>
        %select_n3A = arith.select %ge3A_89, %add3A_78, %mul3A_92 : vector<16xi1>, vector<16xf32>
        %ge3A_93 = arith.constant 0.000000e+00 : f32
        %ge3A_94 = vector.broadcast %ge3A_93 : f32 to vector<16xf32>
        %ge3A_95 = arith.cmpf oge, %add3A_87, %ge3A_94 : vector<16xf32>
        %mul3A_96 = arith.constant 0.00999999977 : f32
        %mul3A_97 = vector.broadcast %mul3A_96 : f32 to vector<16xf32>
        %mul3A_98 = arith.mulf %add3A_87, %mul3A_97 : vector<16xf32>
        %select_n3A_99 = arith.select %ge3A_95, %add3A_87, %mul3A_98 : vector<16xi1>, vector<16xf32>
        %mul3A_100 = arith.mulf %select_n3A, %get3A_4 : vector<16xf32>
        %mul3A_101 = arith.mulf %select_n3A_99, %get3A_7 : vector<16xf32>
        %add3A_102 = arith.addf %mul3A_100, %mul3A_101 : vector<16xf32>
        %swap3A = arith.constant 0 : index
        %swap3A_103 = tpu.vector_load %arg19[%swap3A] {strides = array<i32>} : memref<128xf32, #tpu.memory_space<vmem>>, vector<16xf32>,
        %swap3A_104 = vector.shape_cast %swap3A_103 : vector<16xf32> to vector<16xf32>
        %swap3A_105 = vector.shape_cast %add3A_102 : vector<16xf32> to vector<16xf32>
        tpu.vector_store %arg19[%swap3A], %swap3A_105 {strides = array<i32>} : memref<128xf32, #tpu.memory_space<vmem>>, vector<16xf32>,
        %get3A_106 = arith.index_cast %scan3A_69 : i32 to index
        %get3A_107 = arith.constant 32 : index
        %get3A_108 = tpu.vector_load %arg12[%get3A_106, %get3A_107] {strides = array<i32>} : memref<80x128xf32, #tpu.memory_space<vmem>>, vector<1x16xf32>,
        %get3A_109 = vector.shape_cast %get3A_108 : vector<1x16xf32> to vector<16xf32>
        %get3A_110 = arith.index_cast %scan3A_69 : i32 to index
        %get3A_111 = arith.constant 32 : index
        %get3A_112 = tpu.vector_load %arg13[%get3A_110, %get3A_111] {strides = array<i32>} : memref<80x128xf32, #tpu.memory_space<vmem>>, vector<1x16xf32>,
        %get3A_113 = vector.shape_cast %get3A_112 : vector<1x16xf32> to vector<16xf32>
        %add3A_114 = arith.addf %get3A_109, %get3A_113 : vector<16xf32>
        %get3A_115 = arith.index_cast %scan3A_69 : i32 to index
        %get3A_116 = arith.constant 48 : index
        %get3A_117 = tpu.vector_load %arg12[%get3A_115, %get3A_116] {strides = array<i32>} : memref<80x128xf32, #tpu.memory_space<vmem>>, vector<1x16xf32>,
        %get3A_118 = vector.shape_cast %get3A_117 : vector<1x16xf32> to vector<16xf32>
        %get3A_119 = arith.index_cast %scan3A_69 : i32 to index
        %get3A_120 = arith.constant 48 : index
        %get3A_121 = tpu.vector_load %arg13[%get3A_119, %get3A_120] {strides = array<i32>} : memref<80x128xf32, #tpu.memory_space<vmem>>, vector<1x16xf32>,
        %get3A_122 = vector.shape_cast %get3A_121 : vector<1x16xf32> to vector<16xf32>
        %add3A_123 = arith.addf %get3A_118, %get3A_122 : vector<16xf32>
        %ge3A_124 = arith.constant 0.000000e+00 : f32
        %ge3A_125 = vector.broadcast %ge3A_124 : f32 to vector<16xf32>
        %ge3A_126 = arith.cmpf oge, %add3A_114, %ge3A_125 : vector<16xf32>
        %mul3A_127 = arith.constant 0.00999999977 : f32
        %mul3A_128 = vector.broadcast %mul3A_127 : f32 to vector<16xf32>
        %mul3A_129 = arith.mulf %add3A_114, %mul3A_128 : vector<16xf32>
        %select_n3A_130 = arith.select %ge3A_126, %add3A_114, %mul3A_129 : vector<16xi1>, vector<16xf32>
        %ge3A_131 = arith.constant 0.000000e+00 : f32
        %ge3A_132 = vector.broadcast %ge3A_131 : f32 to vector<16xf32>
        %ge3A_133 = arith.cmpf oge, %add3A_123, %ge3A_132 : vector<16xf32>
        %mul3A_134 = arith.constant 0.00999999977 : f32
        %mul3A_135 = vector.broadcast %mul3A_134 : f32 to vector<16xf32>
        %mul3A_136 = arith.mulf %add3A_123, %mul3A_135 : vector<16xf32>
        %select_n3A_137 = arith.select %ge3A_133, %add3A_123, %mul3A_136 : vector<16xi1>, vector<16xf32>
        %mul3A_138 = arith.mulf %select_n3A_130, %get3A_4 : vector<16xf32>
        %mul3A_139 = arith.mulf %select_n3A_137, %get3A_7 : vector<16xf32>
        %add3A_140 = arith.addf %mul3A_138, %mul3A_139 : vector<16xf32>
        %swap3A_141 = arith.constant 32 : index
        %swap3A_142 = tpu.vector_load %arg19[%swap3A_141] {strides = array<i32>} : memref<128xf32, #tpu.memory_space<vmem>>, vector<16xf32>,
        %swap3A_143 = vector.shape_cast %swap3A_142 : vector<16xf32> to vector<16xf32>
        %swap3A_144 = vector.shape_cast %add3A_140 : vector<16xf32> to vector<16xf32>
        tpu.vector_store %arg19[%swap3A_141], %swap3A_144 {strides = array<i32>} : memref<128xf32, #tpu.memory_space<vmem>>, vector<16xf32>,
        %get3A_145 = arith.index_cast %scan3A_69 : i32 to index
        %get3A_146 = arith.constant 64 : index
        %get3A_147 = tpu.vector_load %arg12[%get3A_145, %get3A_146] {strides = array<i32>} : memref<80x128xf32, #tpu.memory_space<vmem>>, vector<1x16xf32>,
        %get3A_148 = vector.shape_cast %get3A_147 : vector<1x16xf32> to vector<16xf32>
        %get3A_149 = arith.index_cast %scan3A_69 : i32 to index
        %get3A_150 = arith.constant 64 : index
        %get3A_151 = tpu.vector_load %arg13[%get3A_149, %get3A_150] {strides = array<i32>} : memref<80x128xf32, #tpu.memory_space<vmem>>, vector<1x16xf32>,
        %get3A_152 = vector.shape_cast %get3A_151 : vector<1x16xf32> to vector<16xf32>
        %add3A_153 = arith.addf %get3A_148, %get3A_152 : vector<16xf32>
        %get3A_154 = arith.index_cast %scan3A_69 : i32 to index
        %get3A_155 = arith.constant 80 : index
        %get3A_156 = tpu.vector_load %arg12[%get3A_154, %get3A_155] {strides = array<i32>} : memref<80x128xf32, #tpu.memory_space<vmem>>, vector<1x16xf32>,
        %get3A_157 = vector.shape_cast %get3A_156 : vector<1x16xf32> to vector<16xf32>
        %get3A_158 = arith.index_cast %scan3A_69 : i32 to index
        %get3A_159 = arith.constant 80 : index
        %get3A_160 = tpu.vector_load %arg13[%get3A_158, %get3A_159] {strides = array<i32>} : memref<80x128xf32, #tpu.memory_space<vmem>>, vector<1x16xf32>,
        %get3A_161 = vector.shape_cast %get3A_160 : vector<1x16xf32> to vector<16xf32>
        %add3A_162 = arith.addf %get3A_157, %get3A_161 : vector<16xf32>
        %ge3A_163 = arith.constant 0.000000e+00 : f32
        %ge3A_164 = vector.broadcast %ge3A_163 : f32 to vector<16xf32>
        %ge3A_165 = arith.cmpf oge, %add3A_153, %ge3A_164 : vector<16xf32>
        %mul3A_166 = arith.constant 0.00999999977 : f32
        %mul3A_167 = vector.broadcast %mul3A_166 : f32 to vector<16xf32>
        %mul3A_168 = arith.mulf %add3A_153, %mul3A_167 : vector<16xf32>
        %select_n3A_169 = arith.select %ge3A_165, %add3A_153, %mul3A_168 : vector<16xi1>, vector<16xf32>
        %ge3A_170 = arith.constant 0.000000e+00 : f32
        %ge3A_171 = vector.broadcast %ge3A_170 : f32 to vector<16xf32>
        %ge3A_172 = arith.cmpf oge, %add3A_162, %ge3A_171 : vector<16xf32>
        %mul3A_173 = arith.constant 0.00999999977 : f32
        %mul3A_174 = vector.broadcast %mul3A_173 : f32 to vector<16xf32>
        %mul3A_175 = arith.mulf %add3A_162, %mul3A_174 : vector<16xf32>
        %select_n3A_176 = arith.select %ge3A_172, %add3A_162, %mul3A_175 : vector<16xi1>, vector<16xf32>
        %mul3A_177 = arith.mulf %select_n3A_169, %get3A_4 : vector<16xf32>
        %mul3A_178 = arith.mulf %select_n3A_176, %get3A_7 : vector<16xf32>
        %add3A_179 = arith.addf %mul3A_177, %mul3A_178 : vector<16xf32>
        %swap3A_180 = arith.constant 64 : index
        %swap3A_181 = tpu.vector_load %arg19[%swap3A_180] {strides = array<i32>} : memref<128xf32, #tpu.memory_space<vmem>>, vector<16xf32>,
        %swap3A_182 = vector.shape_cast %swap3A_181 : vector<16xf32> to vector<16xf32>
        %swap3A_183 = vector.shape_cast %add3A_179 : vector<16xf32> to vector<16xf32>
        tpu.vector_store %arg19[%swap3A_180], %swap3A_183 {strides = array<i32>} : memref<128xf32, #tpu.memory_space<vmem>>, vector<16xf32>,
        %get3A_184 = arith.index_cast %scan3A_69 : i32 to index
        %get3A_185 = arith.constant 96 : index
        %get3A_186 = tpu.vector_load %arg12[%get3A_184, %get3A_185] {strides = array<i32>} : memref<80x128xf32, #tpu.memory_space<vmem>>, vector<1x16xf32>,
        %get3A_187 = vector.shape_cast %get3A_186 : vector<1x16xf32> to vector<16xf32>
        %get3A_188 = arith.index_cast %scan3A_69 : i32 to index
        %get3A_189 = arith.constant 96 : index
        %get3A_190 = tpu.vector_load %arg13[%get3A_188, %get3A_189] {strides = array<i32>} : memref<80x128xf32, #tpu.memory_space<vmem>>, vector<1x16xf32>,
        %get3A_191 = vector.shape_cast %get3A_190 : vector<1x16xf32> to vector<16xf32>
        %add3A_192 = arith.addf %get3A_187, %get3A_191 : vector<16xf32>
        %get3A_193 = arith.index_cast %scan3A_69 : i32 to index
        %get3A_194 = arith.constant 112 : index
        %get3A_195 = tpu.vector_load %arg12[%get3A_193, %get3A_194] {strides = array<i32>} : memref<80x128xf32, #tpu.memory_space<vmem>>, vector<1x16xf32>,
        %get3A_196 = vector.shape_cast %get3A_195 : vector<1x16xf32> to vector<16xf32>
        %get3A_197 = arith.index_cast %scan3A_69 : i32 to index
        %get3A_198 = arith.constant 112 : index
        %get3A_199 = tpu.vector_load %arg13[%get3A_197, %get3A_198] {strides = array<i32>} : memref<80x128xf32, #tpu.memory_space<vmem>>, vector<1x16xf32>,
        %get3A_200 = vector.shape_cast %get3A_199 : vector<1x16xf32> to vector<16xf32>
        %add3A_201 = arith.addf %get3A_196, %get3A_200 : vector<16xf32>
        %ge3A_202 = arith.constant 0.000000e+00 : f32
        %ge3A_203 = vector.broadcast %ge3A_202 : f32 to vector<16xf32>
        %ge3A_204 = arith.cmpf oge, %add3A_192, %ge3A_203 : vector<16xf32>
        %mul3A_205 = arith.constant 0.00999999977 : f32
        %mul3A_206 = vector.broadcast %mul3A_205 : f32 to vector<16xf32>
        %mul3A_207 = arith.mulf %add3A_192, %mul3A_206 : vector<16xf32>
        %select_n3A_208 = arith.select %ge3A_204, %add3A_192, %mul3A_207 : vector<16xi1>, vector<16xf32>
        %ge3A_209 = arith.constant 0.000000e+00 : f32
        %ge3A_210 = vector.broadcast %ge3A_209 : f32 to vector<16xf32>
        %ge3A_211 = arith.cmpf oge, %add3A_201, %ge3A_210 : vector<16xf32>
        %mul3A_212 = arith.constant 0.00999999977 : f32
        %mul3A_213 = vector.broadcast %mul3A_212 : f32 to vector<16xf32>
        %mul3A_214 = arith.mulf %add3A_201, %mul3A_213 : vector<16xf32>
        %select_n3A_215 = arith.select %ge3A_211, %add3A_201, %mul3A_214 : vector<16xi1>, vector<16xf32>
        %mul3A_216 = arith.mulf %select_n3A_208, %get3A_4 : vector<16xf32>
        %mul3A_217 = arith.mulf %select_n3A_215, %get3A_7 : vector<16xf32>
        %add3A_218 = arith.addf %mul3A_216, %mul3A_217 : vector<16xf32>
        %swap3A_219 = arith.constant 96 : index
        %swap3A_220 = tpu.vector_load %arg19[%swap3A_219] {strides = array<i32>} : memref<128xf32, #tpu.memory_space<vmem>>, vector<16xf32>,
        %swap3A_221 = vector.shape_cast %swap3A_220 : vector<16xf32> to vector<16xf32>
        %swap3A_222 = vector.shape_cast %add3A_218 : vector<16xf32> to vector<16xf32>
        tpu.vector_store %arg19[%swap3A_219], %swap3A_222 {strides = array<i32>} : memref<128xf32, #tpu.memory_space<vmem>>, vector<16xf32>,
        %get3A_223 = arith.constant 8 : index
        %get3A_224 = tpu.vector_load %arg19[%get3A_223] {strides = array<i32>} : memref<128xf32, #tpu.memory_space<vmem>>, vector<16xf32>,
        %get3A_225 = vector.shape_cast %get3A_224 : vector<16xf32> to vector<16xf32>
        %add3A_226 = arith.addf %add3A_102, %get3A_225 : vector<16xf32>
        %swap3A_227 = arith.constant 0 : index
        %swap3A_228 = tpu.vector_load %arg19[%swap3A_227] {strides = array<i32>} : memref<128xf32, #tpu.memory_space<vmem>>, vector<16xf32>,
        %swap3A_229 = vector.shape_cast %swap3A_228 : vector<16xf32> to vector<16xf32>
        %swap3A_230 = vector.shape_cast %add3A_226 : vector<16xf32> to vector<16xf32>
        tpu.vector_store %arg19[%swap3A_227], %swap3A_230 {strides = array<i32>} : memref<128xf32, #tpu.memory_space<vmem>>, vector<16xf32>,
        %get3A_231 = arith.constant 40 : index
        %get3A_232 = tpu.vector_load %arg19[%get3A_231] {strides = array<i32>} : memref<128xf32, #tpu.memory_space<vmem>>, vector<16xf32>,
        %get3A_233 = vector.shape_cast %get3A_232 : vector<16xf32> to vector<16xf32>
        %add3A_234 = arith.addf %add3A_140, %get3A_233 : vector<16xf32>
        %swap3A_235 = arith.constant 32 : index
        %swap3A_236 = tpu.vector_load %arg19[%swap3A_235] {strides = array<i32>} : memref<128xf32, #tpu.memory_space<vmem>>, vector<16xf32>,
        %swap3A_237 = vector.shape_cast %swap3A_236 : vector<16xf32> to vector<16xf32>
        %swap3A_238 = vector.shape_cast %add3A_234 : vector<16xf32> to vector<16xf32>
        tpu.vector_store %arg19[%swap3A_235], %swap3A_238 {strides = array<i32>} : memref<128xf32, #tpu.memory_space<vmem>>, vector<16xf32>,
        %get3A_239 = arith.constant 72 : index
        %get3A_240 = tpu.vector_load %arg19[%get3A_239] {strides = array<i32>} : memref<128xf32, #tpu.memory_space<vmem>>, vector<16xf32>,
        %get3A_241 = vector.shape_cast %get3A_240 : vector<16xf32> to vector<16xf32>
        %add3A_242 = arith.addf %add3A_179, %get3A_241 : vector<16xf32>
        %swap3A_243 = arith.constant 64 : index
        %swap3A_244 = tpu.vector_load %arg19[%swap3A_243] {strides = array<i32>} : memref<128xf32, #tpu.memory_space<vmem>>, vector<16xf32>,
        %swap3A_245 = vector.shape_cast %swap3A_244 : vector<16xf32> to vector<16xf32>
        %swap3A_246 = vector.shape_cast %add3A_242 : vector<16xf32> to vector<16xf32>
        tpu.vector_store %arg19[%swap3A_243], %swap3A_246 {strides = array<i32>} : memref<128xf32, #tpu.memory_space<vmem>>, vector<16xf32>,
        %get3A_247 = arith.constant 104 : index
        %get3A_248 = tpu.vector_load %arg19[%get3A_247] {strides = array<i32>} : memref<128xf32, #tpu.memory_space<vmem>>, vector<16xf32>,
        %get3A_249 = vector.shape_cast %get3A_248 : vector<16xf32> to vector<16xf32>
        %add3A_250 = arith.addf %add3A_218, %get3A_249 : vector<16xf32>
        %swap3A_251 = arith.constant 96 : index
        %swap3A_252 = tpu.vector_load %arg19[%swap3A_251] {strides = array<i32>} : memref<128xf32, #tpu.memory_space<vmem>>, vector<16xf32>,
        %swap3A_253 = vector.shape_cast %swap3A_252 : vector<16xf32> to vector<16xf32>
        %swap3A_254 = vector.shape_cast %add3A_250 : vector<16xf32> to vector<16xf32>
        tpu.vector_store %arg19[%swap3A_251], %swap3A_254 {strides = array<i32>} : memref<128xf32, #tpu.memory_space<vmem>>, vector<16xf32>,
        %get3A_255 = arith.constant 4 : index
        %get3A_256 = tpu.vector_load %arg19[%get3A_255] {strides = array<i32>} : memref<128xf32, #tpu.memory_space<vmem>>, vector<16xf32>,
        %get3A_257 = vector.shape_cast %get3A_256 : vector<16xf32> to vector<16xf32>
        %add3A_258 = arith.addf %add3A_226, %get3A_257 : vector<16xf32>
        %swap3A_259 = arith.constant 0 : index
        %swap3A_260 = tpu.vector_load %arg19[%swap3A_259] {strides = array<i32>} : memref<128xf32, #tpu.memory_space<vmem>>, vector<16xf32>,
        %swap3A_261 = vector.shape_cast %swap3A_260 : vector<16xf32> to vector<16xf32>
        %swap3A_262 = vector.shape_cast %add3A_258 : vector<16xf32> to vector<16xf32>
        tpu.vector_store %arg19[%swap3A_259], %swap3A_262 {strides = array<i32>} : memref<128xf32, #tpu.memory_space<vmem>>, vector<16xf32>,
        %get3A_263 = arith.constant 36 : index
        %get3A_264 = tpu.vector_load %arg19[%get3A_263] {strides = array<i32>} : memref<128xf32, #tpu.memory_space<vmem>>, vector<16xf32>,
        %get3A_265 = vector.shape_cast %get3A_264 : vector<16xf32> to vector<16xf32>
        %add3A_266 = arith.addf %add3A_234, %get3A_265 : vector<16xf32>
        %swap3A_267 = arith.constant 32 : index
        %swap3A_268 = tpu.vector_load %arg19[%swap3A_267] {strides = array<i32>} : memref<128xf32, #tpu.memory_space<vmem>>, vector<16xf32>,
        %swap3A_269 = vector.shape_cast %swap3A_268 : vector<16xf32> to vector<16xf32>
        %swap3A_270 = vector.shape_cast %add3A_266 : vector<16xf32> to vector<16xf32>
        tpu.vector_store %arg19[%swap3A_267], %swap3A_270 {strides = array<i32>} : memref<128xf32, #tpu.memory_space<vmem>>, vector<16xf32>,
        %get3A_271 = arith.constant 68 : index
        %get3A_272 = tpu.vector_load %arg19[%get3A_271] {strides = array<i32>} : memref<128xf32, #tpu.memory_space<vmem>>, vector<16xf32>,
        %get3A_273 = vector.shape_cast %get3A_272 : vector<16xf32> to vector<16xf32>
        %add3A_274 = arith.addf %add3A_242, %get3A_273 : vector<16xf32>
        %swap3A_275 = arith.constant 64 : index
        %swap3A_276 = tpu.vector_load %arg19[%swap3A_275] {strides = array<i32>} : memref<128xf32, #tpu.memory_space<vmem>>, vector<16xf32>,
        %swap3A_277 = vector.shape_cast %swap3A_276 : vector<16xf32> to vector<16xf32>
        %swap3A_278 = vector.shape_cast %add3A_274 : vector<16xf32> to vector<16xf32>
        tpu.vector_store %arg19[%swap3A_275], %swap3A_278 {strides = array<i32>} : memref<128xf32, #tpu.memory_space<vmem>>, vector<16xf32>,
        %get3A_279 = arith.constant 100 : index
        %get3A_280 = tpu.vector_load %arg19[%get3A_279] {strides = array<i32>} : memref<128xf32, #tpu.memory_space<vmem>>, vector<16xf32>,
        %get3A_281 = vector.shape_cast %get3A_280 : vector<16xf32> to vector<16xf32>
        %add3A_282 = arith.addf %add3A_250, %get3A_281 : vector<16xf32>
        %swap3A_283 = arith.constant 96 : index
        %swap3A_284 = tpu.vector_load %arg19[%swap3A_283] {strides = array<i32>} : memref<128xf32, #tpu.memory_space<vmem>>, vector<16xf32>,
        %swap3A_285 = vector.shape_cast %swap3A_284 : vector<16xf32> to vector<16xf32>
        %swap3A_286 = vector.shape_cast %add3A_282 : vector<16xf32> to vector<16xf32>
        tpu.vector_store %arg19[%swap3A_283], %swap3A_286 {strides = array<i32>} : memref<128xf32, #tpu.memory_space<vmem>>, vector<16xf32>,
        %get3A_287 = arith.constant 2 : index
        %get3A_288 = tpu.vector_load %arg19[%get3A_287] {strides = array<i32>} : memref<128xf32, #tpu.memory_space<vmem>>, vector<16xf32>,
        %get3A_289 = vector.shape_cast %get3A_288 : vector<16xf32> to vector<16xf32>
        %add3A_290 = arith.addf %add3A_258, %get3A_289 : vector<16xf32>
        %swap3A_291 = arith.constant 0 : index
        %swap3A_292 = tpu.vector_load %arg19[%swap3A_291] {strides = array<i32>} : memref<128xf32, #tpu.memory_space<vmem>>, vector<16xf32>,
        %swap3A_293 = vector.shape_cast %swap3A_292 : vector<16xf32> to vector<16xf32>
        %swap3A_294 = vector.shape_cast %add3A_290 : vector<16xf32> to vector<16xf32>
        tpu.vector_store %arg19[%swap3A_291], %swap3A_294 {strides = array<i32>} : memref<128xf32, #tpu.memory_space<vmem>>, vector<16xf32>,
        %get3A_295 = arith.constant 34 : index
        %get3A_296 = tpu.vector_load %arg19[%get3A_295] {strides = array<i32>} : memref<128xf32, #tpu.memory_space<vmem>>, vector<16xf32>,
        %get3A_297 = vector.shape_cast %get3A_296 : vector<16xf32> to vector<16xf32>
        %add3A_298 = arith.addf %add3A_266, %get3A_297 : vector<16xf32>
        %swap3A_299 = arith.constant 32 : index
        %swap3A_300 = tpu.vector_load %arg19[%swap3A_299] {strides = array<i32>} : memref<128xf32, #tpu.memory_space<vmem>>, vector<16xf32>,
        %swap3A_301 = vector.shape_cast %swap3A_300 : vector<16xf32> to vector<16xf32>
        %swap3A_302 = vector.shape_cast %add3A_298 : vector<16xf32> to vector<16xf32>
        tpu.vector_store %arg19[%swap3A_299], %swap3A_302 {strides = array<i32>} : memref<128xf32, #tpu.memory_space<vmem>>, vector<16xf32>,
        %get3A_303 = arith.constant 66 : index
        %get3A_304 = tpu.vector_load %arg19[%get3A_303] {strides = array<i32>} : memref<128xf32, #tpu.memory_space<vmem>>, vector<16xf32>,
        %get3A_305 = vector.shape_cast %get3A_304 : vector<16xf32> to vector<16xf32>
        %add3A_306 = arith.addf %add3A_274, %get3A_305 : vector<16xf32>
        %swap3A_307 = arith.constant 64 : index
        %swap3A_308 = tpu.vector_load %arg19[%swap3A_307] {strides = array<i32>} : memref<128xf32, #tpu.memory_space<vmem>>, vector<16xf32>,
        %swap3A_309 = vector.shape_cast %swap3A_308 : vector<16xf32> to vector<16xf32>
        %swap3A_310 = vector.shape_cast %add3A_306 : vector<16xf32> to vector<16xf32>
        tpu.vector_store %arg19[%swap3A_307], %swap3A_310 {strides = array<i32>} : memref<128xf32, #tpu.memory_space<vmem>>, vector<16xf32>,
        %get3A_311 = arith.constant 98 : index
        %get3A_312 = tpu.vector_load %arg19[%get3A_311] {strides = array<i32>} : memref<128xf32, #tpu.memory_space<vmem>>, vector<16xf32>,
        %get3A_313 = vector.shape_cast %get3A_312 : vector<16xf32> to vector<16xf32>
        %add3A_314 = arith.addf %add3A_282, %get3A_313 : vector<16xf32>
        %swap3A_315 = arith.constant 96 : index
        %swap3A_316 = tpu.vector_load %arg19[%swap3A_315] {strides = array<i32>} : memref<128xf32, #tpu.memory_space<vmem>>, vector<16xf32>,
        %swap3A_317 = vector.shape_cast %swap3A_316 : vector<16xf32> to vector<16xf32>
        %swap3A_318 = vector.shape_cast %add3A_314 : vector<16xf32> to vector<16xf32>
        tpu.vector_store %arg19[%swap3A_315], %swap3A_318 {strides = array<i32>} : memref<128xf32, #tpu.memory_space<vmem>>, vector<16xf32>,
        %get3A_319 = arith.constant 1 : index
        %get3A_320 = tpu.vector_load %arg19[%get3A_319] {strides = array<i32>} : memref<128xf32, #tpu.memory_space<vmem>>, vector<16xf32>,
        %get3A_321 = vector.shape_cast %get3A_320 : vector<16xf32> to vector<16xf32>
        %add3A_322 = arith.addf %add3A_290, %get3A_321 : vector<16xf32>
        %get3A_323 = arith.constant 33 : index
        %get3A_324 = tpu.vector_load %arg19[%get3A_323] {strides = array<i32>} : memref<128xf32, #tpu.memory_space<vmem>>, vector<16xf32>,
        %get3A_325 = vector.shape_cast %get3A_324 : vector<16xf32> to vector<16xf32>
        %add3A_326 = arith.addf %add3A_298, %get3A_325 : vector<16xf32>
        %get3A_327 = arith.constant 65 : index
        %get3A_328 = tpu.vector_load %arg19[%get3A_327] {strides = array<i32>} : memref<128xf32, #tpu.memory_space<vmem>>, vector<16xf32>,
        %get3A_329 = vector.shape_cast %get3A_328 : vector<16xf32> to vector<16xf32>
        %add3A_330 = arith.addf %add3A_306, %get3A_329 : vector<16xf32>
        %get3A_331 = arith.constant 97 : index
        %get3A_332 = tpu.vector_load %arg19[%get3A_331] {strides = array<i32>} : memref<128xf32, #tpu.memory_space<vmem>>, vector<16xf32>,
        %get3A_333 = vector.shape_cast %get3A_332 : vector<16xf32> to vector<16xf32>
        %add3A_334 = arith.addf %add3A_314, %get3A_333 : vector<16xf32>
        %slice3A = vector.extract_strided_slice %add3A_322 {offsets = [0], sizes = [1], strides = [1]} : vector<16xf32> to vector<1xf32>
        %squeeze3A = vector.extract %slice3A[0] : f32 from vector<1xf32>
        %mul3A_335 = vector.broadcast %squeeze3A : f32 to vector<16xf32>
        %mul3A_336 = arith.mulf %broadcast_in_dim3A_2, %mul3A_335 : vector<16xf32>
        %exp3A = math.exp %mul3A_336 : vector<16xf32>
        %eq3A = arith.constant 0 : i32
        %eq3A_337 = vector.broadcast %eq3A : i32 to vector<16xi32>
        %eq3A_338 = arith.cmpi eq, %iota3A, %eq3A_337 : vector<16xi32>
        %select_n3A_339 = arith.select %eq3A_338, %exp3A, %broadcast_in_dim3A_0 : vector<16xi1>, vector<16xf32>
        %slice3A_340 = vector.extract_strided_slice %add3A_326 {offsets = [0], sizes = [1], strides = [1]} : vector<16xf32> to vector<1xf32>
        %squeeze3A_341 = vector.extract %slice3A_340[0] : f32 from vector<1xf32>
        %mul3A_342 = vector.broadcast %squeeze3A_341 : f32 to vector<16xf32>
        %mul3A_343 = arith.mulf %broadcast_in_dim3A_2, %mul3A_342 : vector<16xf32>
        %exp3A_344 = math.exp %mul3A_343 : vector<16xf32>
        %eq3A_345 = arith.constant 1 : i32
        %eq3A_346 = vector.broadcast %eq3A_345 : i32 to vector<16xi32>
        %eq3A_347 = arith.cmpi eq, %iota3A, %eq3A_346 : vector<16xi32>
        %select_n3A_348 = arith.select %eq3A_347, %exp3A_344, %select_n3A_339 : vector<16xi1>, vector<16xf32>
        %slice3A_349 = vector.extract_strided_slice %add3A_330 {offsets = [0], sizes = [1], strides = [1]} : vector<16xf32> to vector<1xf32>
        %squeeze3A_350 = vector.extract %slice3A_349[0] : f32 from vector<1xf32>
        %mul3A_351 = vector.broadcast %squeeze3A_350 : f32 to vector<16xf32>
        %mul3A_352 = arith.mulf %broadcast_in_dim3A_2, %mul3A_351 : vector<16xf32>
        %exp3A_353 = math.exp %mul3A_352 : vector<16xf32>
        %eq3A_354 = arith.constant 2 : i32
        %eq3A_355 = vector.broadcast %eq3A_354 : i32 to vector<16xi32>
        %eq3A_356 = arith.cmpi eq, %iota3A, %eq3A_355 : vector<16xi32>
        %select_n3A_357 = arith.select %eq3A_356, %exp3A_353, %select_n3A_348 : vector<16xi1>, vector<16xf32>
        %slice3A_358 = vector.extract_strided_slice %add3A_334 {offsets = [0], sizes = [1], strides = [1]} : vector<16xf32> to vector<1xf32>
        %squeeze3A_359 = vector.extract %slice3A_358[0] : f32 from vector<1xf32>
        %mul3A_360 = vector.broadcast %squeeze3A_359 : f32 to vector<16xf32>
        %mul3A_361 = arith.mulf %broadcast_in_dim3A_2, %mul3A_360 : vector<16xf32>
        %exp3A_362 = math.exp %mul3A_361 : vector<16xf32>
        %eq3A_363 = arith.constant 3 : i32
        %eq3A_364 = vector.broadcast %eq3A_363 : i32 to vector<16xi32>
        %eq3A_365 = arith.cmpi eq, %iota3A, %eq3A_364 : vector<16xi32>
        %select_n3A_366 = arith.select %eq3A_365, %exp3A_362, %select_n3A_357 : vector<16xi1>, vector<16xf32>
        %swap3A_367 = arith.index_cast %scan3A_69 : i32 to index
        %swap3A_368 = arith.constant 0 : index
        %swap3A_369 = tpu.vector_load %arg14[%swap3A_367, %swap3A_368] {strides = array<i32>} : memref<80x128xf32, #tpu.memory_space<vmem>>, vector<1x16xf32>,
        %swap3A_370 = vector.shape_cast %swap3A_369 : vector<1x16xf32> to vector<16xf32>
        %swap3A_371 = vector.shape_cast %select_n3A_366 : vector<16xf32> to vector<1x16xf32>
        tpu.vector_store %arg14[%swap3A_367, %swap3A_368], %swap3A_371 {strides = array<i32>} : memref<80x128xf32, #tpu.memory_space<vmem>>, vector<1x16xf32>,
        %swap3A_372 = arith.index_cast %scan3A_69 : i32 to index
        %swap3A_373 = arith.constant 0 : index
        %swap3A_374 = tpu.vector_load %arg15[%swap3A_372, %swap3A_373] {strides = array<i32>} : memref<80x16xf32, #tpu.memory_space<vmem>>, vector<1x16xf32>,
        %swap3A_375 = vector.shape_cast %swap3A_374 : vector<1x16xf32> to vector<16xf32>
        %swap3A_376 = vector.shape_cast %select_n3A_366 : vector<16xf32> to vector<1x16xf32>
        tpu.vector_store %arg15[%swap3A_372, %swap3A_373], %swap3A_376 {strides = array<i32>} : memref<80x16xf32, #tpu.memory_space<vmem>>, vector<1x16xf32>,
      }
      %scan3A_65 = arith.constant 80 : i32
      %mul3A_66 = arith.constant 160000 : i32
      %mul3A_67 = arith.muli %arg0, %mul3A_66 : i32
      %add3A_68 = arith.addi %mul3A_67, %mul3A_41 : i32
      "tpu.region"() ({
        %run_scoped3A = tpu.sem_alloc : memref<!tpu.dma_semaphore, #tpu.memory_space<semaphore_mem>>
        %dma_start3A_69 = arith.constant 0 : i32
        %dma_start3A_70 = tpu.memref_slice %arg7[%add3A_68, %dma_start3A_69] : memref<320000x16xf32, #tpu.memory_space<hbm>> -> memref<80x16xf32, #tpu.memory_space<hbm>>
        %dma_start3A_71 = arith.constant 0 : i32
        %dma_start3A_72 = tpu.memref_slice %arg7[%add3A_68, %dma_start3A_71] : memref<320000x16xf32, #tpu.memory_space<hbm>> -> memref<80x16xf32, #tpu.memory_space<hbm>>
        tpu.enqueue_dma source(%arg15 : memref<80x16xf32, #tpu.memory_space<vmem>>) target(%dma_start3A_72 : memref<80x16xf32, #tpu.memory_space<hbm>>) target_semaphore(%run_scoped3A : memref<!tpu.dma_semaphore, #tpu.memory_space<semaphore_mem>>)
        %dma_wait3A_73 = arith.constant 0 : i32
        %dma_wait3A_74 = tpu.memref_slice %arg7[%add3A_68, %dma_wait3A_73] : memref<320000x16xf32, #tpu.memory_space<hbm>> -> memref<80x16xf32, #tpu.memory_space<hbm>>
        %dma_wait3A_75 = arith.constant 0 : i32
        %dma_wait3A_76 = tpu.memref_slice %arg7[%add3A_68, %dma_wait3A_75] : memref<320000x16xf32, #tpu.memory_space<hbm>> -> memref<80x16xf32, #tpu.memory_space<hbm>>
        tpu.wait_dma2 semaphore(%run_scoped3A : memref<!tpu.dma_semaphore, #tpu.memory_space<semaphore_mem>>) src(%arg15 : memref<80x16xf32, #tpu.memory_space<vmem>>) dst(%dma_wait3A_76 : memref<80x16xf32, #tpu.memory_space<hbm>>)
        tpu.yield
      }) : () -> ()
      "tpu.region"() ({
        %run_scoped3A = tpu.sem_alloc : memref<!tpu.dma_semaphore, #tpu.memory_space<semaphore_mem>>
        %dma_start3A_69 = arith.constant 0 : i32
        %dma_start3A_70 = arith.constant 0 : i32
        %dma_start3A_71 = tpu.memref_slice %arg20[%dma_start3A_69, %dma_start3A_70] : memref<10240x128xf32, #tpu.memory_space<vmem_shared>> -> memref<10240x128xf32, #tpu.memory_space<vmem_shared>>
        tpu.enqueue_indirect_dma source(%arg14 : memref<80x128xf32, #tpu.memory_space<vmem>>) target(%dma_start3A_71 : memref<10240x128xf32, #tpu.memory_space<vmem_shared>>) offsets(%arg11 : memref<80xi32, #tpu.memory_space<vmem>>) semaphore(%run_scoped3A : memref<!tpu.dma_semaphore, #tpu.memory_space<semaphore_mem>>) {add = true}
        %dma_wait3A_72 = arith.constant 0 : i32
        %dma_wait3A_73 = arith.constant 0 : i32
        %dma_wait3A_74 = tpu.memref_slice %arg20[%dma_wait3A_72, %dma_wait3A_73] : memref<10240x128xf32, #tpu.memory_space<vmem_shared>> -> memref<10240x128xf32, #tpu.memory_space<vmem_shared>>
        tpu.wait_indirect_dma semaphore(%run_scoped3A : memref<!tpu.dma_semaphore, #tpu.memory_space<semaphore_mem>>) src(%arg14 : memref<80x128xf32, #tpu.memory_space<vmem>>) dst(%dma_wait3A_74 : memref<10240x128xf32, #tpu.memory_space<vmem_shared>>)
        tpu.yield
      }) : () -> ()
    }
    %scan3A_30 = arith.constant 125 : i32
    %barrier3A_31 = arith.constant 0 : index
    tpu.barrier barrier_id(%barrier3A_31)
    %scan3A_32 = arith.constant 0 : i32
    %scan3A_33 = arith.constant 0 : i32
    %scan3A_34 = arith.constant 20 : i32
    %scan3A_35 = arith.addi %scan3A_33, %scan3A_34 : i32
    %scan3A_36 = arith.constant 1 : i32
    scf.for %scan3A_38 = %scan3A_33 to %scan3A_35 step %scan3A_36  : i32 {
      %mul3A = arith.constant 640 : i32
      %mul3A_39 = arith.muli %arg1, %mul3A : i32
      %mul3A_40 = arith.constant 32 : i32
      %mul3A_41 = arith.muli %scan3A_38, %mul3A_40 : i32
      %add3A = arith.addi %mul3A_39, %mul3A_41 : i32
      "tpu.region"() ({
        %run_scoped3A = tpu.sem_alloc : memref<!tpu.dma_semaphore, #tpu.memory_space<semaphore_mem>>
        %dma_start3A = arith.constant 0 : i32
        %dma_start3A_336 = tpu.memref_slice %arg20[%add3A, %dma_start3A] : memref<10240x128xf32, #tpu.memory_space<vmem_shared>> -> memref<32x128xf32, #tpu.memory_space<vmem_shared>>
        %dma_start3A_337 = arith.constant 0 : i32
        %dma_start3A_338 = tpu.memref_slice %arg20[%add3A, %dma_start3A_337] : memref<10240x128xf32, #tpu.memory_space<vmem_shared>> -> memref<32x128xf32, #tpu.memory_space<vmem_shared>>
        tpu.enqueue_dma source(%dma_start3A_338 : memref<32x128xf32, #tpu.memory_space<vmem_shared>>) target(%arg16 : memref<32x128xf32, #tpu.memory_space<vmem>>) target_semaphore(%run_scoped3A : memref<!tpu.dma_semaphore, #tpu.memory_space<semaphore_mem>>)
        %dma_wait3A = arith.constant 0 : i32
        %dma_wait3A_339 = tpu.memref_slice %arg20[%add3A, %dma_wait3A] : memref<10240x128xf32, #tpu.memory_space<vmem_shared>> -> memref<32x128xf32, #tpu.memory_space<vmem_shared>>
        %dma_wait3A_340 = arith.constant 0 : i32
        %dma_wait3A_341 = tpu.memref_slice %arg20[%add3A, %dma_wait3A_340] : memref<10240x128xf32, #tpu.memory_space<vmem_shared>> -> memref<32x128xf32, #tpu.memory_space<vmem_shared>>
        tpu.wait_dma2 semaphore(%run_scoped3A : memref<!tpu.dma_semaphore, #tpu.memory_space<semaphore_mem>>) src(%dma_wait3A_341 : memref<32x128xf32, #tpu.memory_space<vmem_shared>>) dst(%arg16 : memref<32x128xf32, #tpu.memory_space<vmem>>)
        tpu.yield
      }) : () -> ()
      %get3A_42 = arith.constant 0 : i32
      %get3A_43 = arith.index_cast %get3A_42 : i32 to index
      %get3A_44 = arith.constant 0 : index
      %get3A_45 = tpu.vector_load %arg16[%get3A_43, %get3A_44] {strides = array<i32>} : memref<32x128xf32, #tpu.memory_space<vmem>>, vector<1x16xf32>,
      %get3A_46 = vector.shape_cast %get3A_45 : vector<1x16xf32> to vector<16xf32>
      %swap3A = arith.constant 0 : index
      %swap3A_47 = tpu.vector_load %arg17[%swap3A] {strides = array<i32>} : memref<256xf32, #tpu.memory_space<vmem>>, vector<16xf32>,
      %swap3A_48 = vector.shape_cast %swap3A_47 : vector<16xf32> to vector<16xf32>
      %swap3A_49 = vector.shape_cast %get3A_46 : vector<16xf32> to vector<16xf32>
      tpu.vector_store %arg17[%swap3A], %swap3A_49 {strides = array<i32>} : memref<256xf32, #tpu.memory_space<vmem>>, vector<16xf32>,
      %get3A_50 = arith.constant 1 : i32
      %get3A_51 = arith.index_cast %get3A_50 : i32 to index
      %get3A_52 = arith.constant 0 : index
      %get3A_53 = tpu.vector_load %arg16[%get3A_51, %get3A_52] {strides = array<i32>} : memref<32x128xf32, #tpu.memory_space<vmem>>, vector<1x16xf32>,
      %get3A_54 = vector.shape_cast %get3A_53 : vector<1x16xf32> to vector<16xf32>
      %swap3A_55 = arith.constant 4 : index
      %swap3A_56 = tpu.vector_load %arg17[%swap3A_55] {strides = array<i32>} : memref<256xf32, #tpu.memory_space<vmem>>, vector<16xf32>,
      %swap3A_57 = vector.shape_cast %swap3A_56 : vector<16xf32> to vector<16xf32>
      %swap3A_58 = vector.shape_cast %get3A_54 : vector<16xf32> to vector<16xf32>
      tpu.vector_store %arg17[%swap3A_55], %swap3A_58 {strides = array<i32>} : memref<256xf32, #tpu.memory_space<vmem>>, vector<16xf32>,
      %get3A_59 = arith.constant 2 : i32
      %get3A_60 = arith.index_cast %get3A_59 : i32 to index
      %get3A_61 = arith.constant 0 : index
      %get3A_62 = tpu.vector_load %arg16[%get3A_60, %get3A_61] {strides = array<i32>} : memref<32x128xf32, #tpu.memory_space<vmem>>, vector<1x16xf32>,
      %get3A_63 = vector.shape_cast %get3A_62 : vector<1x16xf32> to vector<16xf32>
      %swap3A_64 = arith.constant 8 : index
      %swap3A_65 = tpu.vector_load %arg17[%swap3A_64] {strides = array<i32>} : memref<256xf32, #tpu.memory_space<vmem>>, vector<16xf32>,
      %swap3A_66 = vector.shape_cast %swap3A_65 : vector<16xf32> to vector<16xf32>
      %swap3A_67 = vector.shape_cast %get3A_63 : vector<16xf32> to vector<16xf32>
      tpu.vector_store %arg17[%swap3A_64], %swap3A_67 {strides = array<i32>} : memref<256xf32, #tpu.memory_space<vmem>>, vector<16xf32>,
      %get3A_68 = arith.constant 3 : i32
      %get3A_69 = arith.index_cast %get3A_68 : i32 to index
      %get3A_70 = arith.constant 0 : index
      %get3A_71 = tpu.vector_load %arg16[%get3A_69, %get3A_70] {strides = array<i32>} : memref<32x128xf32, #tpu.memory_space<vmem>>, vector<1x16xf32>,
      %get3A_72 = vector.shape_cast %get3A_71 : vector<1x16xf32> to vector<16xf32>
      %swap3A_73 = arith.constant 12 : index
      %swap3A_74 = tpu.vector_load %arg17[%swap3A_73] {strides = array<i32>} : memref<256xf32, #tpu.memory_space<vmem>>, vector<16xf32>,
      %swap3A_75 = vector.shape_cast %swap3A_74 : vector<16xf32> to vector<16xf32>
      %swap3A_76 = vector.shape_cast %get3A_72 : vector<16xf32> to vector<16xf32>
      tpu.vector_store %arg17[%swap3A_73], %swap3A_76 {strides = array<i32>} : memref<256xf32, #tpu.memory_space<vmem>>, vector<16xf32>,
      %get3A_77 = arith.constant 4 : i32
      %get3A_78 = arith.index_cast %get3A_77 : i32 to index
      %get3A_79 = arith.constant 0 : index
      %get3A_80 = tpu.vector_load %arg16[%get3A_78, %get3A_79] {strides = array<i32>} : memref<32x128xf32, #tpu.memory_space<vmem>>, vector<1x16xf32>,
      %get3A_81 = vector.shape_cast %get3A_80 : vector<1x16xf32> to vector<16xf32>
      %swap3A_82 = arith.constant 16 : index
      %swap3A_83 = tpu.vector_load %arg17[%swap3A_82] {strides = array<i32>} : memref<256xf32, #tpu.memory_space<vmem>>, vector<16xf32>,
      %swap3A_84 = vector.shape_cast %swap3A_83 : vector<16xf32> to vector<16xf32>
      %swap3A_85 = vector.shape_cast %get3A_81 : vector<16xf32> to vector<16xf32>
      tpu.vector_store %arg17[%swap3A_82], %swap3A_85 {strides = array<i32>} : memref<256xf32, #tpu.memory_space<vmem>>, vector<16xf32>,
      %get3A_86 = arith.constant 5 : i32
      %get3A_87 = arith.index_cast %get3A_86 : i32 to index
      %get3A_88 = arith.constant 0 : index
      %get3A_89 = tpu.vector_load %arg16[%get3A_87, %get3A_88] {strides = array<i32>} : memref<32x128xf32, #tpu.memory_space<vmem>>, vector<1x16xf32>,
      %get3A_90 = vector.shape_cast %get3A_89 : vector<1x16xf32> to vector<16xf32>
      %swap3A_91 = arith.constant 20 : index
      %swap3A_92 = tpu.vector_load %arg17[%swap3A_91] {strides = array<i32>} : memref<256xf32, #tpu.memory_space<vmem>>, vector<16xf32>,
      %swap3A_93 = vector.shape_cast %swap3A_92 : vector<16xf32> to vector<16xf32>
      %swap3A_94 = vector.shape_cast %get3A_90 : vector<16xf32> to vector<16xf32>
      tpu.vector_store %arg17[%swap3A_91], %swap3A_94 {strides = array<i32>} : memref<256xf32, #tpu.memory_space<vmem>>, vector<16xf32>,
      %get3A_95 = arith.constant 6 : i32
      %get3A_96 = arith.index_cast %get3A_95 : i32 to index
      %get3A_97 = arith.constant 0 : index
      %get3A_98 = tpu.vector_load %arg16[%get3A_96, %get3A_97] {strides = array<i32>} : memref<32x128xf32, #tpu.memory_space<vmem>>, vector<1x16xf32>,
      %get3A_99 = vector.shape_cast %get3A_98 : vector<1x16xf32> to vector<16xf32>
      %swap3A_100 = arith.constant 24 : index
      %swap3A_101 = tpu.vector_load %arg17[%swap3A_100] {strides = array<i32>} : memref<256xf32, #tpu.memory_space<vmem>>, vector<16xf32>,
      %swap3A_102 = vector.shape_cast %swap3A_101 : vector<16xf32> to vector<16xf32>
      %swap3A_103 = vector.shape_cast %get3A_99 : vector<16xf32> to vector<16xf32>
      tpu.vector_store %arg17[%swap3A_100], %swap3A_103 {strides = array<i32>} : memref<256xf32, #tpu.memory_space<vmem>>, vector<16xf32>,
      %get3A_104 = arith.constant 7 : i32
      %get3A_105 = arith.index_cast %get3A_104 : i32 to index
      %get3A_106 = arith.constant 0 : index
      %get3A_107 = tpu.vector_load %arg16[%get3A_105, %get3A_106] {strides = array<i32>} : memref<32x128xf32, #tpu.memory_space<vmem>>, vector<1x16xf32>,
      %get3A_108 = vector.shape_cast %get3A_107 : vector<1x16xf32> to vector<16xf32>
      %swap3A_109 = arith.constant 28 : index
      %swap3A_110 = tpu.vector_load %arg17[%swap3A_109] {strides = array<i32>} : memref<256xf32, #tpu.memory_space<vmem>>, vector<16xf32>,
      %swap3A_111 = vector.shape_cast %swap3A_110 : vector<16xf32> to vector<16xf32>
      %swap3A_112 = vector.shape_cast %get3A_108 : vector<16xf32> to vector<16xf32>
      tpu.vector_store %arg17[%swap3A_109], %swap3A_112 {strides = array<i32>} : memref<256xf32, #tpu.memory_space<vmem>>, vector<16xf32>,
      %get3A_113 = arith.constant 8 : i32
      %get3A_114 = arith.index_cast %get3A_113 : i32 to index
      %get3A_115 = arith.constant 0 : index
      %get3A_116 = tpu.vector_load %arg16[%get3A_114, %get3A_115] {strides = array<i32>} : memref<32x128xf32, #tpu.memory_space<vmem>>, vector<1x16xf32>,
      %get3A_117 = vector.shape_cast %get3A_116 : vector<1x16xf32> to vector<16xf32>
      %swap3A_118 = arith.constant 32 : index
      %swap3A_119 = tpu.vector_load %arg17[%swap3A_118] {strides = array<i32>} : memref<256xf32, #tpu.memory_space<vmem>>, vector<16xf32>,
      %swap3A_120 = vector.shape_cast %swap3A_119 : vector<16xf32> to vector<16xf32>
      %swap3A_121 = vector.shape_cast %get3A_117 : vector<16xf32> to vector<16xf32>
      tpu.vector_store %arg17[%swap3A_118], %swap3A_121 {strides = array<i32>} : memref<256xf32, #tpu.memory_space<vmem>>, vector<16xf32>,
      %get3A_122 = arith.constant 9 : i32
      %get3A_123 = arith.index_cast %get3A_122 : i32 to index
      %get3A_124 = arith.constant 0 : index
      %get3A_125 = tpu.vector_load %arg16[%get3A_123, %get3A_124] {strides = array<i32>} : memref<32x128xf32, #tpu.memory_space<vmem>>, vector<1x16xf32>,
      %get3A_126 = vector.shape_cast %get3A_125 : vector<1x16xf32> to vector<16xf32>
      %swap3A_127 = arith.constant 36 : index
      %swap3A_128 = tpu.vector_load %arg17[%swap3A_127] {strides = array<i32>} : memref<256xf32, #tpu.memory_space<vmem>>, vector<16xf32>,
      %swap3A_129 = vector.shape_cast %swap3A_128 : vector<16xf32> to vector<16xf32>
      %swap3A_130 = vector.shape_cast %get3A_126 : vector<16xf32> to vector<16xf32>
      tpu.vector_store %arg17[%swap3A_127], %swap3A_130 {strides = array<i32>} : memref<256xf32, #tpu.memory_space<vmem>>, vector<16xf32>,
      %get3A_131 = arith.constant 10 : i32
      %get3A_132 = arith.index_cast %get3A_131 : i32 to index
      %get3A_133 = arith.constant 0 : index
      %get3A_134 = tpu.vector_load %arg16[%get3A_132, %get3A_133] {strides = array<i32>} : memref<32x128xf32, #tpu.memory_space<vmem>>, vector<1x16xf32>,
      %get3A_135 = vector.shape_cast %get3A_134 : vector<1x16xf32> to vector<16xf32>
      %swap3A_136 = arith.constant 40 : index
      %swap3A_137 = tpu.vector_load %arg17[%swap3A_136] {strides = array<i32>} : memref<256xf32, #tpu.memory_space<vmem>>, vector<16xf32>,
      %swap3A_138 = vector.shape_cast %swap3A_137 : vector<16xf32> to vector<16xf32>
      %swap3A_139 = vector.shape_cast %get3A_135 : vector<16xf32> to vector<16xf32>
      tpu.vector_store %arg17[%swap3A_136], %swap3A_139 {strides = array<i32>} : memref<256xf32, #tpu.memory_space<vmem>>, vector<16xf32>,
      %get3A_140 = arith.constant 11 : i32
      %get3A_141 = arith.index_cast %get3A_140 : i32 to index
      %get3A_142 = arith.constant 0 : index
      %get3A_143 = tpu.vector_load %arg16[%get3A_141, %get3A_142] {strides = array<i32>} : memref<32x128xf32, #tpu.memory_space<vmem>>, vector<1x16xf32>,
      %get3A_144 = vector.shape_cast %get3A_143 : vector<1x16xf32> to vector<16xf32>
      %swap3A_145 = arith.constant 44 : index
      %swap3A_146 = tpu.vector_load %arg17[%swap3A_145] {strides = array<i32>} : memref<256xf32, #tpu.memory_space<vmem>>, vector<16xf32>,
      %swap3A_147 = vector.shape_cast %swap3A_146 : vector<16xf32> to vector<16xf32>
      %swap3A_148 = vector.shape_cast %get3A_144 : vector<16xf32> to vector<16xf32>
      tpu.vector_store %arg17[%swap3A_145], %swap3A_148 {strides = array<i32>} : memref<256xf32, #tpu.memory_space<vmem>>, vector<16xf32>,
      %get3A_149 = arith.constant 12 : i32
      %get3A_150 = arith.index_cast %get3A_149 : i32 to index
      %get3A_151 = arith.constant 0 : index
      %get3A_152 = tpu.vector_load %arg16[%get3A_150, %get3A_151] {strides = array<i32>} : memref<32x128xf32, #tpu.memory_space<vmem>>, vector<1x16xf32>,
      %get3A_153 = vector.shape_cast %get3A_152 : vector<1x16xf32> to vector<16xf32>
      %swap3A_154 = arith.constant 48 : index
      %swap3A_155 = tpu.vector_load %arg17[%swap3A_154] {strides = array<i32>} : memref<256xf32, #tpu.memory_space<vmem>>, vector<16xf32>,
      %swap3A_156 = vector.shape_cast %swap3A_155 : vector<16xf32> to vector<16xf32>
      %swap3A_157 = vector.shape_cast %get3A_153 : vector<16xf32> to vector<16xf32>
      tpu.vector_store %arg17[%swap3A_154], %swap3A_157 {strides = array<i32>} : memref<256xf32, #tpu.memory_space<vmem>>, vector<16xf32>,
      %get3A_158 = arith.constant 13 : i32
      %get3A_159 = arith.index_cast %get3A_158 : i32 to index
      %get3A_160 = arith.constant 0 : index
      %get3A_161 = tpu.vector_load %arg16[%get3A_159, %get3A_160] {strides = array<i32>} : memref<32x128xf32, #tpu.memory_space<vmem>>, vector<1x16xf32>,
      %get3A_162 = vector.shape_cast %get3A_161 : vector<1x16xf32> to vector<16xf32>
      %swap3A_163 = arith.constant 52 : index
      %swap3A_164 = tpu.vector_load %arg17[%swap3A_163] {strides = array<i32>} : memref<256xf32, #tpu.memory_space<vmem>>, vector<16xf32>,
      %swap3A_165 = vector.shape_cast %swap3A_164 : vector<16xf32> to vector<16xf32>
      %swap3A_166 = vector.shape_cast %get3A_162 : vector<16xf32> to vector<16xf32>
      tpu.vector_store %arg17[%swap3A_163], %swap3A_166 {strides = array<i32>} : memref<256xf32, #tpu.memory_space<vmem>>, vector<16xf32>,
      %get3A_167 = arith.constant 14 : i32
      %get3A_168 = arith.index_cast %get3A_167 : i32 to index
      %get3A_169 = arith.constant 0 : index
      %get3A_170 = tpu.vector_load %arg16[%get3A_168, %get3A_169] {strides = array<i32>} : memref<32x128xf32, #tpu.memory_space<vmem>>, vector<1x16xf32>,
      %get3A_171 = vector.shape_cast %get3A_170 : vector<1x16xf32> to vector<16xf32>
      %swap3A_172 = arith.constant 56 : index
      %swap3A_173 = tpu.vector_load %arg17[%swap3A_172] {strides = array<i32>} : memref<256xf32, #tpu.memory_space<vmem>>, vector<16xf32>,
      %swap3A_174 = vector.shape_cast %swap3A_173 : vector<16xf32> to vector<16xf32>
      %swap3A_175 = vector.shape_cast %get3A_171 : vector<16xf32> to vector<16xf32>
      tpu.vector_store %arg17[%swap3A_172], %swap3A_175 {strides = array<i32>} : memref<256xf32, #tpu.memory_space<vmem>>, vector<16xf32>,
      %get3A_176 = arith.constant 15 : i32
      %get3A_177 = arith.index_cast %get3A_176 : i32 to index
      %get3A_178 = arith.constant 0 : index
      %get3A_179 = tpu.vector_load %arg16[%get3A_177, %get3A_178] {strides = array<i32>} : memref<32x128xf32, #tpu.memory_space<vmem>>, vector<1x16xf32>,
      %get3A_180 = vector.shape_cast %get3A_179 : vector<1x16xf32> to vector<16xf32>
      %swap3A_181 = arith.constant 60 : index
      %swap3A_182 = tpu.vector_load %arg17[%swap3A_181] {strides = array<i32>} : memref<256xf32, #tpu.memory_space<vmem>>, vector<16xf32>,
      %swap3A_183 = vector.shape_cast %swap3A_182 : vector<16xf32> to vector<16xf32>
      %swap3A_184 = vector.shape_cast %get3A_180 : vector<16xf32> to vector<16xf32>
      tpu.vector_store %arg17[%swap3A_181], %swap3A_184 {strides = array<i32>} : memref<256xf32, #tpu.memory_space<vmem>>, vector<16xf32>,
      %get3A_185 = arith.constant 16 : i32
      %get3A_186 = arith.index_cast %get3A_185 : i32 to index
      %get3A_187 = arith.constant 0 : index
      %get3A_188 = tpu.vector_load %arg16[%get3A_186, %get3A_187] {strides = array<i32>} : memref<32x128xf32, #tpu.memory_space<vmem>>, vector<1x16xf32>,
      %get3A_189 = vector.shape_cast %get3A_188 : vector<1x16xf32> to vector<16xf32>
      %swap3A_190 = arith.constant 64 : index
      %swap3A_191 = tpu.vector_load %arg17[%swap3A_190] {strides = array<i32>} : memref<256xf32, #tpu.memory_space<vmem>>, vector<16xf32>,
      %swap3A_192 = vector.shape_cast %swap3A_191 : vector<16xf32> to vector<16xf32>
      %swap3A_193 = vector.shape_cast %get3A_189 : vector<16xf32> to vector<16xf32>
      tpu.vector_store %arg17[%swap3A_190], %swap3A_193 {strides = array<i32>} : memref<256xf32, #tpu.memory_space<vmem>>, vector<16xf32>,
      %get3A_194 = arith.constant 17 : i32
      %get3A_195 = arith.index_cast %get3A_194 : i32 to index
      %get3A_196 = arith.constant 0 : index
      %get3A_197 = tpu.vector_load %arg16[%get3A_195, %get3A_196] {strides = array<i32>} : memref<32x128xf32, #tpu.memory_space<vmem>>, vector<1x16xf32>,
      %get3A_198 = vector.shape_cast %get3A_197 : vector<1x16xf32> to vector<16xf32>
      %swap3A_199 = arith.constant 68 : index
      %swap3A_200 = tpu.vector_load %arg17[%swap3A_199] {strides = array<i32>} : memref<256xf32, #tpu.memory_space<vmem>>, vector<16xf32>,
      %swap3A_201 = vector.shape_cast %swap3A_200 : vector<16xf32> to vector<16xf32>
      %swap3A_202 = vector.shape_cast %get3A_198 : vector<16xf32> to vector<16xf32>
      tpu.vector_store %arg17[%swap3A_199], %swap3A_202 {strides = array<i32>} : memref<256xf32, #tpu.memory_space<vmem>>, vector<16xf32>,
      %get3A_203 = arith.constant 18 : i32
      %get3A_204 = arith.index_cast %get3A_203 : i32 to index
      %get3A_205 = arith.constant 0 : index
      %get3A_206 = tpu.vector_load %arg16[%get3A_204, %get3A_205] {strides = array<i32>} : memref<32x128xf32, #tpu.memory_space<vmem>>, vector<1x16xf32>,
      %get3A_207 = vector.shape_cast %get3A_206 : vector<1x16xf32> to vector<16xf32>
      %swap3A_208 = arith.constant 72 : index
      %swap3A_209 = tpu.vector_load %arg17[%swap3A_208] {strides = array<i32>} : memref<256xf32, #tpu.memory_space<vmem>>, vector<16xf32>,
      %swap3A_210 = vector.shape_cast %swap3A_209 : vector<16xf32> to vector<16xf32>
      %swap3A_211 = vector.shape_cast %get3A_207 : vector<16xf32> to vector<16xf32>
      tpu.vector_store %arg17[%swap3A_208], %swap3A_211 {strides = array<i32>} : memref<256xf32, #tpu.memory_space<vmem>>, vector<16xf32>,
      %get3A_212 = arith.constant 19 : i32
      %get3A_213 = arith.index_cast %get3A_212 : i32 to index
      %get3A_214 = arith.constant 0 : index
      %get3A_215 = tpu.vector_load %arg16[%get3A_213, %get3A_214] {strides = array<i32>} : memref<32x128xf32, #tpu.memory_space<vmem>>, vector<1x16xf32>,
      %get3A_216 = vector.shape_cast %get3A_215 : vector<1x16xf32> to vector<16xf32>
      %swap3A_217 = arith.constant 76 : index
      %swap3A_218 = tpu.vector_load %arg17[%swap3A_217] {strides = array<i32>} : memref<256xf32, #tpu.memory_space<vmem>>, vector<16xf32>,
      %swap3A_219 = vector.shape_cast %swap3A_218 : vector<16xf32> to vector<16xf32>
      %swap3A_220 = vector.shape_cast %get3A_216 : vector<16xf32> to vector<16xf32>
      tpu.vector_store %arg17[%swap3A_217], %swap3A_220 {strides = array<i32>} : memref<256xf32, #tpu.memory_space<vmem>>, vector<16xf32>,
      %get3A_221 = arith.constant 20 : i32
      %get3A_222 = arith.index_cast %get3A_221 : i32 to index
      %get3A_223 = arith.constant 0 : index
      %get3A_224 = tpu.vector_load %arg16[%get3A_222, %get3A_223] {strides = array<i32>} : memref<32x128xf32, #tpu.memory_space<vmem>>, vector<1x16xf32>,
      %get3A_225 = vector.shape_cast %get3A_224 : vector<1x16xf32> to vector<16xf32>
      %swap3A_226 = arith.constant 80 : index
      %swap3A_227 = tpu.vector_load %arg17[%swap3A_226] {strides = array<i32>} : memref<256xf32, #tpu.memory_space<vmem>>, vector<16xf32>,
      %swap3A_228 = vector.shape_cast %swap3A_227 : vector<16xf32> to vector<16xf32>
      %swap3A_229 = vector.shape_cast %get3A_225 : vector<16xf32> to vector<16xf32>
      tpu.vector_store %arg17[%swap3A_226], %swap3A_229 {strides = array<i32>} : memref<256xf32, #tpu.memory_space<vmem>>, vector<16xf32>,
      %get3A_230 = arith.constant 21 : i32
      %get3A_231 = arith.index_cast %get3A_230 : i32 to index
      %get3A_232 = arith.constant 0 : index
      %get3A_233 = tpu.vector_load %arg16[%get3A_231, %get3A_232] {strides = array<i32>} : memref<32x128xf32, #tpu.memory_space<vmem>>, vector<1x16xf32>,
      %get3A_234 = vector.shape_cast %get3A_233 : vector<1x16xf32> to vector<16xf32>
      %swap3A_235 = arith.constant 84 : index
      %swap3A_236 = tpu.vector_load %arg17[%swap3A_235] {strides = array<i32>} : memref<256xf32, #tpu.memory_space<vmem>>, vector<16xf32>,
      %swap3A_237 = vector.shape_cast %swap3A_236 : vector<16xf32> to vector<16xf32>
      %swap3A_238 = vector.shape_cast %get3A_234 : vector<16xf32> to vector<16xf32>
      tpu.vector_store %arg17[%swap3A_235], %swap3A_238 {strides = array<i32>} : memref<256xf32, #tpu.memory_space<vmem>>, vector<16xf32>,
      %get3A_239 = arith.constant 22 : i32
      %get3A_240 = arith.index_cast %get3A_239 : i32 to index
      %get3A_241 = arith.constant 0 : index
      %get3A_242 = tpu.vector_load %arg16[%get3A_240, %get3A_241] {strides = array<i32>} : memref<32x128xf32, #tpu.memory_space<vmem>>, vector<1x16xf32>,
      %get3A_243 = vector.shape_cast %get3A_242 : vector<1x16xf32> to vector<16xf32>
      %swap3A_244 = arith.constant 88 : index
      %swap3A_245 = tpu.vector_load %arg17[%swap3A_244] {strides = array<i32>} : memref<256xf32, #tpu.memory_space<vmem>>, vector<16xf32>,
      %swap3A_246 = vector.shape_cast %swap3A_245 : vector<16xf32> to vector<16xf32>
      %swap3A_247 = vector.shape_cast %get3A_243 : vector<16xf32> to vector<16xf32>
      tpu.vector_store %arg17[%swap3A_244], %swap3A_247 {strides = array<i32>} : memref<256xf32, #tpu.memory_space<vmem>>, vector<16xf32>,
      %get3A_248 = arith.constant 23 : i32
      %get3A_249 = arith.index_cast %get3A_248 : i32 to index
      %get3A_250 = arith.constant 0 : index
      %get3A_251 = tpu.vector_load %arg16[%get3A_249, %get3A_250] {strides = array<i32>} : memref<32x128xf32, #tpu.memory_space<vmem>>, vector<1x16xf32>,
      %get3A_252 = vector.shape_cast %get3A_251 : vector<1x16xf32> to vector<16xf32>
      %swap3A_253 = arith.constant 92 : index
      %swap3A_254 = tpu.vector_load %arg17[%swap3A_253] {strides = array<i32>} : memref<256xf32, #tpu.memory_space<vmem>>, vector<16xf32>,
      %swap3A_255 = vector.shape_cast %swap3A_254 : vector<16xf32> to vector<16xf32>
      %swap3A_256 = vector.shape_cast %get3A_252 : vector<16xf32> to vector<16xf32>
      tpu.vector_store %arg17[%swap3A_253], %swap3A_256 {strides = array<i32>} : memref<256xf32, #tpu.memory_space<vmem>>, vector<16xf32>,
      %get3A_257 = arith.constant 24 : i32
      %get3A_258 = arith.index_cast %get3A_257 : i32 to index
      %get3A_259 = arith.constant 0 : index
      %get3A_260 = tpu.vector_load %arg16[%get3A_258, %get3A_259] {strides = array<i32>} : memref<32x128xf32, #tpu.memory_space<vmem>>, vector<1x16xf32>,
      %get3A_261 = vector.shape_cast %get3A_260 : vector<1x16xf32> to vector<16xf32>
      %swap3A_262 = arith.constant 96 : index
      %swap3A_263 = tpu.vector_load %arg17[%swap3A_262] {strides = array<i32>} : memref<256xf32, #tpu.memory_space<vmem>>, vector<16xf32>,
      %swap3A_264 = vector.shape_cast %swap3A_263 : vector<16xf32> to vector<16xf32>
      %swap3A_265 = vector.shape_cast %get3A_261 : vector<16xf32> to vector<16xf32>
      tpu.vector_store %arg17[%swap3A_262], %swap3A_265 {strides = array<i32>} : memref<256xf32, #tpu.memory_space<vmem>>, vector<16xf32>,
      %get3A_266 = arith.constant 25 : i32
      %get3A_267 = arith.index_cast %get3A_266 : i32 to index
      %get3A_268 = arith.constant 0 : index
      %get3A_269 = tpu.vector_load %arg16[%get3A_267, %get3A_268] {strides = array<i32>} : memref<32x128xf32, #tpu.memory_space<vmem>>, vector<1x16xf32>,
      %get3A_270 = vector.shape_cast %get3A_269 : vector<1x16xf32> to vector<16xf32>
      %swap3A_271 = arith.constant 100 : index
      %swap3A_272 = tpu.vector_load %arg17[%swap3A_271] {strides = array<i32>} : memref<256xf32, #tpu.memory_space<vmem>>, vector<16xf32>,
      %swap3A_273 = vector.shape_cast %swap3A_272 : vector<16xf32> to vector<16xf32>
      %swap3A_274 = vector.shape_cast %get3A_270 : vector<16xf32> to vector<16xf32>
      tpu.vector_store %arg17[%swap3A_271], %swap3A_274 {strides = array<i32>} : memref<256xf32, #tpu.memory_space<vmem>>, vector<16xf32>,
      %get3A_275 = arith.constant 26 : i32
      %get3A_276 = arith.index_cast %get3A_275 : i32 to index
      %get3A_277 = arith.constant 0 : index
      %get3A_278 = tpu.vector_load %arg16[%get3A_276, %get3A_277] {strides = array<i32>} : memref<32x128xf32, #tpu.memory_space<vmem>>, vector<1x16xf32>,
      %get3A_279 = vector.shape_cast %get3A_278 : vector<1x16xf32> to vector<16xf32>
      %swap3A_280 = arith.constant 104 : index
      %swap3A_281 = tpu.vector_load %arg17[%swap3A_280] {strides = array<i32>} : memref<256xf32, #tpu.memory_space<vmem>>, vector<16xf32>,
      %swap3A_282 = vector.shape_cast %swap3A_281 : vector<16xf32> to vector<16xf32>
      %swap3A_283 = vector.shape_cast %get3A_279 : vector<16xf32> to vector<16xf32>
      tpu.vector_store %arg17[%swap3A_280], %swap3A_283 {strides = array<i32>} : memref<256xf32, #tpu.memory_space<vmem>>, vector<16xf32>,
      %get3A_284 = arith.constant 27 : i32
      %get3A_285 = arith.index_cast %get3A_284 : i32 to index
      %get3A_286 = arith.constant 0 : index
      %get3A_287 = tpu.vector_load %arg16[%get3A_285, %get3A_286] {strides = array<i32>} : memref<32x128xf32, #tpu.memory_space<vmem>>, vector<1x16xf32>,
      %get3A_288 = vector.shape_cast %get3A_287 : vector<1x16xf32> to vector<16xf32>
      %swap3A_289 = arith.constant 108 : index
      %swap3A_290 = tpu.vector_load %arg17[%swap3A_289] {strides = array<i32>} : memref<256xf32, #tpu.memory_space<vmem>>, vector<16xf32>,
      %swap3A_291 = vector.shape_cast %swap3A_290 : vector<16xf32> to vector<16xf32>
      %swap3A_292 = vector.shape_cast %get3A_288 : vector<16xf32> to vector<16xf32>
      tpu.vector_store %arg17[%swap3A_289], %swap3A_292 {strides = array<i32>} : memref<256xf32, #tpu.memory_space<vmem>>, vector<16xf32>,
      %get3A_293 = arith.constant 28 : i32
      %get3A_294 = arith.index_cast %get3A_293 : i32 to index
      %get3A_295 = arith.constant 0 : index
      %get3A_296 = tpu.vector_load %arg16[%get3A_294, %get3A_295] {strides = array<i32>} : memref<32x128xf32, #tpu.memory_space<vmem>>, vector<1x16xf32>,
      %get3A_297 = vector.shape_cast %get3A_296 : vector<1x16xf32> to vector<16xf32>
      %swap3A_298 = arith.constant 112 : index
      %swap3A_299 = tpu.vector_load %arg17[%swap3A_298] {strides = array<i32>} : memref<256xf32, #tpu.memory_space<vmem>>, vector<16xf32>,
      %swap3A_300 = vector.shape_cast %swap3A_299 : vector<16xf32> to vector<16xf32>
      %swap3A_301 = vector.shape_cast %get3A_297 : vector<16xf32> to vector<16xf32>
      tpu.vector_store %arg17[%swap3A_298], %swap3A_301 {strides = array<i32>} : memref<256xf32, #tpu.memory_space<vmem>>, vector<16xf32>,
      %get3A_302 = arith.constant 29 : i32
      %get3A_303 = arith.index_cast %get3A_302 : i32 to index
      %get3A_304 = arith.constant 0 : index
      %get3A_305 = tpu.vector_load %arg16[%get3A_303, %get3A_304] {strides = array<i32>} : memref<32x128xf32, #tpu.memory_space<vmem>>, vector<1x16xf32>,
      %get3A_306 = vector.shape_cast %get3A_305 : vector<1x16xf32> to vector<16xf32>
      %swap3A_307 = arith.constant 116 : index
      %swap3A_308 = tpu.vector_load %arg17[%swap3A_307] {strides = array<i32>} : memref<256xf32, #tpu.memory_space<vmem>>, vector<16xf32>,
      %swap3A_309 = vector.shape_cast %swap3A_308 : vector<16xf32> to vector<16xf32>
      %swap3A_310 = vector.shape_cast %get3A_306 : vector<16xf32> to vector<16xf32>
      tpu.vector_store %arg17[%swap3A_307], %swap3A_310 {strides = array<i32>} : memref<256xf32, #tpu.memory_space<vmem>>, vector<16xf32>,
      %get3A_311 = arith.constant 30 : i32
      %get3A_312 = arith.index_cast %get3A_311 : i32 to index
      %get3A_313 = arith.constant 0 : index
      %get3A_314 = tpu.vector_load %arg16[%get3A_312, %get3A_313] {strides = array<i32>} : memref<32x128xf32, #tpu.memory_space<vmem>>, vector<1x16xf32>,
      %get3A_315 = vector.shape_cast %get3A_314 : vector<1x16xf32> to vector<16xf32>
      %swap3A_316 = arith.constant 120 : index
      %swap3A_317 = tpu.vector_load %arg17[%swap3A_316] {strides = array<i32>} : memref<256xf32, #tpu.memory_space<vmem>>, vector<16xf32>,
      %swap3A_318 = vector.shape_cast %swap3A_317 : vector<16xf32> to vector<16xf32>
      %swap3A_319 = vector.shape_cast %get3A_315 : vector<16xf32> to vector<16xf32>
      tpu.vector_store %arg17[%swap3A_316], %swap3A_319 {strides = array<i32>} : memref<256xf32, #tpu.memory_space<vmem>>, vector<16xf32>,
      %get3A_320 = arith.constant 31 : i32
      %get3A_321 = arith.index_cast %get3A_320 : i32 to index
      %get3A_322 = arith.constant 0 : index
      %get3A_323 = tpu.vector_load %arg16[%get3A_321, %get3A_322] {strides = array<i32>} : memref<32x128xf32, #tpu.memory_space<vmem>>, vector<1x16xf32>,
      %get3A_324 = vector.shape_cast %get3A_323 : vector<1x16xf32> to vector<16xf32>
      %swap3A_325 = arith.constant 124 : index
      %swap3A_326 = tpu.vector_load %arg17[%swap3A_325] {strides = array<i32>} : memref<256xf32, #tpu.memory_space<vmem>>, vector<16xf32>,
      %swap3A_327 = vector.shape_cast %swap3A_326 : vector<16xf32> to vector<16xf32>
      %swap3A_328 = vector.shape_cast %get3A_324 : vector<16xf32> to vector<16xf32>
      tpu.vector_store %arg17[%swap3A_325], %swap3A_328 {strides = array<i32>} : memref<256xf32, #tpu.memory_space<vmem>>, vector<16xf32>,
      %mul3A_329 = arith.constant 10240 : i32
      %mul3A_330 = arith.muli %arg0, %mul3A_329 : i32
      %mul3A_331 = arith.constant 4 : i32
      %mul3A_332 = arith.muli %mul3A_330, %mul3A_331 : i32
      %mul3A_333 = arith.constant 4 : i32
      %mul3A_334 = arith.muli %add3A, %mul3A_333 : i32
      %add3A_335 = arith.addi %mul3A_332, %mul3A_334 : i32
      "tpu.region"() ({
        %run_scoped3A = tpu.sem_alloc : memref<!tpu.dma_semaphore, #tpu.memory_space<semaphore_mem>>
        %dma_start3A = arith.constant 0 : i32
        %dma_start3A_336 = tpu.memref_slice %arg17[%dma_start3A] : memref<256xf32, #tpu.memory_space<vmem>> -> memref<128xf32, #tpu.memory_space<vmem>>
        %dma_start3A_337 = tpu.memref_slice %arg8[%add3A_335] : memref<81920xf32, #tpu.memory_space<hbm>> -> memref<128xf32, #tpu.memory_space<hbm>>
        %dma_start3A_338 = tpu.memref_slice %arg8[%add3A_335] : memref<81920xf32, #tpu.memory_space<hbm>> -> memref<128xf32, #tpu.memory_space<hbm>>
        %dma_start3A_339 = arith.constant 0 : i32
        %dma_start3A_340 = tpu.memref_slice %arg17[%dma_start3A_339] : memref<256xf32, #tpu.memory_space<vmem>> -> memref<128xf32, #tpu.memory_space<vmem>>
        tpu.enqueue_dma source(%dma_start3A_340 : memref<128xf32, #tpu.memory_space<vmem>>) target(%dma_start3A_338 : memref<128xf32, #tpu.memory_space<hbm>>) target_semaphore(%run_scoped3A : memref<!tpu.dma_semaphore, #tpu.memory_space<semaphore_mem>>)
        %dma_wait3A = arith.constant 0 : i32
        %dma_wait3A_341 = tpu.memref_slice %arg17[%dma_wait3A] : memref<256xf32, #tpu.memory_space<vmem>> -> memref<128xf32, #tpu.memory_space<vmem>>
        %dma_wait3A_342 = tpu.memref_slice %arg8[%add3A_335] : memref<81920xf32, #tpu.memory_space<hbm>> -> memref<128xf32, #tpu.memory_space<hbm>>
        %dma_wait3A_343 = tpu.memref_slice %arg8[%add3A_335] : memref<81920xf32, #tpu.memory_space<hbm>> -> memref<128xf32, #tpu.memory_space<hbm>>
        %dma_wait3A_344 = arith.constant 0 : i32
        %dma_wait3A_345 = tpu.memref_slice %arg17[%dma_wait3A_344] : memref<256xf32, #tpu.memory_space<vmem>> -> memref<128xf32, #tpu.memory_space<vmem>>
        tpu.wait_dma2 semaphore(%run_scoped3A : memref<!tpu.dma_semaphore, #tpu.memory_space<semaphore_mem>>) src(%dma_wait3A_345 : memref<128xf32, #tpu.memory_space<vmem>>) dst(%dma_wait3A_343 : memref<128xf32, #tpu.memory_space<hbm>>)
        tpu.yield
      }) : () -> ()
    }
    %scan3A_37 = arith.constant 20 : i32
    return
  }
}

#map = affine_map<(d0, d1) -> (0, 0)>
#map1 = affine_map<(d0, d1) -> (0)>
module attributes {stable_mosaic.version = 14 : i64} {
  func.func @_k2_body(%arg0: i32, %arg1: i32, %arg2: memref<20000x128xf32, #tpu.memory_space<hbm>>, %arg3: memref<160000xi32, #tpu.memory_space<hbm>>, %arg4: memref<160000xi32, #tpu.memory_space<hbm>>, %arg5: memref<320000x16xf32, #tpu.memory_space<hbm>>, %arg6: memref<81920xf32, #tpu.memory_space<hbm>>, %arg7: memref<20480x128xf32, #tpu.memory_space<hbm>>, %arg8: memref<80xi32, #tpu.memory_space<vmem>>, %arg9: memref<80xi32, #tpu.memory_space<vmem>>, %arg10: memref<80x128xf32, #tpu.memory_space<vmem>>, %arg11: memref<80x128xf32, #tpu.memory_space<vmem>>, %arg12: memref<80x16xf32, #tpu.memory_space<vmem>>, %arg13: memref<32x128xf32, #tpu.memory_space<vmem>>, %arg14: memref<32x128xf32, #tpu.memory_space<vmem>>, %arg15: memref<128xf32, #tpu.memory_space<vmem>>, %arg16: memref<10240x128xf32, #tpu.memory_space<vmem_shared>>, %arg17: memref<!tpu.dma_semaphore, #tpu.memory_space<semaphore_mem>>, %arg18: memref<!tpu.dma_semaphore, #tpu.memory_space<semaphore_mem>>) attributes {dimension_semantics = [#tpu.dimension_semantics<core_parallel>, #tpu.dimension_semantics<subcore_parallel>], iteration_bounds = array<i64: 2, 16>, scalar_prefetch = 0 : i64, scratch_operands = 11 : i64, tpu.core_type = #tpu.core_type<sc_vector_subcore>, window_params = [{transform_indices = #map}, {transform_indices = #map1}, {transform_indices = #map1}, {transform_indices = #map}, {transform_indices = #map1}, {transform_indices = #map}]} {
    %broadcast_in_dim3A = arith.constant 0.000000e+00 : f32
    %broadcast_in_dim3A_0 = vector.broadcast %broadcast_in_dim3A : f32 to vector<16xf32>
    %scan3A = arith.constant 0 : i32
    %scan3A_1 = arith.constant 0 : i32
    %scan3A_2 = arith.constant 32 : i32
    %scan3A_3 = arith.addi %scan3A_1, %scan3A_2 : i32
    %scan3A_4 = arith.constant 1 : i32
    scf.for %scan3A_25 = %scan3A_1 to %scan3A_3 step %scan3A_4  : i32 {
      %swap3A = arith.index_cast %scan3A_25 : i32 to index
      %swap3A_26 = arith.constant 0 : index
      %swap3A_27 = tpu.vector_load %arg13[%swap3A, %swap3A_26] {strides = array<i32>} : memref<32x128xf32, #tpu.memory_space<vmem>>, vector<1x16xf32>,
      %swap3A_28 = vector.shape_cast %swap3A_27 : vector<1x16xf32> to vector<16xf32>
      %swap3A_29 = vector.shape_cast %broadcast_in_dim3A_0 : vector<16xf32> to vector<1x16xf32>
      tpu.vector_store %arg13[%swap3A, %swap3A_26], %swap3A_29 {strides = array<i32>} : memref<32x128xf32, #tpu.memory_space<vmem>>, vector<1x16xf32>,
      %swap3A_30 = arith.index_cast %scan3A_25 : i32 to index
      %swap3A_31 = arith.constant 16 : index
      %swap3A_32 = tpu.vector_load %arg13[%swap3A_30, %swap3A_31] {strides = array<i32>} : memref<32x128xf32, #tpu.memory_space<vmem>>, vector<1x16xf32>,
      %swap3A_33 = vector.shape_cast %swap3A_32 : vector<1x16xf32> to vector<16xf32>
      %swap3A_34 = vector.shape_cast %broadcast_in_dim3A_0 : vector<16xf32> to vector<1x16xf32>
      tpu.vector_store %arg13[%swap3A_30, %swap3A_31], %swap3A_34 {strides = array<i32>} : memref<32x128xf32, #tpu.memory_space<vmem>>, vector<1x16xf32>,
      %swap3A_35 = arith.index_cast %scan3A_25 : i32 to index
      %swap3A_36 = arith.constant 32 : index
      %swap3A_37 = tpu.vector_load %arg13[%swap3A_35, %swap3A_36] {strides = array<i32>} : memref<32x128xf32, #tpu.memory_space<vmem>>, vector<1x16xf32>,
      %swap3A_38 = vector.shape_cast %swap3A_37 : vector<1x16xf32> to vector<16xf32>
      %swap3A_39 = vector.shape_cast %broadcast_in_dim3A_0 : vector<16xf32> to vector<1x16xf32>
      tpu.vector_store %arg13[%swap3A_35, %swap3A_36], %swap3A_39 {strides = array<i32>} : memref<32x128xf32, #tpu.memory_space<vmem>>, vector<1x16xf32>,
      %swap3A_40 = arith.index_cast %scan3A_25 : i32 to index
      %swap3A_41 = arith.constant 48 : index
      %swap3A_42 = tpu.vector_load %arg13[%swap3A_40, %swap3A_41] {strides = array<i32>} : memref<32x128xf32, #tpu.memory_space<vmem>>, vector<1x16xf32>,
      %swap3A_43 = vector.shape_cast %swap3A_42 : vector<1x16xf32> to vector<16xf32>
      %swap3A_44 = vector.shape_cast %broadcast_in_dim3A_0 : vector<16xf32> to vector<1x16xf32>
      tpu.vector_store %arg13[%swap3A_40, %swap3A_41], %swap3A_44 {strides = array<i32>} : memref<32x128xf32, #tpu.memory_space<vmem>>, vector<1x16xf32>,
      %swap3A_45 = arith.index_cast %scan3A_25 : i32 to index
      %swap3A_46 = arith.constant 64 : index
      %swap3A_47 = tpu.vector_load %arg13[%swap3A_45, %swap3A_46] {strides = array<i32>} : memref<32x128xf32, #tpu.memory_space<vmem>>, vector<1x16xf32>,
      %swap3A_48 = vector.shape_cast %swap3A_47 : vector<1x16xf32> to vector<16xf32>
      %swap3A_49 = vector.shape_cast %broadcast_in_dim3A_0 : vector<16xf32> to vector<1x16xf32>
      tpu.vector_store %arg13[%swap3A_45, %swap3A_46], %swap3A_49 {strides = array<i32>} : memref<32x128xf32, #tpu.memory_space<vmem>>, vector<1x16xf32>,
      %swap3A_50 = arith.index_cast %scan3A_25 : i32 to index
      %swap3A_51 = arith.constant 80 : index
      %swap3A_52 = tpu.vector_load %arg13[%swap3A_50, %swap3A_51] {strides = array<i32>} : memref<32x128xf32, #tpu.memory_space<vmem>>, vector<1x16xf32>,
      %swap3A_53 = vector.shape_cast %swap3A_52 : vector<1x16xf32> to vector<16xf32>
      %swap3A_54 = vector.shape_cast %broadcast_in_dim3A_0 : vector<16xf32> to vector<1x16xf32>
      tpu.vector_store %arg13[%swap3A_50, %swap3A_51], %swap3A_54 {strides = array<i32>} : memref<32x128xf32, #tpu.memory_space<vmem>>, vector<1x16xf32>,
      %swap3A_55 = arith.index_cast %scan3A_25 : i32 to index
      %swap3A_56 = arith.constant 96 : index
      %swap3A_57 = tpu.vector_load %arg13[%swap3A_55, %swap3A_56] {strides = array<i32>} : memref<32x128xf32, #tpu.memory_space<vmem>>, vector<1x16xf32>,
      %swap3A_58 = vector.shape_cast %swap3A_57 : vector<1x16xf32> to vector<16xf32>
      %swap3A_59 = vector.shape_cast %broadcast_in_dim3A_0 : vector<16xf32> to vector<1x16xf32>
      tpu.vector_store %arg13[%swap3A_55, %swap3A_56], %swap3A_59 {strides = array<i32>} : memref<32x128xf32, #tpu.memory_space<vmem>>, vector<1x16xf32>,
      %swap3A_60 = arith.index_cast %scan3A_25 : i32 to index
      %swap3A_61 = arith.constant 112 : index
      %swap3A_62 = tpu.vector_load %arg13[%swap3A_60, %swap3A_61] {strides = array<i32>} : memref<32x128xf32, #tpu.memory_space<vmem>>, vector<1x16xf32>,
      %swap3A_63 = vector.shape_cast %swap3A_62 : vector<1x16xf32> to vector<16xf32>
      %swap3A_64 = vector.shape_cast %broadcast_in_dim3A_0 : vector<16xf32> to vector<1x16xf32>
      tpu.vector_store %arg13[%swap3A_60, %swap3A_61], %swap3A_64 {strides = array<i32>} : memref<32x128xf32, #tpu.memory_space<vmem>>, vector<1x16xf32>,
    }
    %scan3A_5 = arith.constant 32 : i32
    %scan3A_6 = arith.constant 0 : i32
    %scan3A_7 = arith.constant 0 : i32
    %scan3A_8 = arith.constant 20 : i32
    %scan3A_9 = arith.addi %scan3A_7, %scan3A_8 : i32
    %scan3A_10 = arith.constant 1 : i32
    scf.for %scan3A_25 = %scan3A_7 to %scan3A_9 step %scan3A_10  : i32 {
      %mul3A = arith.constant 16 : i32
      %mul3A_26 = arith.muli %mul3A, %scan3A_25 : i32
      %add3A = arith.addi %arg1, %mul3A_26 : i32
      %mul3A_27 = arith.constant 32 : i32
      %mul3A_28 = arith.muli %add3A, %mul3A_27 : i32
      "tpu.region"() ({
        %run_scoped3A = tpu.sem_alloc : memref<!tpu.dma_semaphore, #tpu.memory_space<semaphore_mem>>
        %dma_start3A = arith.constant 0 : i32
        %dma_start3A_29 = tpu.memref_slice %arg16[%mul3A_28, %dma_start3A] : memref<10240x128xf32, #tpu.memory_space<vmem_shared>> -> memref<32x128xf32, #tpu.memory_space<vmem_shared>>
        %dma_start3A_30 = arith.constant 0 : i32
        %dma_start3A_31 = tpu.memref_slice %arg16[%mul3A_28, %dma_start3A_30] : memref<10240x128xf32, #tpu.memory_space<vmem_shared>> -> memref<32x128xf32, #tpu.memory_space<vmem_shared>>
        tpu.enqueue_dma source(%arg13 : memref<32x128xf32, #tpu.memory_space<vmem>>) target(%dma_start3A_31 : memref<32x128xf32, #tpu.memory_space<vmem_shared>>) target_semaphore(%run_scoped3A : memref<!tpu.dma_semaphore, #tpu.memory_space<semaphore_mem>>)
        %dma_wait3A = arith.constant 0 : i32
        %dma_wait3A_32 = tpu.memref_slice %arg16[%mul3A_28, %dma_wait3A] : memref<10240x128xf32, #tpu.memory_space<vmem_shared>> -> memref<32x128xf32, #tpu.memory_space<vmem_shared>>
        %dma_wait3A_33 = arith.constant 0 : i32
        %dma_wait3A_34 = tpu.memref_slice %arg16[%mul3A_28, %dma_wait3A_33] : memref<10240x128xf32, #tpu.memory_space<vmem_shared>> -> memref<32x128xf32, #tpu.memory_space<vmem_shared>>
        tpu.wait_dma2 semaphore(%run_scoped3A : memref<!tpu.dma_semaphore, #tpu.memory_space<semaphore_mem>>) src(%arg13 : memref<32x128xf32, #tpu.memory_space<vmem>>) dst(%dma_wait3A_34 : memref<32x128xf32, #tpu.memory_space<vmem_shared>>)
        tpu.yield
      }) : () -> ()
    }
    %scan3A_11 = arith.constant 20 : i32
    %barrier3A = arith.constant 0 : index
    tpu.barrier barrier_id(%barrier3A)
    %scan3A_12 = arith.constant 0 : i32
    %scan3A_13 = arith.constant 0 : i32
    %scan3A_14 = arith.constant 125 : i32
    %scan3A_15 = arith.addi %scan3A_13, %scan3A_14 : i32
    %scan3A_16 = arith.constant 1 : i32
    scf.for %scan3A_25 = %scan3A_13 to %scan3A_15 step %scan3A_16  : i32 {
      %mul3A = arith.constant 16 : i32
      %mul3A_26 = arith.muli %mul3A, %scan3A_25 : i32
      %add3A = arith.addi %arg1, %mul3A_26 : i32
      %mul3A_27 = arith.constant 80 : i32
      %mul3A_28 = arith.muli %add3A, %mul3A_27 : i32
      "tpu.region"() ({
        %run_scoped3A = tpu.sem_alloc : memref<!tpu.dma_semaphore, #tpu.memory_space<semaphore_mem>>
        %dma_start3A_50 = tpu.memref_slice %arg3[%mul3A_28] : memref<160000xi32, #tpu.memory_space<hbm>> -> memref<80xi32, #tpu.memory_space<hbm>>
        %dma_start3A_51 = tpu.memref_slice %arg3[%mul3A_28] : memref<160000xi32, #tpu.memory_space<hbm>> -> memref<80xi32, #tpu.memory_space<hbm>>
        tpu.enqueue_dma source(%dma_start3A_51 : memref<80xi32, #tpu.memory_space<hbm>>) target(%arg8 : memref<80xi32, #tpu.memory_space<vmem>>) target_semaphore(%run_scoped3A : memref<!tpu.dma_semaphore, #tpu.memory_space<semaphore_mem>>)
        %dma_wait3A_52 = tpu.memref_slice %arg3[%mul3A_28] : memref<160000xi32, #tpu.memory_space<hbm>> -> memref<80xi32, #tpu.memory_space<hbm>>
        %dma_wait3A_53 = tpu.memref_slice %arg3[%mul3A_28] : memref<160000xi32, #tpu.memory_space<hbm>> -> memref<80xi32, #tpu.memory_space<hbm>>
        tpu.wait_dma2 semaphore(%run_scoped3A : memref<!tpu.dma_semaphore, #tpu.memory_space<semaphore_mem>>) src(%dma_wait3A_53 : memref<80xi32, #tpu.memory_space<hbm>>) dst(%arg8 : memref<80xi32, #tpu.memory_space<vmem>>)
        tpu.yield
      }) : () -> ()
      "tpu.region"() ({
        %run_scoped3A = tpu.sem_alloc : memref<!tpu.dma_semaphore, #tpu.memory_space<semaphore_mem>>
        %dma_start3A_50 = tpu.memref_slice %arg4[%mul3A_28] : memref<160000xi32, #tpu.memory_space<hbm>> -> memref<80xi32, #tpu.memory_space<hbm>>
        %dma_start3A_51 = tpu.memref_slice %arg4[%mul3A_28] : memref<160000xi32, #tpu.memory_space<hbm>> -> memref<80xi32, #tpu.memory_space<hbm>>
        tpu.enqueue_dma source(%dma_start3A_51 : memref<80xi32, #tpu.memory_space<hbm>>) target(%arg9 : memref<80xi32, #tpu.memory_space<vmem>>) target_semaphore(%run_scoped3A : memref<!tpu.dma_semaphore, #tpu.memory_space<semaphore_mem>>)
        %dma_wait3A_52 = tpu.memref_slice %arg4[%mul3A_28] : memref<160000xi32, #tpu.memory_space<hbm>> -> memref<80xi32, #tpu.memory_space<hbm>>
        %dma_wait3A_53 = tpu.memref_slice %arg4[%mul3A_28] : memref<160000xi32, #tpu.memory_space<hbm>> -> memref<80xi32, #tpu.memory_space<hbm>>
        tpu.wait_dma2 semaphore(%run_scoped3A : memref<!tpu.dma_semaphore, #tpu.memory_space<semaphore_mem>>) src(%dma_wait3A_53 : memref<80xi32, #tpu.memory_space<hbm>>) dst(%arg9 : memref<80xi32, #tpu.memory_space<vmem>>)
        tpu.yield
      }) : () -> ()
      %mul3A_29 = arith.constant 160000 : i32
      %mul3A_30 = arith.muli %arg0, %mul3A_29 : i32
      %add3A_31 = arith.addi %mul3A_30, %mul3A_28 : i32
      "tpu.region"() ({
        %run_scoped3A = tpu.sem_alloc : memref<!tpu.dma_semaphore, #tpu.memory_space<semaphore_mem>>
        %dma_start3A_50 = arith.constant 0 : i32
        %dma_start3A_51 = tpu.memref_slice %arg5[%add3A_31, %dma_start3A_50] : memref<320000x16xf32, #tpu.memory_space<hbm>> -> memref<80x16xf32, #tpu.memory_space<hbm>>
        %dma_start3A_52 = arith.constant 0 : i32
        %dma_start3A_53 = tpu.memref_slice %arg5[%add3A_31, %dma_start3A_52] : memref<320000x16xf32, #tpu.memory_space<hbm>> -> memref<80x16xf32, #tpu.memory_space<hbm>>
        tpu.enqueue_dma source(%dma_start3A_53 : memref<80x16xf32, #tpu.memory_space<hbm>>) target(%arg12 : memref<80x16xf32, #tpu.memory_space<vmem>>) target_semaphore(%run_scoped3A : memref<!tpu.dma_semaphore, #tpu.memory_space<semaphore_mem>>)
        %dma_wait3A_54 = arith.constant 0 : i32
        %dma_wait3A_55 = tpu.memref_slice %arg5[%add3A_31, %dma_wait3A_54] : memref<320000x16xf32, #tpu.memory_space<hbm>> -> memref<80x16xf32, #tpu.memory_space<hbm>>
        %dma_wait3A_56 = arith.constant 0 : i32
        %dma_wait3A_57 = tpu.memref_slice %arg5[%add3A_31, %dma_wait3A_56] : memref<320000x16xf32, #tpu.memory_space<hbm>> -> memref<80x16xf32, #tpu.memory_space<hbm>>
        tpu.wait_dma2 semaphore(%run_scoped3A : memref<!tpu.dma_semaphore, #tpu.memory_space<semaphore_mem>>) src(%dma_wait3A_57 : memref<80x16xf32, #tpu.memory_space<hbm>>) dst(%arg12 : memref<80x16xf32, #tpu.memory_space<vmem>>)
        tpu.yield
      }) : () -> ()
      %mul3A_32 = arith.constant 10000 : i32
      %mul3A_33 = arith.muli %arg0, %mul3A_32 : i32
      %scan3A_34 = arith.constant 0 : i32
      %scan3A_35 = arith.constant 0 : i32
      %scan3A_36 = arith.constant 5 : i32
      %scan3A_37 = arith.addi %scan3A_35, %scan3A_36 : i32
      %scan3A_38 = arith.constant 1 : i32
      scf.for %scan3A_50 = %scan3A_35 to %scan3A_37 step %scan3A_38  : i32 {
        %mul3A_51 = arith.constant 16 : i32
        %mul3A_52 = arith.muli %scan3A_50, %mul3A_51 : i32
        %get3A = arith.index_cast %mul3A_52 : i32 to index
        %get3A_53 = tpu.vector_load %arg8[%get3A] {strides = array<i32>} : memref<80xi32, #tpu.memory_space<vmem>>, vector<16xi32>,
        %get3A_54 = vector.shape_cast %get3A_53 : vector<16xi32> to vector<16xi32>
        %add3A_55 = vector.broadcast %mul3A_33 : i32 to vector<16xi32>
        %add3A_56 = arith.addi %get3A_54, %add3A_55 : vector<16xi32>
        %mul3A_57 = arith.constant 16 : i32
        %mul3A_58 = arith.muli %scan3A_50, %mul3A_57 : i32
        %swap3A = arith.index_cast %mul3A_58 : i32 to index
        %swap3A_59 = tpu.vector_load %arg8[%swap3A] {strides = array<i32>} : memref<80xi32, #tpu.memory_space<vmem>>, vector<16xi32>,
        %swap3A_60 = vector.shape_cast %swap3A_59 : vector<16xi32> to vector<16xi32>
        %swap3A_61 = vector.shape_cast %add3A_56 : vector<16xi32> to vector<16xi32>
        tpu.vector_store %arg8[%swap3A], %swap3A_61 {strides = array<i32>} : memref<80xi32, #tpu.memory_space<vmem>>, vector<16xi32>,
      }
      %scan3A_39 = arith.constant 5 : i32
      %dma_start3A = arith.constant 0 : i32
      %dma_start3A_40 = arith.constant 0 : i32
      %dma_start3A_41 = tpu.memref_slice %arg2[%dma_start3A, %dma_start3A_40] : memref<20000x128xf32, #tpu.memory_space<hbm>> -> memref<20000x128xf32, #tpu.memory_space<hbm>>
      tpu.enqueue_indirect_dma source(%dma_start3A_41 : memref<20000x128xf32, #tpu.memory_space<hbm>>) target(%arg10 : memref<80x128xf32, #tpu.memory_space<vmem>>) offsets(%arg8 : memref<80xi32, #tpu.memory_space<vmem>>) semaphore(%arg17 : memref<!tpu.dma_semaphore, #tpu.memory_space<semaphore_mem>>)
      %dma_wait3A = arith.constant 0 : i32
      %dma_wait3A_42 = arith.constant 0 : i32
      %dma_wait3A_43 = tpu.memref_slice %arg2[%dma_wait3A, %dma_wait3A_42] : memref<20000x128xf32, #tpu.memory_space<hbm>> -> memref<20000x128xf32, #tpu.memory_space<hbm>>
      tpu.wait_indirect_dma semaphore(%arg17 : memref<!tpu.dma_semaphore, #tpu.memory_space<semaphore_mem>>) src(%dma_wait3A_43 : memref<20000x128xf32, #tpu.memory_space<hbm>>) dst(%arg10 : memref<80x128xf32, #tpu.memory_space<vmem>>)
      %scan3A_44 = arith.constant 0 : i32
      %scan3A_45 = arith.constant 0 : i32
      %scan3A_46 = arith.constant 80 : i32
      %scan3A_47 = arith.addi %scan3A_45, %scan3A_46 : i32
      %scan3A_48 = arith.constant 1 : i32
      scf.for %scan3A_50 = %scan3A_45 to %scan3A_47 step %scan3A_48  : i32 {
        %get3A = arith.index_cast %scan3A_50 : i32 to index
        %get3A_51 = arith.constant 0 : index
        %get3A_52 = tpu.vector_load %arg12[%get3A, %get3A_51] {strides = array<i32>} : memref<80x16xf32, #tpu.memory_space<vmem>>, vector<1x16xf32>,
        %get3A_53 = vector.shape_cast %get3A_52 : vector<1x16xf32> to vector<16xf32>
        %slice3A = vector.extract_strided_slice %get3A_53 {offsets = [0], sizes = [1], strides = [1]} : vector<16xf32> to vector<1xf32>
        %squeeze3A = vector.extract %slice3A[0] : f32 from vector<1xf32>
        %get3A_54 = arith.index_cast %scan3A_50 : i32 to index
        %get3A_55 = arith.constant 0 : index
        %get3A_56 = tpu.vector_load %arg10[%get3A_54, %get3A_55] {strides = array<i32>} : memref<80x128xf32, #tpu.memory_space<vmem>>, vector<1x16xf32>,
        %get3A_57 = vector.shape_cast %get3A_56 : vector<1x16xf32> to vector<16xf32>
        %mul3A_58 = vector.broadcast %squeeze3A : f32 to vector<16xf32>
        %mul3A_59 = arith.mulf %get3A_57, %mul3A_58 : vector<16xf32>
        %swap3A = arith.index_cast %scan3A_50 : i32 to index
        %swap3A_60 = arith.constant 0 : index
        %swap3A_61 = tpu.vector_load %arg11[%swap3A, %swap3A_60] {strides = array<i32>} : memref<80x128xf32, #tpu.memory_space<vmem>>, vector<1x16xf32>,
        %swap3A_62 = vector.shape_cast %swap3A_61 : vector<1x16xf32> to vector<16xf32>
        %swap3A_63 = vector.shape_cast %mul3A_59 : vector<16xf32> to vector<1x16xf32>
        tpu.vector_store %arg11[%swap3A, %swap3A_60], %swap3A_63 {strides = array<i32>} : memref<80x128xf32, #tpu.memory_space<vmem>>, vector<1x16xf32>,
        %slice3A_64 = vector.extract_strided_slice %get3A_53 {offsets = [0], sizes = [1], strides = [1]} : vector<16xf32> to vector<1xf32>
        %squeeze3A_65 = vector.extract %slice3A_64[0] : f32 from vector<1xf32>
        %get3A_66 = arith.index_cast %scan3A_50 : i32 to index
        %get3A_67 = arith.constant 16 : index
        %get3A_68 = tpu.vector_load %arg10[%get3A_66, %get3A_67] {strides = array<i32>} : memref<80x128xf32, #tpu.memory_space<vmem>>, vector<1x16xf32>,
        %get3A_69 = vector.shape_cast %get3A_68 : vector<1x16xf32> to vector<16xf32>
        %mul3A_70 = vector.broadcast %squeeze3A_65 : f32 to vector<16xf32>
        %mul3A_71 = arith.mulf %get3A_69, %mul3A_70 : vector<16xf32>
        %swap3A_72 = arith.index_cast %scan3A_50 : i32 to index
        %swap3A_73 = arith.constant 16 : index
        %swap3A_74 = tpu.vector_load %arg11[%swap3A_72, %swap3A_73] {strides = array<i32>} : memref<80x128xf32, #tpu.memory_space<vmem>>, vector<1x16xf32>,
        %swap3A_75 = vector.shape_cast %swap3A_74 : vector<1x16xf32> to vector<16xf32>
        %swap3A_76 = vector.shape_cast %mul3A_71 : vector<16xf32> to vector<1x16xf32>
        tpu.vector_store %arg11[%swap3A_72, %swap3A_73], %swap3A_76 {strides = array<i32>} : memref<80x128xf32, #tpu.memory_space<vmem>>, vector<1x16xf32>,
        %slice3A_77 = vector.extract_strided_slice %get3A_53 {offsets = [1], sizes = [1], strides = [1]} : vector<16xf32> to vector<1xf32>
        %squeeze3A_78 = vector.extract %slice3A_77[0] : f32 from vector<1xf32>
        %get3A_79 = arith.index_cast %scan3A_50 : i32 to index
        %get3A_80 = arith.constant 32 : index
        %get3A_81 = tpu.vector_load %arg10[%get3A_79, %get3A_80] {strides = array<i32>} : memref<80x128xf32, #tpu.memory_space<vmem>>, vector<1x16xf32>,
        %get3A_82 = vector.shape_cast %get3A_81 : vector<1x16xf32> to vector<16xf32>
        %mul3A_83 = vector.broadcast %squeeze3A_78 : f32 to vector<16xf32>
        %mul3A_84 = arith.mulf %get3A_82, %mul3A_83 : vector<16xf32>
        %swap3A_85 = arith.index_cast %scan3A_50 : i32 to index
        %swap3A_86 = arith.constant 32 : index
        %swap3A_87 = tpu.vector_load %arg11[%swap3A_85, %swap3A_86] {strides = array<i32>} : memref<80x128xf32, #tpu.memory_space<vmem>>, vector<1x16xf32>,
        %swap3A_88 = vector.shape_cast %swap3A_87 : vector<1x16xf32> to vector<16xf32>
        %swap3A_89 = vector.shape_cast %mul3A_84 : vector<16xf32> to vector<1x16xf32>
        tpu.vector_store %arg11[%swap3A_85, %swap3A_86], %swap3A_89 {strides = array<i32>} : memref<80x128xf32, #tpu.memory_space<vmem>>, vector<1x16xf32>,
        %slice3A_90 = vector.extract_strided_slice %get3A_53 {offsets = [1], sizes = [1], strides = [1]} : vector<16xf32> to vector<1xf32>
        %squeeze3A_91 = vector.extract %slice3A_90[0] : f32 from vector<1xf32>
        %get3A_92 = arith.index_cast %scan3A_50 : i32 to index
        %get3A_93 = arith.constant 48 : index
        %get3A_94 = tpu.vector_load %arg10[%get3A_92, %get3A_93] {strides = array<i32>} : memref<80x128xf32, #tpu.memory_space<vmem>>, vector<1x16xf32>,
        %get3A_95 = vector.shape_cast %get3A_94 : vector<1x16xf32> to vector<16xf32>
        %mul3A_96 = vector.broadcast %squeeze3A_91 : f32 to vector<16xf32>
        %mul3A_97 = arith.mulf %get3A_95, %mul3A_96 : vector<16xf32>
        %swap3A_98 = arith.index_cast %scan3A_50 : i32 to index
        %swap3A_99 = arith.constant 48 : index
        %swap3A_100 = tpu.vector_load %arg11[%swap3A_98, %swap3A_99] {strides = array<i32>} : memref<80x128xf32, #tpu.memory_space<vmem>>, vector<1x16xf32>,
        %swap3A_101 = vector.shape_cast %swap3A_100 : vector<1x16xf32> to vector<16xf32>
        %swap3A_102 = vector.shape_cast %mul3A_97 : vector<16xf32> to vector<1x16xf32>
        tpu.vector_store %arg11[%swap3A_98, %swap3A_99], %swap3A_102 {strides = array<i32>} : memref<80x128xf32, #tpu.memory_space<vmem>>, vector<1x16xf32>,
        %slice3A_103 = vector.extract_strided_slice %get3A_53 {offsets = [2], sizes = [1], strides = [1]} : vector<16xf32> to vector<1xf32>
        %squeeze3A_104 = vector.extract %slice3A_103[0] : f32 from vector<1xf32>
        %get3A_105 = arith.index_cast %scan3A_50 : i32 to index
        %get3A_106 = arith.constant 64 : index
        %get3A_107 = tpu.vector_load %arg10[%get3A_105, %get3A_106] {strides = array<i32>} : memref<80x128xf32, #tpu.memory_space<vmem>>, vector<1x16xf32>,
        %get3A_108 = vector.shape_cast %get3A_107 : vector<1x16xf32> to vector<16xf32>
        %mul3A_109 = vector.broadcast %squeeze3A_104 : f32 to vector<16xf32>
        %mul3A_110 = arith.mulf %get3A_108, %mul3A_109 : vector<16xf32>
        %swap3A_111 = arith.index_cast %scan3A_50 : i32 to index
        %swap3A_112 = arith.constant 64 : index
        %swap3A_113 = tpu.vector_load %arg11[%swap3A_111, %swap3A_112] {strides = array<i32>} : memref<80x128xf32, #tpu.memory_space<vmem>>, vector<1x16xf32>,
        %swap3A_114 = vector.shape_cast %swap3A_113 : vector<1x16xf32> to vector<16xf32>
        %swap3A_115 = vector.shape_cast %mul3A_110 : vector<16xf32> to vector<1x16xf32>
        tpu.vector_store %arg11[%swap3A_111, %swap3A_112], %swap3A_115 {strides = array<i32>} : memref<80x128xf32, #tpu.memory_space<vmem>>, vector<1x16xf32>,
        %slice3A_116 = vector.extract_strided_slice %get3A_53 {offsets = [2], sizes = [1], strides = [1]} : vector<16xf32> to vector<1xf32>
        %squeeze3A_117 = vector.extract %slice3A_116[0] : f32 from vector<1xf32>
        %get3A_118 = arith.index_cast %scan3A_50 : i32 to index
        %get3A_119 = arith.constant 80 : index
        %get3A_120 = tpu.vector_load %arg10[%get3A_118, %get3A_119] {strides = array<i32>} : memref<80x128xf32, #tpu.memory_space<vmem>>, vector<1x16xf32>,
        %get3A_121 = vector.shape_cast %get3A_120 : vector<1x16xf32> to vector<16xf32>
        %mul3A_122 = vector.broadcast %squeeze3A_117 : f32 to vector<16xf32>
        %mul3A_123 = arith.mulf %get3A_121, %mul3A_122 : vector<16xf32>
        %swap3A_124 = arith.index_cast %scan3A_50 : i32 to index
        %swap3A_125 = arith.constant 80 : index
        %swap3A_126 = tpu.vector_load %arg11[%swap3A_124, %swap3A_125] {strides = array<i32>} : memref<80x128xf32, #tpu.memory_space<vmem>>, vector<1x16xf32>,
        %swap3A_127 = vector.shape_cast %swap3A_126 : vector<1x16xf32> to vector<16xf32>
        %swap3A_128 = vector.shape_cast %mul3A_123 : vector<16xf32> to vector<1x16xf32>
        tpu.vector_store %arg11[%swap3A_124, %swap3A_125], %swap3A_128 {strides = array<i32>} : memref<80x128xf32, #tpu.memory_space<vmem>>, vector<1x16xf32>,
        %slice3A_129 = vector.extract_strided_slice %get3A_53 {offsets = [3], sizes = [1], strides = [1]} : vector<16xf32> to vector<1xf32>
        %squeeze3A_130 = vector.extract %slice3A_129[0] : f32 from vector<1xf32>
        %get3A_131 = arith.index_cast %scan3A_50 : i32 to index
        %get3A_132 = arith.constant 96 : index
        %get3A_133 = tpu.vector_load %arg10[%get3A_131, %get3A_132] {strides = array<i32>} : memref<80x128xf32, #tpu.memory_space<vmem>>, vector<1x16xf32>,
        %get3A_134 = vector.shape_cast %get3A_133 : vector<1x16xf32> to vector<16xf32>
        %mul3A_135 = vector.broadcast %squeeze3A_130 : f32 to vector<16xf32>
        %mul3A_136 = arith.mulf %get3A_134, %mul3A_135 : vector<16xf32>
        %swap3A_137 = arith.index_cast %scan3A_50 : i32 to index
        %swap3A_138 = arith.constant 96 : index
        %swap3A_139 = tpu.vector_load %arg11[%swap3A_137, %swap3A_138] {strides = array<i32>} : memref<80x128xf32, #tpu.memory_space<vmem>>, vector<1x16xf32>,
        %swap3A_140 = vector.shape_cast %swap3A_139 : vector<1x16xf32> to vector<16xf32>
        %swap3A_141 = vector.shape_cast %mul3A_136 : vector<16xf32> to vector<1x16xf32>
        tpu.vector_store %arg11[%swap3A_137, %swap3A_138], %swap3A_141 {strides = array<i32>} : memref<80x128xf32, #tpu.memory_space<vmem>>, vector<1x16xf32>,
        %slice3A_142 = vector.extract_strided_slice %get3A_53 {offsets = [3], sizes = [1], strides = [1]} : vector<16xf32> to vector<1xf32>
        %squeeze3A_143 = vector.extract %slice3A_142[0] : f32 from vector<1xf32>
        %get3A_144 = arith.index_cast %scan3A_50 : i32 to index
        %get3A_145 = arith.constant 112 : index
        %get3A_146 = tpu.vector_load %arg10[%get3A_144, %get3A_145] {strides = array<i32>} : memref<80x128xf32, #tpu.memory_space<vmem>>, vector<1x16xf32>,
        %get3A_147 = vector.shape_cast %get3A_146 : vector<1x16xf32> to vector<16xf32>
        %mul3A_148 = vector.broadcast %squeeze3A_143 : f32 to vector<16xf32>
        %mul3A_149 = arith.mulf %get3A_147, %mul3A_148 : vector<16xf32>
        %swap3A_150 = arith.index_cast %scan3A_50 : i32 to index
        %swap3A_151 = arith.constant 112 : index
        %swap3A_152 = tpu.vector_load %arg11[%swap3A_150, %swap3A_151] {strides = array<i32>} : memref<80x128xf32, #tpu.memory_space<vmem>>, vector<1x16xf32>,
        %swap3A_153 = vector.shape_cast %swap3A_152 : vector<1x16xf32> to vector<16xf32>
        %swap3A_154 = vector.shape_cast %mul3A_149 : vector<16xf32> to vector<1x16xf32>
        tpu.vector_store %arg11[%swap3A_150, %swap3A_151], %swap3A_154 {strides = array<i32>} : memref<80x128xf32, #tpu.memory_space<vmem>>, vector<1x16xf32>,
      }
      %scan3A_49 = arith.constant 80 : i32
      "tpu.region"() ({
        %run_scoped3A = tpu.sem_alloc : memref<!tpu.dma_semaphore, #tpu.memory_space<semaphore_mem>>
        %dma_start3A_50 = arith.constant 0 : i32
        %dma_start3A_51 = arith.constant 0 : i32
        %dma_start3A_52 = tpu.memref_slice %arg16[%dma_start3A_50, %dma_start3A_51] : memref<10240x128xf32, #tpu.memory_space<vmem_shared>> -> memref<10240x128xf32, #tpu.memory_space<vmem_shared>>
        tpu.enqueue_indirect_dma source(%arg11 : memref<80x128xf32, #tpu.memory_space<vmem>>) target(%dma_start3A_52 : memref<10240x128xf32, #tpu.memory_space<vmem_shared>>) offsets(%arg9 : memref<80xi32, #tpu.memory_space<vmem>>) semaphore(%run_scoped3A : memref<!tpu.dma_semaphore, #tpu.memory_space<semaphore_mem>>) {add = true}
        %dma_wait3A_53 = arith.constant 0 : i32
        %dma_wait3A_54 = arith.constant 0 : i32
        %dma_wait3A_55 = tpu.memref_slice %arg16[%dma_wait3A_53, %dma_wait3A_54] : memref<10240x128xf32, #tpu.memory_space<vmem_shared>> -> memref<10240x128xf32, #tpu.memory_space<vmem_shared>>
        tpu.wait_indirect_dma semaphore(%run_scoped3A : memref<!tpu.dma_semaphore, #tpu.memory_space<semaphore_mem>>) src(%arg11 : memref<80x128xf32, #tpu.memory_space<vmem>>) dst(%dma_wait3A_55 : memref<10240x128xf32, #tpu.memory_space<vmem_shared>>)
        tpu.yield
      }) : () -> ()
    }
    %scan3A_17 = arith.constant 125 : i32
    %barrier3A_18 = arith.constant 0 : index
    tpu.barrier barrier_id(%barrier3A_18)
    %scan3A_19 = arith.constant 0 : i32
    %scan3A_20 = arith.constant 0 : i32
    %scan3A_21 = arith.constant 20 : i32
    %scan3A_22 = arith.addi %scan3A_20, %scan3A_21 : i32
    %scan3A_23 = arith.constant 1 : i32
    scf.for %scan3A_25 = %scan3A_20 to %scan3A_22 step %scan3A_23  : i32 {
      %mul3A = arith.constant 16 : i32
      %mul3A_26 = arith.muli %mul3A, %scan3A_25 : i32
      %add3A = arith.addi %arg1, %mul3A_26 : i32
      %mul3A_27 = arith.constant 32 : i32
      %mul3A_28 = arith.muli %add3A, %mul3A_27 : i32
      "tpu.region"() ({
        %run_scoped3A = tpu.sem_alloc : memref<!tpu.dma_semaphore, #tpu.memory_space<semaphore_mem>>
        %dma_start3A = arith.constant 0 : i32
        %dma_start3A_49 = tpu.memref_slice %arg16[%mul3A_28, %dma_start3A] : memref<10240x128xf32, #tpu.memory_space<vmem_shared>> -> memref<32x128xf32, #tpu.memory_space<vmem_shared>>
        %dma_start3A_50 = arith.constant 0 : i32
        %dma_start3A_51 = tpu.memref_slice %arg16[%mul3A_28, %dma_start3A_50] : memref<10240x128xf32, #tpu.memory_space<vmem_shared>> -> memref<32x128xf32, #tpu.memory_space<vmem_shared>>
        tpu.enqueue_dma source(%dma_start3A_51 : memref<32x128xf32, #tpu.memory_space<vmem_shared>>) target(%arg13 : memref<32x128xf32, #tpu.memory_space<vmem>>) target_semaphore(%run_scoped3A : memref<!tpu.dma_semaphore, #tpu.memory_space<semaphore_mem>>)
        %dma_wait3A = arith.constant 0 : i32
        %dma_wait3A_52 = tpu.memref_slice %arg16[%mul3A_28, %dma_wait3A] : memref<10240x128xf32, #tpu.memory_space<vmem_shared>> -> memref<32x128xf32, #tpu.memory_space<vmem_shared>>
        %dma_wait3A_53 = arith.constant 0 : i32
        %dma_wait3A_54 = tpu.memref_slice %arg16[%mul3A_28, %dma_wait3A_53] : memref<10240x128xf32, #tpu.memory_space<vmem_shared>> -> memref<32x128xf32, #tpu.memory_space<vmem_shared>>
        tpu.wait_dma2 semaphore(%run_scoped3A : memref<!tpu.dma_semaphore, #tpu.memory_space<semaphore_mem>>) src(%dma_wait3A_54 : memref<32x128xf32, #tpu.memory_space<vmem_shared>>) dst(%arg13 : memref<32x128xf32, #tpu.memory_space<vmem>>)
        tpu.yield
      }) : () -> ()
      %mul3A_29 = arith.constant 10240 : i32
      %mul3A_30 = arith.muli %arg0, %mul3A_29 : i32
      %mul3A_31 = arith.constant 4 : i32
      %mul3A_32 = arith.muli %mul3A_30, %mul3A_31 : i32
      %mul3A_33 = arith.constant 32 : i32
      %mul3A_34 = arith.muli %add3A, %mul3A_33 : i32
      %mul3A_35 = arith.constant 4 : i32
      %mul3A_36 = arith.muli %mul3A_34, %mul3A_35 : i32
      %add3A_37 = arith.addi %mul3A_32, %mul3A_36 : i32
      "tpu.region"() ({
        %run_scoped3A = tpu.sem_alloc : memref<!tpu.dma_semaphore, #tpu.memory_space<semaphore_mem>>
        %dma_start3A = tpu.memref_slice %arg6[%add3A_37] : memref<81920xf32, #tpu.memory_space<hbm>> -> memref<128xf32, #tpu.memory_space<hbm>>
        %dma_start3A_49 = tpu.memref_slice %arg6[%add3A_37] : memref<81920xf32, #tpu.memory_space<hbm>> -> memref<128xf32, #tpu.memory_space<hbm>>
        tpu.enqueue_dma source(%dma_start3A_49 : memref<128xf32, #tpu.memory_space<hbm>>) target(%arg15 : memref<128xf32, #tpu.memory_space<vmem>>) target_semaphore(%run_scoped3A : memref<!tpu.dma_semaphore, #tpu.memory_space<semaphore_mem>>)
        %dma_wait3A = tpu.memref_slice %arg6[%add3A_37] : memref<81920xf32, #tpu.memory_space<hbm>> -> memref<128xf32, #tpu.memory_space<hbm>>
        %dma_wait3A_50 = tpu.memref_slice %arg6[%add3A_37] : memref<81920xf32, #tpu.memory_space<hbm>> -> memref<128xf32, #tpu.memory_space<hbm>>
        tpu.wait_dma2 semaphore(%run_scoped3A : memref<!tpu.dma_semaphore, #tpu.memory_space<semaphore_mem>>) src(%dma_wait3A_50 : memref<128xf32, #tpu.memory_space<hbm>>) dst(%arg15 : memref<128xf32, #tpu.memory_space<vmem>>)
        tpu.yield
      }) : () -> ()
      %scan3A_38 = arith.constant 0 : i32
      %scan3A_39 = arith.constant 0 : i32
      %scan3A_40 = arith.constant 8 : i32
      %scan3A_41 = arith.addi %scan3A_39, %scan3A_40 : i32
      %scan3A_42 = arith.constant 1 : i32
      scf.for %scan3A_49 = %scan3A_39 to %scan3A_41 step %scan3A_42  : i32 {
        %mul3A_50 = arith.constant 16 : i32
        %mul3A_51 = arith.muli %scan3A_49, %mul3A_50 : i32
        %get3A = arith.index_cast %mul3A_51 : i32 to index
        %get3A_52 = tpu.vector_load %arg15[%get3A] {strides = array<i32>} : memref<128xf32, #tpu.memory_space<vmem>>, vector<16xf32>,
        %get3A_53 = vector.shape_cast %get3A_52 : vector<16xf32> to vector<16xf32>
        %gt3A = arith.constant 0.000000e+00 : f32
        %gt3A_54 = vector.broadcast %gt3A : f32 to vector<16xf32>
        %gt3A_55 = arith.cmpf ogt, %get3A_53, %gt3A_54 : vector<16xf32>
        %div3A = arith.constant 1.000000e+00 : f32
        %div3A_56 = vector.broadcast %div3A : f32 to vector<16xf32>
        %div3A_57 = arith.divf %div3A_56, %get3A_53 : vector<16xf32>
        %jit3A = arith.constant 0.000000e+00 : f32
        %broadcast_in_dim3A_58 = vector.broadcast %jit3A : f32 to vector<16xf32>
        %select_n3A = arith.select %gt3A_55, %div3A_57, %broadcast_in_dim3A_58 : vector<16xi1>, vector<16xf32>
        %mul3A_59 = arith.constant 4 : i32
        %mul3A_60 = arith.muli %scan3A_49, %mul3A_59 : i32
        %add3A_61 = arith.constant 0 : i32
        %add3A_62 = arith.addi %mul3A_60, %add3A_61 : i32
        %slice3A = vector.extract_strided_slice %select_n3A {offsets = [0], sizes = [1], strides = [1]} : vector<16xf32> to vector<1xf32>
        %squeeze3A = vector.extract %slice3A[0] : f32 from vector<1xf32>
        %get3A_63 = arith.index_cast %add3A_62 : i32 to index
        %get3A_64 = arith.constant 0 : index
        %get3A_65 = tpu.vector_load %arg13[%get3A_63, %get3A_64] {strides = array<i32>} : memref<32x128xf32, #tpu.memory_space<vmem>>, vector<1x16xf32>,
        %get3A_66 = vector.shape_cast %get3A_65 : vector<1x16xf32> to vector<16xf32>
        %mul3A_67 = vector.broadcast %squeeze3A : f32 to vector<16xf32>
        %mul3A_68 = arith.mulf %get3A_66, %mul3A_67 : vector<16xf32>
        %swap3A = arith.index_cast %add3A_62 : i32 to index
        %swap3A_69 = arith.constant 0 : index
        %swap3A_70 = tpu.vector_load %arg14[%swap3A, %swap3A_69] {strides = array<i32>} : memref<32x128xf32, #tpu.memory_space<vmem>>, vector<1x16xf32>,
        %swap3A_71 = vector.shape_cast %swap3A_70 : vector<1x16xf32> to vector<16xf32>
        %swap3A_72 = vector.shape_cast %mul3A_68 : vector<16xf32> to vector<1x16xf32>
        tpu.vector_store %arg14[%swap3A, %swap3A_69], %swap3A_72 {strides = array<i32>} : memref<32x128xf32, #tpu.memory_space<vmem>>, vector<1x16xf32>,
        %get3A_73 = arith.index_cast %add3A_62 : i32 to index
        %get3A_74 = arith.constant 16 : index
        %get3A_75 = tpu.vector_load %arg13[%get3A_73, %get3A_74] {strides = array<i32>} : memref<32x128xf32, #tpu.memory_space<vmem>>, vector<1x16xf32>,
        %get3A_76 = vector.shape_cast %get3A_75 : vector<1x16xf32> to vector<16xf32>
        %mul3A_77 = vector.broadcast %squeeze3A : f32 to vector<16xf32>
        %mul3A_78 = arith.mulf %get3A_76, %mul3A_77 : vector<16xf32>
        %swap3A_79 = arith.index_cast %add3A_62 : i32 to index
        %swap3A_80 = arith.constant 16 : index
        %swap3A_81 = tpu.vector_load %arg14[%swap3A_79, %swap3A_80] {strides = array<i32>} : memref<32x128xf32, #tpu.memory_space<vmem>>, vector<1x16xf32>,
        %swap3A_82 = vector.shape_cast %swap3A_81 : vector<1x16xf32> to vector<16xf32>
        %swap3A_83 = vector.shape_cast %mul3A_78 : vector<16xf32> to vector<1x16xf32>
        tpu.vector_store %arg14[%swap3A_79, %swap3A_80], %swap3A_83 {strides = array<i32>} : memref<32x128xf32, #tpu.memory_space<vmem>>, vector<1x16xf32>,
        %slice3A_84 = vector.extract_strided_slice %select_n3A {offsets = [1], sizes = [1], strides = [1]} : vector<16xf32> to vector<1xf32>
        %squeeze3A_85 = vector.extract %slice3A_84[0] : f32 from vector<1xf32>
        %get3A_86 = arith.index_cast %add3A_62 : i32 to index
        %get3A_87 = arith.constant 32 : index
        %get3A_88 = tpu.vector_load %arg13[%get3A_86, %get3A_87] {strides = array<i32>} : memref<32x128xf32, #tpu.memory_space<vmem>>, vector<1x16xf32>,
        %get3A_89 = vector.shape_cast %get3A_88 : vector<1x16xf32> to vector<16xf32>
        %mul3A_90 = vector.broadcast %squeeze3A_85 : f32 to vector<16xf32>
        %mul3A_91 = arith.mulf %get3A_89, %mul3A_90 : vector<16xf32>
        %swap3A_92 = arith.index_cast %add3A_62 : i32 to index
        %swap3A_93 = arith.constant 32 : index
        %swap3A_94 = tpu.vector_load %arg14[%swap3A_92, %swap3A_93] {strides = array<i32>} : memref<32x128xf32, #tpu.memory_space<vmem>>, vector<1x16xf32>,
        %swap3A_95 = vector.shape_cast %swap3A_94 : vector<1x16xf32> to vector<16xf32>
        %swap3A_96 = vector.shape_cast %mul3A_91 : vector<16xf32> to vector<1x16xf32>
        tpu.vector_store %arg14[%swap3A_92, %swap3A_93], %swap3A_96 {strides = array<i32>} : memref<32x128xf32, #tpu.memory_space<vmem>>, vector<1x16xf32>,
        %get3A_97 = arith.index_cast %add3A_62 : i32 to index
        %get3A_98 = arith.constant 48 : index
        %get3A_99 = tpu.vector_load %arg13[%get3A_97, %get3A_98] {strides = array<i32>} : memref<32x128xf32, #tpu.memory_space<vmem>>, vector<1x16xf32>,
        %get3A_100 = vector.shape_cast %get3A_99 : vector<1x16xf32> to vector<16xf32>
        %mul3A_101 = vector.broadcast %squeeze3A_85 : f32 to vector<16xf32>
        %mul3A_102 = arith.mulf %get3A_100, %mul3A_101 : vector<16xf32>
        %swap3A_103 = arith.index_cast %add3A_62 : i32 to index
        %swap3A_104 = arith.constant 48 : index
        %swap3A_105 = tpu.vector_load %arg14[%swap3A_103, %swap3A_104] {strides = array<i32>} : memref<32x128xf32, #tpu.memory_space<vmem>>, vector<1x16xf32>,
        %swap3A_106 = vector.shape_cast %swap3A_105 : vector<1x16xf32> to vector<16xf32>
        %swap3A_107 = vector.shape_cast %mul3A_102 : vector<16xf32> to vector<1x16xf32>
        tpu.vector_store %arg14[%swap3A_103, %swap3A_104], %swap3A_107 {strides = array<i32>} : memref<32x128xf32, #tpu.memory_space<vmem>>, vector<1x16xf32>,
        %slice3A_108 = vector.extract_strided_slice %select_n3A {offsets = [2], sizes = [1], strides = [1]} : vector<16xf32> to vector<1xf32>
        %squeeze3A_109 = vector.extract %slice3A_108[0] : f32 from vector<1xf32>
        %get3A_110 = arith.index_cast %add3A_62 : i32 to index
        %get3A_111 = arith.constant 64 : index
        %get3A_112 = tpu.vector_load %arg13[%get3A_110, %get3A_111] {strides = array<i32>} : memref<32x128xf32, #tpu.memory_space<vmem>>, vector<1x16xf32>,
        %get3A_113 = vector.shape_cast %get3A_112 : vector<1x16xf32> to vector<16xf32>
        %mul3A_114 = vector.broadcast %squeeze3A_109 : f32 to vector<16xf32>
        %mul3A_115 = arith.mulf %get3A_113, %mul3A_114 : vector<16xf32>
        %swap3A_116 = arith.index_cast %add3A_62 : i32 to index
        %swap3A_117 = arith.constant 64 : index
        %swap3A_118 = tpu.vector_load %arg14[%swap3A_116, %swap3A_117] {strides = array<i32>} : memref<32x128xf32, #tpu.memory_space<vmem>>, vector<1x16xf32>,
        %swap3A_119 = vector.shape_cast %swap3A_118 : vector<1x16xf32> to vector<16xf32>
        %swap3A_120 = vector.shape_cast %mul3A_115 : vector<16xf32> to vector<1x16xf32>
        tpu.vector_store %arg14[%swap3A_116, %swap3A_117], %swap3A_120 {strides = array<i32>} : memref<32x128xf32, #tpu.memory_space<vmem>>, vector<1x16xf32>,
        %get3A_121 = arith.index_cast %add3A_62 : i32 to index
        %get3A_122 = arith.constant 80 : index
        %get3A_123 = tpu.vector_load %arg13[%get3A_121, %get3A_122] {strides = array<i32>} : memref<32x128xf32, #tpu.memory_space<vmem>>, vector<1x16xf32>,
        %get3A_124 = vector.shape_cast %get3A_123 : vector<1x16xf32> to vector<16xf32>
        %mul3A_125 = vector.broadcast %squeeze3A_109 : f32 to vector<16xf32>
        %mul3A_126 = arith.mulf %get3A_124, %mul3A_125 : vector<16xf32>
        %swap3A_127 = arith.index_cast %add3A_62 : i32 to index
        %swap3A_128 = arith.constant 80 : index
        %swap3A_129 = tpu.vector_load %arg14[%swap3A_127, %swap3A_128] {strides = array<i32>} : memref<32x128xf32, #tpu.memory_space<vmem>>, vector<1x16xf32>,
        %swap3A_130 = vector.shape_cast %swap3A_129 : vector<1x16xf32> to vector<16xf32>
        %swap3A_131 = vector.shape_cast %mul3A_126 : vector<16xf32> to vector<1x16xf32>
        tpu.vector_store %arg14[%swap3A_127, %swap3A_128], %swap3A_131 {strides = array<i32>} : memref<32x128xf32, #tpu.memory_space<vmem>>, vector<1x16xf32>,
        %slice3A_132 = vector.extract_strided_slice %select_n3A {offsets = [3], sizes = [1], strides = [1]} : vector<16xf32> to vector<1xf32>
        %squeeze3A_133 = vector.extract %slice3A_132[0] : f32 from vector<1xf32>
        %get3A_134 = arith.index_cast %add3A_62 : i32 to index
        %get3A_135 = arith.constant 96 : index
        %get3A_136 = tpu.vector_load %arg13[%get3A_134, %get3A_135] {strides = array<i32>} : memref<32x128xf32, #tpu.memory_space<vmem>>, vector<1x16xf32>,
        %get3A_137 = vector.shape_cast %get3A_136 : vector<1x16xf32> to vector<16xf32>
        %mul3A_138 = vector.broadcast %squeeze3A_133 : f32 to vector<16xf32>
        %mul3A_139 = arith.mulf %get3A_137, %mul3A_138 : vector<16xf32>
        %swap3A_140 = arith.index_cast %add3A_62 : i32 to index
        %swap3A_141 = arith.constant 96 : index
        %swap3A_142 = tpu.vector_load %arg14[%swap3A_140, %swap3A_141] {strides = array<i32>} : memref<32x128xf32, #tpu.memory_space<vmem>>, vector<1x16xf32>,
        %swap3A_143 = vector.shape_cast %swap3A_142 : vector<1x16xf32> to vector<16xf32>
        %swap3A_144 = vector.shape_cast %mul3A_139 : vector<16xf32> to vector<1x16xf32>
        tpu.vector_store %arg14[%swap3A_140, %swap3A_141], %swap3A_144 {strides = array<i32>} : memref<32x128xf32, #tpu.memory_space<vmem>>, vector<1x16xf32>,
        %get3A_145 = arith.index_cast %add3A_62 : i32 to index
        %get3A_146 = arith.constant 112 : index
        %get3A_147 = tpu.vector_load %arg13[%get3A_145, %get3A_146] {strides = array<i32>} : memref<32x128xf32, #tpu.memory_space<vmem>>, vector<1x16xf32>,
        %get3A_148 = vector.shape_cast %get3A_147 : vector<1x16xf32> to vector<16xf32>
        %mul3A_149 = vector.broadcast %squeeze3A_133 : f32 to vector<16xf32>
        %mul3A_150 = arith.mulf %get3A_148, %mul3A_149 : vector<16xf32>
        %swap3A_151 = arith.index_cast %add3A_62 : i32 to index
        %swap3A_152 = arith.constant 112 : index
        %swap3A_153 = tpu.vector_load %arg14[%swap3A_151, %swap3A_152] {strides = array<i32>} : memref<32x128xf32, #tpu.memory_space<vmem>>, vector<1x16xf32>,
        %swap3A_154 = vector.shape_cast %swap3A_153 : vector<1x16xf32> to vector<16xf32>
        %swap3A_155 = vector.shape_cast %mul3A_150 : vector<16xf32> to vector<1x16xf32>
        tpu.vector_store %arg14[%swap3A_151, %swap3A_152], %swap3A_155 {strides = array<i32>} : memref<32x128xf32, #tpu.memory_space<vmem>>, vector<1x16xf32>,
        %mul3A_156 = arith.constant 4 : i32
        %mul3A_157 = arith.muli %scan3A_49, %mul3A_156 : i32
        %add3A_158 = arith.constant 1 : i32
        %add3A_159 = arith.addi %mul3A_157, %add3A_158 : i32
        %slice3A_160 = vector.extract_strided_slice %select_n3A {offsets = [4], sizes = [1], strides = [1]} : vector<16xf32> to vector<1xf32>
        %squeeze3A_161 = vector.extract %slice3A_160[0] : f32 from vector<1xf32>
        %get3A_162 = arith.index_cast %add3A_159 : i32 to index
        %get3A_163 = arith.constant 0 : index
        %get3A_164 = tpu.vector_load %arg13[%get3A_162, %get3A_163] {strides = array<i32>} : memref<32x128xf32, #tpu.memory_space<vmem>>, vector<1x16xf32>,
        %get3A_165 = vector.shape_cast %get3A_164 : vector<1x16xf32> to vector<16xf32>
        %mul3A_166 = vector.broadcast %squeeze3A_161 : f32 to vector<16xf32>
        %mul3A_167 = arith.mulf %get3A_165, %mul3A_166 : vector<16xf32>
        %swap3A_168 = arith.index_cast %add3A_159 : i32 to index
        %swap3A_169 = arith.constant 0 : index
        %swap3A_170 = tpu.vector_load %arg14[%swap3A_168, %swap3A_169] {strides = array<i32>} : memref<32x128xf32, #tpu.memory_space<vmem>>, vector<1x16xf32>,
        %swap3A_171 = vector.shape_cast %swap3A_170 : vector<1x16xf32> to vector<16xf32>
        %swap3A_172 = vector.shape_cast %mul3A_167 : vector<16xf32> to vector<1x16xf32>
        tpu.vector_store %arg14[%swap3A_168, %swap3A_169], %swap3A_172 {strides = array<i32>} : memref<32x128xf32, #tpu.memory_space<vmem>>, vector<1x16xf32>,
        %get3A_173 = arith.index_cast %add3A_159 : i32 to index
        %get3A_174 = arith.constant 16 : index
        %get3A_175 = tpu.vector_load %arg13[%get3A_173, %get3A_174] {strides = array<i32>} : memref<32x128xf32, #tpu.memory_space<vmem>>, vector<1x16xf32>,
        %get3A_176 = vector.shape_cast %get3A_175 : vector<1x16xf32> to vector<16xf32>
        %mul3A_177 = vector.broadcast %squeeze3A_161 : f32 to vector<16xf32>
        %mul3A_178 = arith.mulf %get3A_176, %mul3A_177 : vector<16xf32>
        %swap3A_179 = arith.index_cast %add3A_159 : i32 to index
        %swap3A_180 = arith.constant 16 : index
        %swap3A_181 = tpu.vector_load %arg14[%swap3A_179, %swap3A_180] {strides = array<i32>} : memref<32x128xf32, #tpu.memory_space<vmem>>, vector<1x16xf32>,
        %swap3A_182 = vector.shape_cast %swap3A_181 : vector<1x16xf32> to vector<16xf32>
        %swap3A_183 = vector.shape_cast %mul3A_178 : vector<16xf32> to vector<1x16xf32>
        tpu.vector_store %arg14[%swap3A_179, %swap3A_180], %swap3A_183 {strides = array<i32>} : memref<32x128xf32, #tpu.memory_space<vmem>>, vector<1x16xf32>,
        %slice3A_184 = vector.extract_strided_slice %select_n3A {offsets = [5], sizes = [1], strides = [1]} : vector<16xf32> to vector<1xf32>
        %squeeze3A_185 = vector.extract %slice3A_184[0] : f32 from vector<1xf32>
        %get3A_186 = arith.index_cast %add3A_159 : i32 to index
        %get3A_187 = arith.constant 32 : index
        %get3A_188 = tpu.vector_load %arg13[%get3A_186, %get3A_187] {strides = array<i32>} : memref<32x128xf32, #tpu.memory_space<vmem>>, vector<1x16xf32>,
        %get3A_189 = vector.shape_cast %get3A_188 : vector<1x16xf32> to vector<16xf32>
        %mul3A_190 = vector.broadcast %squeeze3A_185 : f32 to vector<16xf32>
        %mul3A_191 = arith.mulf %get3A_189, %mul3A_190 : vector<16xf32>
        %swap3A_192 = arith.index_cast %add3A_159 : i32 to index
        %swap3A_193 = arith.constant 32 : index
        %swap3A_194 = tpu.vector_load %arg14[%swap3A_192, %swap3A_193] {strides = array<i32>} : memref<32x128xf32, #tpu.memory_space<vmem>>, vector<1x16xf32>,
        %swap3A_195 = vector.shape_cast %swap3A_194 : vector<1x16xf32> to vector<16xf32>
        %swap3A_196 = vector.shape_cast %mul3A_191 : vector<16xf32> to vector<1x16xf32>
        tpu.vector_store %arg14[%swap3A_192, %swap3A_193], %swap3A_196 {strides = array<i32>} : memref<32x128xf32, #tpu.memory_space<vmem>>, vector<1x16xf32>,
        %get3A_197 = arith.index_cast %add3A_159 : i32 to index
        %get3A_198 = arith.constant 48 : index
        %get3A_199 = tpu.vector_load %arg13[%get3A_197, %get3A_198] {strides = array<i32>} : memref<32x128xf32, #tpu.memory_space<vmem>>, vector<1x16xf32>,
        %get3A_200 = vector.shape_cast %get3A_199 : vector<1x16xf32> to vector<16xf32>
        %mul3A_201 = vector.broadcast %squeeze3A_185 : f32 to vector<16xf32>
        %mul3A_202 = arith.mulf %get3A_200, %mul3A_201 : vector<16xf32>
        %swap3A_203 = arith.index_cast %add3A_159 : i32 to index
        %swap3A_204 = arith.constant 48 : index
        %swap3A_205 = tpu.vector_load %arg14[%swap3A_203, %swap3A_204] {strides = array<i32>} : memref<32x128xf32, #tpu.memory_space<vmem>>, vector<1x16xf32>,
        %swap3A_206 = vector.shape_cast %swap3A_205 : vector<1x16xf32> to vector<16xf32>
        %swap3A_207 = vector.shape_cast %mul3A_202 : vector<16xf32> to vector<1x16xf32>
        tpu.vector_store %arg14[%swap3A_203, %swap3A_204], %swap3A_207 {strides = array<i32>} : memref<32x128xf32, #tpu.memory_space<vmem>>, vector<1x16xf32>,
        %slice3A_208 = vector.extract_strided_slice %select_n3A {offsets = [6], sizes = [1], strides = [1]} : vector<16xf32> to vector<1xf32>
        %squeeze3A_209 = vector.extract %slice3A_208[0] : f32 from vector<1xf32>
        %get3A_210 = arith.index_cast %add3A_159 : i32 to index
        %get3A_211 = arith.constant 64 : index
        %get3A_212 = tpu.vector_load %arg13[%get3A_210, %get3A_211] {strides = array<i32>} : memref<32x128xf32, #tpu.memory_space<vmem>>, vector<1x16xf32>,
        %get3A_213 = vector.shape_cast %get3A_212 : vector<1x16xf32> to vector<16xf32>
        %mul3A_214 = vector.broadcast %squeeze3A_209 : f32 to vector<16xf32>
        %mul3A_215 = arith.mulf %get3A_213, %mul3A_214 : vector<16xf32>
        %swap3A_216 = arith.index_cast %add3A_159 : i32 to index
        %swap3A_217 = arith.constant 64 : index
        %swap3A_218 = tpu.vector_load %arg14[%swap3A_216, %swap3A_217] {strides = array<i32>} : memref<32x128xf32, #tpu.memory_space<vmem>>, vector<1x16xf32>,
        %swap3A_219 = vector.shape_cast %swap3A_218 : vector<1x16xf32> to vector<16xf32>
        %swap3A_220 = vector.shape_cast %mul3A_215 : vector<16xf32> to vector<1x16xf32>
        tpu.vector_store %arg14[%swap3A_216, %swap3A_217], %swap3A_220 {strides = array<i32>} : memref<32x128xf32, #tpu.memory_space<vmem>>, vector<1x16xf32>,
        %get3A_221 = arith.index_cast %add3A_159 : i32 to index
        %get3A_222 = arith.constant 80 : index
        %get3A_223 = tpu.vector_load %arg13[%get3A_221, %get3A_222] {strides = array<i32>} : memref<32x128xf32, #tpu.memory_space<vmem>>, vector<1x16xf32>,
        %get3A_224 = vector.shape_cast %get3A_223 : vector<1x16xf32> to vector<16xf32>
        %mul3A_225 = vector.broadcast %squeeze3A_209 : f32 to vector<16xf32>
        %mul3A_226 = arith.mulf %get3A_224, %mul3A_225 : vector<16xf32>
        %swap3A_227 = arith.index_cast %add3A_159 : i32 to index
        %swap3A_228 = arith.constant 80 : index
        %swap3A_229 = tpu.vector_load %arg14[%swap3A_227, %swap3A_228] {strides = array<i32>} : memref<32x128xf32, #tpu.memory_space<vmem>>, vector<1x16xf32>,
        %swap3A_230 = vector.shape_cast %swap3A_229 : vector<1x16xf32> to vector<16xf32>
        %swap3A_231 = vector.shape_cast %mul3A_226 : vector<16xf32> to vector<1x16xf32>
        tpu.vector_store %arg14[%swap3A_227, %swap3A_228], %swap3A_231 {strides = array<i32>} : memref<32x128xf32, #tpu.memory_space<vmem>>, vector<1x16xf32>,
        %slice3A_232 = vector.extract_strided_slice %select_n3A {offsets = [7], sizes = [1], strides = [1]} : vector<16xf32> to vector<1xf32>
        %squeeze3A_233 = vector.extract %slice3A_232[0] : f32 from vector<1xf32>
        %get3A_234 = arith.index_cast %add3A_159 : i32 to index
        %get3A_235 = arith.constant 96 : index
        %get3A_236 = tpu.vector_load %arg13[%get3A_234, %get3A_235] {strides = array<i32>} : memref<32x128xf32, #tpu.memory_space<vmem>>, vector<1x16xf32>,
        %get3A_237 = vector.shape_cast %get3A_236 : vector<1x16xf32> to vector<16xf32>
        %mul3A_238 = vector.broadcast %squeeze3A_233 : f32 to vector<16xf32>
        %mul3A_239 = arith.mulf %get3A_237, %mul3A_238 : vector<16xf32>
        %swap3A_240 = arith.index_cast %add3A_159 : i32 to index
        %swap3A_241 = arith.constant 96 : index
        %swap3A_242 = tpu.vector_load %arg14[%swap3A_240, %swap3A_241] {strides = array<i32>} : memref<32x128xf32, #tpu.memory_space<vmem>>, vector<1x16xf32>,
        %swap3A_243 = vector.shape_cast %swap3A_242 : vector<1x16xf32> to vector<16xf32>
        %swap3A_244 = vector.shape_cast %mul3A_239 : vector<16xf32> to vector<1x16xf32>
        tpu.vector_store %arg14[%swap3A_240, %swap3A_241], %swap3A_244 {strides = array<i32>} : memref<32x128xf32, #tpu.memory_space<vmem>>, vector<1x16xf32>,
        %get3A_245 = arith.index_cast %add3A_159 : i32 to index
        %get3A_246 = arith.constant 112 : index
        %get3A_247 = tpu.vector_load %arg13[%get3A_245, %get3A_246] {strides = array<i32>} : memref<32x128xf32, #tpu.memory_space<vmem>>, vector<1x16xf32>,
        %get3A_248 = vector.shape_cast %get3A_247 : vector<1x16xf32> to vector<16xf32>
        %mul3A_249 = vector.broadcast %squeeze3A_233 : f32 to vector<16xf32>
        %mul3A_250 = arith.mulf %get3A_248, %mul3A_249 : vector<16xf32>
        %swap3A_251 = arith.index_cast %add3A_159 : i32 to index
        %swap3A_252 = arith.constant 112 : index
        %swap3A_253 = tpu.vector_load %arg14[%swap3A_251, %swap3A_252] {strides = array<i32>} : memref<32x128xf32, #tpu.memory_space<vmem>>, vector<1x16xf32>,
        %swap3A_254 = vector.shape_cast %swap3A_253 : vector<1x16xf32> to vector<16xf32>
        %swap3A_255 = vector.shape_cast %mul3A_250 : vector<16xf32> to vector<1x16xf32>
        tpu.vector_store %arg14[%swap3A_251, %swap3A_252], %swap3A_255 {strides = array<i32>} : memref<32x128xf32, #tpu.memory_space<vmem>>, vector<1x16xf32>,
        %mul3A_256 = arith.constant 4 : i32
        %mul3A_257 = arith.muli %scan3A_49, %mul3A_256 : i32
        %add3A_258 = arith.constant 2 : i32
        %add3A_259 = arith.addi %mul3A_257, %add3A_258 : i32
        %slice3A_260 = vector.extract_strided_slice %select_n3A {offsets = [8], sizes = [1], strides = [1]} : vector<16xf32> to vector<1xf32>
        %squeeze3A_261 = vector.extract %slice3A_260[0] : f32 from vector<1xf32>
        %get3A_262 = arith.index_cast %add3A_259 : i32 to index
        %get3A_263 = arith.constant 0 : index
        %get3A_264 = tpu.vector_load %arg13[%get3A_262, %get3A_263] {strides = array<i32>} : memref<32x128xf32, #tpu.memory_space<vmem>>, vector<1x16xf32>,
        %get3A_265 = vector.shape_cast %get3A_264 : vector<1x16xf32> to vector<16xf32>
        %mul3A_266 = vector.broadcast %squeeze3A_261 : f32 to vector<16xf32>
        %mul3A_267 = arith.mulf %get3A_265, %mul3A_266 : vector<16xf32>
        %swap3A_268 = arith.index_cast %add3A_259 : i32 to index
        %swap3A_269 = arith.constant 0 : index
        %swap3A_270 = tpu.vector_load %arg14[%swap3A_268, %swap3A_269] {strides = array<i32>} : memref<32x128xf32, #tpu.memory_space<vmem>>, vector<1x16xf32>,
        %swap3A_271 = vector.shape_cast %swap3A_270 : vector<1x16xf32> to vector<16xf32>
        %swap3A_272 = vector.shape_cast %mul3A_267 : vector<16xf32> to vector<1x16xf32>
        tpu.vector_store %arg14[%swap3A_268, %swap3A_269], %swap3A_272 {strides = array<i32>} : memref<32x128xf32, #tpu.memory_space<vmem>>, vector<1x16xf32>,
        %get3A_273 = arith.index_cast %add3A_259 : i32 to index
        %get3A_274 = arith.constant 16 : index
        %get3A_275 = tpu.vector_load %arg13[%get3A_273, %get3A_274] {strides = array<i32>} : memref<32x128xf32, #tpu.memory_space<vmem>>, vector<1x16xf32>,
        %get3A_276 = vector.shape_cast %get3A_275 : vector<1x16xf32> to vector<16xf32>
        %mul3A_277 = vector.broadcast %squeeze3A_261 : f32 to vector<16xf32>
        %mul3A_278 = arith.mulf %get3A_276, %mul3A_277 : vector<16xf32>
        %swap3A_279 = arith.index_cast %add3A_259 : i32 to index
        %swap3A_280 = arith.constant 16 : index
        %swap3A_281 = tpu.vector_load %arg14[%swap3A_279, %swap3A_280] {strides = array<i32>} : memref<32x128xf32, #tpu.memory_space<vmem>>, vector<1x16xf32>,
        %swap3A_282 = vector.shape_cast %swap3A_281 : vector<1x16xf32> to vector<16xf32>
        %swap3A_283 = vector.shape_cast %mul3A_278 : vector<16xf32> to vector<1x16xf32>
        tpu.vector_store %arg14[%swap3A_279, %swap3A_280], %swap3A_283 {strides = array<i32>} : memref<32x128xf32, #tpu.memory_space<vmem>>, vector<1x16xf32>,
        %slice3A_284 = vector.extract_strided_slice %select_n3A {offsets = [9], sizes = [1], strides = [1]} : vector<16xf32> to vector<1xf32>
        %squeeze3A_285 = vector.extract %slice3A_284[0] : f32 from vector<1xf32>
        %get3A_286 = arith.index_cast %add3A_259 : i32 to index
        %get3A_287 = arith.constant 32 : index
        %get3A_288 = tpu.vector_load %arg13[%get3A_286, %get3A_287] {strides = array<i32>} : memref<32x128xf32, #tpu.memory_space<vmem>>, vector<1x16xf32>,
        %get3A_289 = vector.shape_cast %get3A_288 : vector<1x16xf32> to vector<16xf32>
        %mul3A_290 = vector.broadcast %squeeze3A_285 : f32 to vector<16xf32>
        %mul3A_291 = arith.mulf %get3A_289, %mul3A_290 : vector<16xf32>
        %swap3A_292 = arith.index_cast %add3A_259 : i32 to index
        %swap3A_293 = arith.constant 32 : index
        %swap3A_294 = tpu.vector_load %arg14[%swap3A_292, %swap3A_293] {strides = array<i32>} : memref<32x128xf32, #tpu.memory_space<vmem>>, vector<1x16xf32>,
        %swap3A_295 = vector.shape_cast %swap3A_294 : vector<1x16xf32> to vector<16xf32>
        %swap3A_296 = vector.shape_cast %mul3A_291 : vector<16xf32> to vector<1x16xf32>
        tpu.vector_store %arg14[%swap3A_292, %swap3A_293], %swap3A_296 {strides = array<i32>} : memref<32x128xf32, #tpu.memory_space<vmem>>, vector<1x16xf32>,
        %get3A_297 = arith.index_cast %add3A_259 : i32 to index
        %get3A_298 = arith.constant 48 : index
        %get3A_299 = tpu.vector_load %arg13[%get3A_297, %get3A_298] {strides = array<i32>} : memref<32x128xf32, #tpu.memory_space<vmem>>, vector<1x16xf32>,
        %get3A_300 = vector.shape_cast %get3A_299 : vector<1x16xf32> to vector<16xf32>
        %mul3A_301 = vector.broadcast %squeeze3A_285 : f32 to vector<16xf32>
        %mul3A_302 = arith.mulf %get3A_300, %mul3A_301 : vector<16xf32>
        %swap3A_303 = arith.index_cast %add3A_259 : i32 to index
        %swap3A_304 = arith.constant 48 : index
        %swap3A_305 = tpu.vector_load %arg14[%swap3A_303, %swap3A_304] {strides = array<i32>} : memref<32x128xf32, #tpu.memory_space<vmem>>, vector<1x16xf32>,
        %swap3A_306 = vector.shape_cast %swap3A_305 : vector<1x16xf32> to vector<16xf32>
        %swap3A_307 = vector.shape_cast %mul3A_302 : vector<16xf32> to vector<1x16xf32>
        tpu.vector_store %arg14[%swap3A_303, %swap3A_304], %swap3A_307 {strides = array<i32>} : memref<32x128xf32, #tpu.memory_space<vmem>>, vector<1x16xf32>,
        %slice3A_308 = vector.extract_strided_slice %select_n3A {offsets = [10], sizes = [1], strides = [1]} : vector<16xf32> to vector<1xf32>
        %squeeze3A_309 = vector.extract %slice3A_308[0] : f32 from vector<1xf32>
        %get3A_310 = arith.index_cast %add3A_259 : i32 to index
        %get3A_311 = arith.constant 64 : index
        %get3A_312 = tpu.vector_load %arg13[%get3A_310, %get3A_311] {strides = array<i32>} : memref<32x128xf32, #tpu.memory_space<vmem>>, vector<1x16xf32>,
        %get3A_313 = vector.shape_cast %get3A_312 : vector<1x16xf32> to vector<16xf32>
        %mul3A_314 = vector.broadcast %squeeze3A_309 : f32 to vector<16xf32>
        %mul3A_315 = arith.mulf %get3A_313, %mul3A_314 : vector<16xf32>
        %swap3A_316 = arith.index_cast %add3A_259 : i32 to index
        %swap3A_317 = arith.constant 64 : index
        %swap3A_318 = tpu.vector_load %arg14[%swap3A_316, %swap3A_317] {strides = array<i32>} : memref<32x128xf32, #tpu.memory_space<vmem>>, vector<1x16xf32>,
        %swap3A_319 = vector.shape_cast %swap3A_318 : vector<1x16xf32> to vector<16xf32>
        %swap3A_320 = vector.shape_cast %mul3A_315 : vector<16xf32> to vector<1x16xf32>
        tpu.vector_store %arg14[%swap3A_316, %swap3A_317], %swap3A_320 {strides = array<i32>} : memref<32x128xf32, #tpu.memory_space<vmem>>, vector<1x16xf32>,
        %get3A_321 = arith.index_cast %add3A_259 : i32 to index
        %get3A_322 = arith.constant 80 : index
        %get3A_323 = tpu.vector_load %arg13[%get3A_321, %get3A_322] {strides = array<i32>} : memref<32x128xf32, #tpu.memory_space<vmem>>, vector<1x16xf32>,
        %get3A_324 = vector.shape_cast %get3A_323 : vector<1x16xf32> to vector<16xf32>
        %mul3A_325 = vector.broadcast %squeeze3A_309 : f32 to vector<16xf32>
        %mul3A_326 = arith.mulf %get3A_324, %mul3A_325 : vector<16xf32>
        %swap3A_327 = arith.index_cast %add3A_259 : i32 to index
        %swap3A_328 = arith.constant 80 : index
        %swap3A_329 = tpu.vector_load %arg14[%swap3A_327, %swap3A_328] {strides = array<i32>} : memref<32x128xf32, #tpu.memory_space<vmem>>, vector<1x16xf32>,
        %swap3A_330 = vector.shape_cast %swap3A_329 : vector<1x16xf32> to vector<16xf32>
        %swap3A_331 = vector.shape_cast %mul3A_326 : vector<16xf32> to vector<1x16xf32>
        tpu.vector_store %arg14[%swap3A_327, %swap3A_328], %swap3A_331 {strides = array<i32>} : memref<32x128xf32, #tpu.memory_space<vmem>>, vector<1x16xf32>,
        %slice3A_332 = vector.extract_strided_slice %select_n3A {offsets = [11], sizes = [1], strides = [1]} : vector<16xf32> to vector<1xf32>
        %squeeze3A_333 = vector.extract %slice3A_332[0] : f32 from vector<1xf32>
        %get3A_334 = arith.index_cast %add3A_259 : i32 to index
        %get3A_335 = arith.constant 96 : index
        %get3A_336 = tpu.vector_load %arg13[%get3A_334, %get3A_335] {strides = array<i32>} : memref<32x128xf32, #tpu.memory_space<vmem>>, vector<1x16xf32>,
        %get3A_337 = vector.shape_cast %get3A_336 : vector<1x16xf32> to vector<16xf32>
        %mul3A_338 = vector.broadcast %squeeze3A_333 : f32 to vector<16xf32>
        %mul3A_339 = arith.mulf %get3A_337, %mul3A_338 : vector<16xf32>
        %swap3A_340 = arith.index_cast %add3A_259 : i32 to index
        %swap3A_341 = arith.constant 96 : index
        %swap3A_342 = tpu.vector_load %arg14[%swap3A_340, %swap3A_341] {strides = array<i32>} : memref<32x128xf32, #tpu.memory_space<vmem>>, vector<1x16xf32>,
        %swap3A_343 = vector.shape_cast %swap3A_342 : vector<1x16xf32> to vector<16xf32>
        %swap3A_344 = vector.shape_cast %mul3A_339 : vector<16xf32> to vector<1x16xf32>
        tpu.vector_store %arg14[%swap3A_340, %swap3A_341], %swap3A_344 {strides = array<i32>} : memref<32x128xf32, #tpu.memory_space<vmem>>, vector<1x16xf32>,
        %get3A_345 = arith.index_cast %add3A_259 : i32 to index
        %get3A_346 = arith.constant 112 : index
        %get3A_347 = tpu.vector_load %arg13[%get3A_345, %get3A_346] {strides = array<i32>} : memref<32x128xf32, #tpu.memory_space<vmem>>, vector<1x16xf32>,
        %get3A_348 = vector.shape_cast %get3A_347 : vector<1x16xf32> to vector<16xf32>
        %mul3A_349 = vector.broadcast %squeeze3A_333 : f32 to vector<16xf32>
        %mul3A_350 = arith.mulf %get3A_348, %mul3A_349 : vector<16xf32>
        %swap3A_351 = arith.index_cast %add3A_259 : i32 to index
        %swap3A_352 = arith.constant 112 : index
        %swap3A_353 = tpu.vector_load %arg14[%swap3A_351, %swap3A_352] {strides = array<i32>} : memref<32x128xf32, #tpu.memory_space<vmem>>, vector<1x16xf32>,
        %swap3A_354 = vector.shape_cast %swap3A_353 : vector<1x16xf32> to vector<16xf32>
        %swap3A_355 = vector.shape_cast %mul3A_350 : vector<16xf32> to vector<1x16xf32>
        tpu.vector_store %arg14[%swap3A_351, %swap3A_352], %swap3A_355 {strides = array<i32>} : memref<32x128xf32, #tpu.memory_space<vmem>>, vector<1x16xf32>,
        %mul3A_356 = arith.constant 4 : i32
        %mul3A_357 = arith.muli %scan3A_49, %mul3A_356 : i32
        %add3A_358 = arith.constant 3 : i32
        %add3A_359 = arith.addi %mul3A_357, %add3A_358 : i32
        %slice3A_360 = vector.extract_strided_slice %select_n3A {offsets = [12], sizes = [1], strides = [1]} : vector<16xf32> to vector<1xf32>
        %squeeze3A_361 = vector.extract %slice3A_360[0] : f32 from vector<1xf32>
        %get3A_362 = arith.index_cast %add3A_359 : i32 to index
        %get3A_363 = arith.constant 0 : index
        %get3A_364 = tpu.vector_load %arg13[%get3A_362, %get3A_363] {strides = array<i32>} : memref<32x128xf32, #tpu.memory_space<vmem>>, vector<1x16xf32>,
        %get3A_365 = vector.shape_cast %get3A_364 : vector<1x16xf32> to vector<16xf32>
        %mul3A_366 = vector.broadcast %squeeze3A_361 : f32 to vector<16xf32>
        %mul3A_367 = arith.mulf %get3A_365, %mul3A_366 : vector<16xf32>
        %swap3A_368 = arith.index_cast %add3A_359 : i32 to index
        %swap3A_369 = arith.constant 0 : index
        %swap3A_370 = tpu.vector_load %arg14[%swap3A_368, %swap3A_369] {strides = array<i32>} : memref<32x128xf32, #tpu.memory_space<vmem>>, vector<1x16xf32>,
        %swap3A_371 = vector.shape_cast %swap3A_370 : vector<1x16xf32> to vector<16xf32>
        %swap3A_372 = vector.shape_cast %mul3A_367 : vector<16xf32> to vector<1x16xf32>
        tpu.vector_store %arg14[%swap3A_368, %swap3A_369], %swap3A_372 {strides = array<i32>} : memref<32x128xf32, #tpu.memory_space<vmem>>, vector<1x16xf32>,
        %get3A_373 = arith.index_cast %add3A_359 : i32 to index
        %get3A_374 = arith.constant 16 : index
        %get3A_375 = tpu.vector_load %arg13[%get3A_373, %get3A_374] {strides = array<i32>} : memref<32x128xf32, #tpu.memory_space<vmem>>, vector<1x16xf32>,
        %get3A_376 = vector.shape_cast %get3A_375 : vector<1x16xf32> to vector<16xf32>
        %mul3A_377 = vector.broadcast %squeeze3A_361 : f32 to vector<16xf32>
        %mul3A_378 = arith.mulf %get3A_376, %mul3A_377 : vector<16xf32>
        %swap3A_379 = arith.index_cast %add3A_359 : i32 to index
        %swap3A_380 = arith.constant 16 : index
        %swap3A_381 = tpu.vector_load %arg14[%swap3A_379, %swap3A_380] {strides = array<i32>} : memref<32x128xf32, #tpu.memory_space<vmem>>, vector<1x16xf32>,
        %swap3A_382 = vector.shape_cast %swap3A_381 : vector<1x16xf32> to vector<16xf32>
        %swap3A_383 = vector.shape_cast %mul3A_378 : vector<16xf32> to vector<1x16xf32>
        tpu.vector_store %arg14[%swap3A_379, %swap3A_380], %swap3A_383 {strides = array<i32>} : memref<32x128xf32, #tpu.memory_space<vmem>>, vector<1x16xf32>,
        %slice3A_384 = vector.extract_strided_slice %select_n3A {offsets = [13], sizes = [1], strides = [1]} : vector<16xf32> to vector<1xf32>
        %squeeze3A_385 = vector.extract %slice3A_384[0] : f32 from vector<1xf32>
        %get3A_386 = arith.index_cast %add3A_359 : i32 to index
        %get3A_387 = arith.constant 32 : index
        %get3A_388 = tpu.vector_load %arg13[%get3A_386, %get3A_387] {strides = array<i32>} : memref<32x128xf32, #tpu.memory_space<vmem>>, vector<1x16xf32>,
        %get3A_389 = vector.shape_cast %get3A_388 : vector<1x16xf32> to vector<16xf32>
        %mul3A_390 = vector.broadcast %squeeze3A_385 : f32 to vector<16xf32>
        %mul3A_391 = arith.mulf %get3A_389, %mul3A_390 : vector<16xf32>
        %swap3A_392 = arith.index_cast %add3A_359 : i32 to index
        %swap3A_393 = arith.constant 32 : index
        %swap3A_394 = tpu.vector_load %arg14[%swap3A_392, %swap3A_393] {strides = array<i32>} : memref<32x128xf32, #tpu.memory_space<vmem>>, vector<1x16xf32>,
        %swap3A_395 = vector.shape_cast %swap3A_394 : vector<1x16xf32> to vector<16xf32>
        %swap3A_396 = vector.shape_cast %mul3A_391 : vector<16xf32> to vector<1x16xf32>
        tpu.vector_store %arg14[%swap3A_392, %swap3A_393], %swap3A_396 {strides = array<i32>} : memref<32x128xf32, #tpu.memory_space<vmem>>, vector<1x16xf32>,
        %get3A_397 = arith.index_cast %add3A_359 : i32 to index
        %get3A_398 = arith.constant 48 : index
        %get3A_399 = tpu.vector_load %arg13[%get3A_397, %get3A_398] {strides = array<i32>} : memref<32x128xf32, #tpu.memory_space<vmem>>, vector<1x16xf32>,
        %get3A_400 = vector.shape_cast %get3A_399 : vector<1x16xf32> to vector<16xf32>
        %mul3A_401 = vector.broadcast %squeeze3A_385 : f32 to vector<16xf32>
        %mul3A_402 = arith.mulf %get3A_400, %mul3A_401 : vector<16xf32>
        %swap3A_403 = arith.index_cast %add3A_359 : i32 to index
        %swap3A_404 = arith.constant 48 : index
        %swap3A_405 = tpu.vector_load %arg14[%swap3A_403, %swap3A_404] {strides = array<i32>} : memref<32x128xf32, #tpu.memory_space<vmem>>, vector<1x16xf32>,
        %swap3A_406 = vector.shape_cast %swap3A_405 : vector<1x16xf32> to vector<16xf32>
        %swap3A_407 = vector.shape_cast %mul3A_402 : vector<16xf32> to vector<1x16xf32>
        tpu.vector_store %arg14[%swap3A_403, %swap3A_404], %swap3A_407 {strides = array<i32>} : memref<32x128xf32, #tpu.memory_space<vmem>>, vector<1x16xf32>,
        %slice3A_408 = vector.extract_strided_slice %select_n3A {offsets = [14], sizes = [1], strides = [1]} : vector<16xf32> to vector<1xf32>
        %squeeze3A_409 = vector.extract %slice3A_408[0] : f32 from vector<1xf32>
        %get3A_410 = arith.index_cast %add3A_359 : i32 to index
        %get3A_411 = arith.constant 64 : index
        %get3A_412 = tpu.vector_load %arg13[%get3A_410, %get3A_411] {strides = array<i32>} : memref<32x128xf32, #tpu.memory_space<vmem>>, vector<1x16xf32>,
        %get3A_413 = vector.shape_cast %get3A_412 : vector<1x16xf32> to vector<16xf32>
        %mul3A_414 = vector.broadcast %squeeze3A_409 : f32 to vector<16xf32>
        %mul3A_415 = arith.mulf %get3A_413, %mul3A_414 : vector<16xf32>
        %swap3A_416 = arith.index_cast %add3A_359 : i32 to index
        %swap3A_417 = arith.constant 64 : index
        %swap3A_418 = tpu.vector_load %arg14[%swap3A_416, %swap3A_417] {strides = array<i32>} : memref<32x128xf32, #tpu.memory_space<vmem>>, vector<1x16xf32>,
        %swap3A_419 = vector.shape_cast %swap3A_418 : vector<1x16xf32> to vector<16xf32>
        %swap3A_420 = vector.shape_cast %mul3A_415 : vector<16xf32> to vector<1x16xf32>
        tpu.vector_store %arg14[%swap3A_416, %swap3A_417], %swap3A_420 {strides = array<i32>} : memref<32x128xf32, #tpu.memory_space<vmem>>, vector<1x16xf32>,
        %get3A_421 = arith.index_cast %add3A_359 : i32 to index
        %get3A_422 = arith.constant 80 : index
        %get3A_423 = tpu.vector_load %arg13[%get3A_421, %get3A_422] {strides = array<i32>} : memref<32x128xf32, #tpu.memory_space<vmem>>, vector<1x16xf32>,
        %get3A_424 = vector.shape_cast %get3A_423 : vector<1x16xf32> to vector<16xf32>
        %mul3A_425 = vector.broadcast %squeeze3A_409 : f32 to vector<16xf32>
        %mul3A_426 = arith.mulf %get3A_424, %mul3A_425 : vector<16xf32>
        %swap3A_427 = arith.index_cast %add3A_359 : i32 to index
        %swap3A_428 = arith.constant 80 : index
        %swap3A_429 = tpu.vector_load %arg14[%swap3A_427, %swap3A_428] {strides = array<i32>} : memref<32x128xf32, #tpu.memory_space<vmem>>, vector<1x16xf32>,
        %swap3A_430 = vector.shape_cast %swap3A_429 : vector<1x16xf32> to vector<16xf32>
        %swap3A_431 = vector.shape_cast %mul3A_426 : vector<16xf32> to vector<1x16xf32>
        tpu.vector_store %arg14[%swap3A_427, %swap3A_428], %swap3A_431 {strides = array<i32>} : memref<32x128xf32, #tpu.memory_space<vmem>>, vector<1x16xf32>,
        %slice3A_432 = vector.extract_strided_slice %select_n3A {offsets = [15], sizes = [1], strides = [1]} : vector<16xf32> to vector<1xf32>
        %squeeze3A_433 = vector.extract %slice3A_432[0] : f32 from vector<1xf32>
        %get3A_434 = arith.index_cast %add3A_359 : i32 to index
        %get3A_435 = arith.constant 96 : index
        %get3A_436 = tpu.vector_load %arg13[%get3A_434, %get3A_435] {strides = array<i32>} : memref<32x128xf32, #tpu.memory_space<vmem>>, vector<1x16xf32>,
        %get3A_437 = vector.shape_cast %get3A_436 : vector<1x16xf32> to vector<16xf32>
        %mul3A_438 = vector.broadcast %squeeze3A_433 : f32 to vector<16xf32>
        %mul3A_439 = arith.mulf %get3A_437, %mul3A_438 : vector<16xf32>
        %swap3A_440 = arith.index_cast %add3A_359 : i32 to index
        %swap3A_441 = arith.constant 96 : index
        %swap3A_442 = tpu.vector_load %arg14[%swap3A_440, %swap3A_441] {strides = array<i32>} : memref<32x128xf32, #tpu.memory_space<vmem>>, vector<1x16xf32>,
        %swap3A_443 = vector.shape_cast %swap3A_442 : vector<1x16xf32> to vector<16xf32>
        %swap3A_444 = vector.shape_cast %mul3A_439 : vector<16xf32> to vector<1x16xf32>
        tpu.vector_store %arg14[%swap3A_440, %swap3A_441], %swap3A_444 {strides = array<i32>} : memref<32x128xf32, #tpu.memory_space<vmem>>, vector<1x16xf32>,
        %get3A_445 = arith.index_cast %add3A_359 : i32 to index
        %get3A_446 = arith.constant 112 : index
        %get3A_447 = tpu.vector_load %arg13[%get3A_445, %get3A_446] {strides = array<i32>} : memref<32x128xf32, #tpu.memory_space<vmem>>, vector<1x16xf32>,
        %get3A_448 = vector.shape_cast %get3A_447 : vector<1x16xf32> to vector<16xf32>
        %mul3A_449 = vector.broadcast %squeeze3A_433 : f32 to vector<16xf32>
        %mul3A_450 = arith.mulf %get3A_448, %mul3A_449 : vector<16xf32>
        %swap3A_451 = arith.index_cast %add3A_359 : i32 to index
        %swap3A_452 = arith.constant 112 : index
        %swap3A_453 = tpu.vector_load %arg14[%swap3A_451, %swap3A_452] {strides = array<i32>} : memref<32x128xf32, #tpu.memory_space<vmem>>, vector<1x16xf32>,
        %swap3A_454 = vector.shape_cast %swap3A_453 : vector<1x16xf32> to vector<16xf32>
        %swap3A_455 = vector.shape_cast %mul3A_450 : vector<16xf32> to vector<1x16xf32>
        tpu.vector_store %arg14[%swap3A_451, %swap3A_452], %swap3A_455 {strides = array<i32>} : memref<32x128xf32, #tpu.memory_space<vmem>>, vector<1x16xf32>,
      }
      %scan3A_43 = arith.constant 8 : i32
      %mul3A_44 = arith.constant 10240 : i32
      %mul3A_45 = arith.muli %arg0, %mul3A_44 : i32
      %mul3A_46 = arith.constant 32 : i32
      %mul3A_47 = arith.muli %add3A, %mul3A_46 : i32
      %add3A_48 = arith.addi %mul3A_45, %mul3A_47 : i32
      "tpu.region"() ({
        %run_scoped3A = tpu.sem_alloc : memref<!tpu.dma_semaphore, #tpu.memory_space<semaphore_mem>>
        %dma_start3A = arith.constant 0 : i32
        %dma_start3A_49 = tpu.memref_slice %arg7[%add3A_48, %dma_start3A] : memref<20480x128xf32, #tpu.memory_space<hbm>> -> memref<32x128xf32, #tpu.memory_space<hbm>>
        %dma_start3A_50 = arith.constant 0 : i32
        %dma_start3A_51 = tpu.memref_slice %arg7[%add3A_48, %dma_start3A_50] : memref<20480x128xf32, #tpu.memory_space<hbm>> -> memref<32x128xf32, #tpu.memory_space<hbm>>
        tpu.enqueue_dma source(%arg14 : memref<32x128xf32, #tpu.memory_space<vmem>>) target(%dma_start3A_51 : memref<32x128xf32, #tpu.memory_space<hbm>>) target_semaphore(%run_scoped3A : memref<!tpu.dma_semaphore, #tpu.memory_space<semaphore_mem>>)
        %dma_wait3A = arith.constant 0 : i32
        %dma_wait3A_52 = tpu.memref_slice %arg7[%add3A_48, %dma_wait3A] : memref<20480x128xf32, #tpu.memory_space<hbm>> -> memref<32x128xf32, #tpu.memory_space<hbm>>
        %dma_wait3A_53 = arith.constant 0 : i32
        %dma_wait3A_54 = tpu.memref_slice %arg7[%add3A_48, %dma_wait3A_53] : memref<20480x128xf32, #tpu.memory_space<hbm>> -> memref<32x128xf32, #tpu.memory_space<hbm>>
        tpu.wait_dma2 semaphore(%run_scoped3A : memref<!tpu.dma_semaphore, #tpu.memory_space<semaphore_mem>>) src(%arg14 : memref<32x128xf32, #tpu.memory_space<vmem>>) dst(%dma_wait3A_54 : memref<32x128xf32, #tpu.memory_space<hbm>>)
        tpu.yield
      }) : () -> ()
    }
    %scan3A_24 = arith.constant 20 : i32
    return
  }
}

module attributes {stable_mosaic.version = 14 : i64} {
  func.func @_proj_body(%arg0: i32, %arg1: i32, %arg2: memref<400x256xf32, #tpu.memory_space<vmem>>, %arg3: memref<256x128xf32, #tpu.memory_space<vmem>>, %arg4: memref<256x128xf32, #tpu.memory_space<vmem>>, %arg5: memref<1x128xf32, #tpu.memory_space<vmem>>, %arg6: memref<1x128xf32, #tpu.memory_space<vmem>>, %arg7: memref<400x128xf32, #tpu.memory_space<vmem>>, %arg8: memref<400x128xf32, #tpu.memory_space<vmem>>) attributes {dimension_semantics = [#tpu.dimension_semantics<arbitrary>, #tpu.dimension_semantics<arbitrary>], iteration_bounds = array<i64: 2, 25>, scalar_prefetch = 0 : i64, scratch_operands = 0 : i64, tpu.core_type = #tpu.core_type<tc>, window_params = [{transform_indices = @transform_0, window_bounds = array<i64: 400, 256>}, {transform_indices = @transform_1, window_bounds = array<i64: 256, 128>}, {transform_indices = @transform_2, window_bounds = array<i64: 256, 128>}, {transform_indices = @transform_3, window_bounds = array<i64: 1, 128>}, {transform_indices = @transform_4, window_bounds = array<i64: 1, 128>}, {transform_indices = @transform_5, window_bounds = array<i64: 400, 128>}, {transform_indices = @transform_6, window_bounds = array<i64: 400, 128>}]} {
    %get3A = arith.constant 0 : index
    %get3A_0 = arith.constant 0 : index
    %get3A_1 = vector.load %arg2[%get3A, %get3A_0] : memref<400x256xf32, #tpu.memory_space<vmem>>, vector<400x256xf32>
    %get3A_2 = arith.constant 0 : index
    %get3A_3 = arith.constant 0 : index
    %get3A_4 = vector.load %arg3[%get3A_2, %get3A_3] : memref<256x128xf32, #tpu.memory_space<vmem>>, vector<256x128xf32>
    %dot_general3A = arith.constant dense<0.000000e+00> : vector<400x128xf32>
    %dot_general3A_5 = tpu.matmul %get3A_1, %get3A_4, %dot_general3A {dimension_numbers = #tpu.dot_dimension_numbers<[1], [0], [0], [1], [0, 0, 1, 1], [], []>, transpose_lhs_hint = false} : vector<400x256xf32>, vector<256x128xf32>, vector<400x128xf32> -> vector<400x128xf32>
    %get3A_6 = arith.constant 0 : index
    %get3A_7 = arith.constant 0 : index
    %get3A_8 = vector.load %arg5[%get3A_6, %get3A_7] : memref<1x128xf32, #tpu.memory_space<vmem>>, vector<1x128xf32>
    %add3A = vector.broadcast %get3A_8 : vector<1x128xf32> to vector<400x128xf32>
    %add3A_9 = arith.addf %dot_general3A_5, %add3A : vector<400x128xf32>
    %swap3A = arith.constant 0 : index
    %swap3A_10 = arith.constant 0 : index
    %swap3A_11 = vector.load %arg7[%swap3A, %swap3A_10] : memref<400x128xf32, #tpu.memory_space<vmem>>, vector<400x128xf32>
    tpu.vector_store %arg7[%swap3A, %swap3A_10], %add3A_9 {strides = array<i32>} : memref<400x128xf32, #tpu.memory_space<vmem>>, vector<400x128xf32>,
    %get3A_12 = arith.constant 0 : index
    %get3A_13 = arith.constant 0 : index
    %get3A_14 = vector.load %arg4[%get3A_12, %get3A_13] : memref<256x128xf32, #tpu.memory_space<vmem>>, vector<256x128xf32>
    %dot_general3A_15 = arith.constant dense<0.000000e+00> : vector<400x128xf32>
    %dot_general3A_16 = tpu.matmul %get3A_1, %get3A_14, %dot_general3A_15 {dimension_numbers = #tpu.dot_dimension_numbers<[1], [0], [0], [1], [0, 0, 1, 1], [], []>, transpose_lhs_hint = false} : vector<400x256xf32>, vector<256x128xf32>, vector<400x128xf32> -> vector<400x128xf32>
    %get3A_17 = arith.constant 0 : index
    %get3A_18 = arith.constant 0 : index
    %get3A_19 = vector.load %arg6[%get3A_17, %get3A_18] : memref<1x128xf32, #tpu.memory_space<vmem>>, vector<1x128xf32>
    %add3A_20 = vector.broadcast %get3A_19 : vector<1x128xf32> to vector<400x128xf32>
    %add3A_21 = arith.addf %dot_general3A_16, %add3A_20 : vector<400x128xf32>
    %swap3A_22 = arith.constant 0 : index
    %swap3A_23 = arith.constant 0 : index
    %swap3A_24 = vector.load %arg8[%swap3A_22, %swap3A_23] : memref<400x128xf32, #tpu.memory_space<vmem>>, vector<400x128xf32>
    tpu.vector_store %arg8[%swap3A_22, %swap3A_23], %add3A_21 {strides = array<i32>} : memref<400x128xf32, #tpu.memory_space<vmem>>, vector<400x128xf32>,
    return
  }
  func.func @transform_0(%arg0: i32, %arg1: i32) -> (i32, i32) {
    %c0_i32 = arith.constant 0 : i32
    %c0_i32_0 = arith.constant 0 : i32
    return %arg1, %c0_i32 : i32, i32
  }
  func.func @transform_1(%arg0: i32, %arg1: i32) -> (i32, i32) {
    %c0_i32 = arith.constant 0 : i32
    %c0_i32_0 = arith.constant 0 : i32
    return %c0_i32, %arg0 : i32, i32
  }
  func.func @transform_2(%arg0: i32, %arg1: i32) -> (i32, i32) {
    %c0_i32 = arith.constant 0 : i32
    %c0_i32_0 = arith.constant 0 : i32
    return %c0_i32, %arg0 : i32, i32
  }
  func.func @transform_3(%arg0: i32, %arg1: i32) -> (i32, i32) {
    %c0_i32 = arith.constant 0 : i32
    %c0_i32_0 = arith.constant 0 : i32
    return %c0_i32, %arg0 : i32, i32
  }
  func.func @transform_4(%arg0: i32, %arg1: i32) -> (i32, i32) {
    %c0_i32 = arith.constant 0 : i32
    %c0_i32_0 = arith.constant 0 : i32
    return %c0_i32, %arg0 : i32, i32
  }
  func.func @transform_5(%arg0: i32, %arg1: i32) -> (i32, i32) {
    %mul3A = arith.constant 25 : i32
    %mul3A_0 = arith.muli %arg0, %mul3A : i32
    %add3A = arith.addi %mul3A_0, %arg1 : i32
    %c0_i32 = arith.constant 0 : i32
    %c0_i32_1 = arith.constant 0 : i32
    return %add3A, %c0_i32 : i32, i32
  }
  func.func @transform_6(%arg0: i32, %arg1: i32) -> (i32, i32) {
    %mul3A = arith.constant 25 : i32
    %mul3A_0 = arith.muli %arg0, %mul3A : i32
    %add3A = arith.addi %mul3A_0, %arg1 : i32
    %c0_i32 = arith.constant 0 : i32
    %c0_i32_1 = arith.constant 0 : i32
    return %add3A, %c0_i32 : i32, i32
  }
}

</mosaic_0001>

<sc_bundles>
// kernel: kernel.5.cloned.1.call-start
scs
__scs_entry_jumppad:
0x0: {  	(pc) =	sbr.rel $0x88, $3  }
0x1: {  	(tag) =	ssettag $0x0;
	lr =	simm.s32 $0x1  }
0x2: {  	[smem:$0x3F99] =	sst lr;
	_ =	strace $0xD0000000  }
0x3: {  	_ = 	snop  }
0x4: {  	_ = 	snop  }
0x5: {  	_ = 	snop  }
0x6: {  	_ = 	snop  }
0x7: {  	_ = 	snop  }
__scs_overlays_trampoline_lowered:
0x8: {  	[smem:$0x3FA8] =	sst s0  }
0x9: {  	[smem:$0x3FA9] =	sst s1  }
0xa: {  	[smem:$0x3FAA] =	sst s2  }
0xb: {  	[smem:$0x3FAB] =	sst s3  }
0xc: {  	[smem:$0x3FAC] =	sst s4  }
0xd: {  	[smem:$0x3FAD] =	sst s5  }
0xe: {  	[smem:$0x3FAE] =	sst s6  }
0xf: {  	[smem:$0x3FAF] =	sst s7  }
0x10: {  	[smem:$0x3FB0] =	sst s8  }
0x11: {  	[smem:$0x3FB1] =	sst s9;
	s0 =	simm.s32 @!p0 $0x0  }
0x12: {  	s1 =	sld [smem:$0x3F97];
	s0 =	simm.s32 @p0 $0x1  }
0x13: {  	[smem:$0x3FB2] =	sst s0;
	s0 =	simm.s32 @!p1 $0x0  }
0x14: {  	s2 =	sld [smem:$0x3F96];
	s0 =	simm.s32 @p1 $0x1  }
0x15: {  	[smem:$0x3FB3] =	sst s0;
	s0 =	simm.s32 @!p2 $0x0  }
0x16: {  	s3 =	sld [smem:$0x3FDB];
	s0 =	simm.s32 @p2 $0x1  }
0x17: {  	s4 =	simm.s32 $0x1BF5;
	[smem:$0x3FB5] =	sst s0  }
0x18: {  	s0 =	sld [smem:$0x3F98];
	_ =	swait.ge [sflag:s4], $0x0  }
0x19: {  	s7 =	sld [smem:$0x3F99]  }
0x1a: {  	s8 =	sadd.s32 $0xFFFFE003, lr  }
0x1b: {  	s9 =	sadd.s32 $0xFFFFFEF7, lr;
	s5 =	simm.s32 $0xFFFFFFFF;
	p2 =	slt.u32 s8, $0xFFFFF086  }
0x1c: {  	p1 =	slt.u32 s9, $0xF7A;
	s5 =	simm.s32 @!p2 $0x0  }
0x1d: {  	s5 =	simm.s32 @p1 $0x1;
	p0 =	seq.s32 s7, s2  }
0x1e: {  	s7 =	smul.u32 @!p0 $0xF7A, s2;
	p2 =	seq.s32 @!p0 s5, $0x0  }
0x1f: {  	s9 =	smul.u32 $0xF7A, s1;
	s8 =	simm.s32 @!p0 $0x1BF5;
	p2 =	por !p2, p0  }
0x20: {  	[sflag:s8] =	ssyncset.s32 @!p0 $0xFFFFF086;
	s6 =	sadd.s32 @!p0 s3, s7;
	s7 =	simm.s32 @!p0 $0x108  }
0x21: {  	s3 =	sadd.s32 s3, s9;
	s6 =	sadd.s32 @!p0 $0x88, s6;
	s7 =	simm.s32 @p2 $0x1082  }
0x22: {  	[simem:s7], [sflag:s8] =	dma.local @!p0 [hbm:s6], $0xF7A  }
0x23: {  	s9 =	sor.u32 $0xD0000000, s2;
	s6 =	simm.s32 $0x108;
	_ =	swait.ge @!p0 [sflag:s8], $0x0  }
0x24: {  	s3 =	sadd.s32 $0x88, s3;
	s6 =	simm.s32 @!p1 $0x1082;
	[sflag:s4] =	ssyncset.s32 $0xFFFFF086  }
0x25: {  	[simem:s6], [sflag:s4] =	dma.local [hbm:s3], $0xF7A  }
0x26: {  	[smem:$0x3F99] =	sst s1;
	(tag) =	ssettag s2;
	_ =	strace s9  }
0x27: {  	s1 =	sld [smem:$0x3FA9]  }
0x28: {  	s2 =	sld [smem:$0x3FAA]  }
0x29: {  	s4 =	sld [smem:$0x3FAC]  }
0x2a: {  	p0 =	seq.s32 s5, $0x0;
	s5 =	sld [smem:$0x3FAD]  }
0x2b: {  	s6 =	sld [smem:$0x3FAE]  }
0x2c: {  	s7 =	sld [smem:$0x3FAF]  }
0x2d: {  	s3 =	simm.s32 $0x108;
	s8 =	sld [smem:$0x3FB0]  }
0x2e: {  	s3 =	simm.s32 @!p0 $0x1082;
	s9 =	sld [smem:$0x3FB1]  }
0x2f: {  	lr =	sadd.s32 s0, s3;
	s0 =	sld [smem:$0x3FA8]  }
0x30: {  	s3 =	sld [smem:$0x3FAB]  }
0x31: {  	[smem:$0x3FB4] =	sst s10  }
0x32: {  	s10 =	sld [smem:$0x3FB2];
	_ =	sdelay $0x3  }
0x33: {  	p0 =	seq.s32 s10, $0x1;
	s10 =	sld [smem:$0x3FB4];
	_ =	sdelay $0x3  }
0x34: {  	[smem:$0x3FB4] =	sst s10  }
0x35: {  	s10 =	sld [smem:$0x3FB3];
	_ =	sdelay $0x3  }
0x36: {  	p1 =	seq.s32 s10, $0x1;
	s10 =	sld [smem:$0x3FB4];
	_ =	sdelay $0x3  }
0x37: {  	[smem:$0x3FB4] =	sst s10  }
0x38: {  	s10 =	sld [smem:$0x3FB5]  }
0x39: {  	_ = 	snop;
	(pc) =	sbr.ind lr, $3  }
0x3a: {  	_ = 	snop  }
0x3b: {  	_ = 	snop  }
0x3c: {  	p2 =	seq.s32 s10, $0x1;
	s10 =	sld [smem:$0x3FB4]  }
0x3d: {  	_ =	shalt  }
0x3e: {  	_ =	shalt  }
0x3f: {  	_ =	shalt  }
0x40: {  	_ =	shalt  }
0x41: {  	_ =	shalt  }
0x42: {  	_ =	shalt  }
0x43: {  	_ =	shalt  }
0x44: {  	_ =	shalt  }
0x45: {  	_ =	shalt  }
0x46: {  	_ =	shalt  }
0x47: {  	_ =	shalt  }
0x48: {  	_ =	shalt  }
0x49: {  	_ =	shalt  }
0x4a: {  	_ =	shalt  }
0x4b: {  	_ =	shalt  }
0x4c: {  	_ =	shalt  }
0x4d: {  	_ =	shalt  }
0x4e: {  	_ =	shalt  }
0x4f: {  	_ =	shalt  }
0x50: {  	_ =	shalt  }
0x51: {  	_ =	shalt  }
0x52: {  	_ =	shalt  }
0x53: {  	_ =	shalt  }
0x54: {  	_ =	shalt  }
0x55: {  	_ =	shalt  }
0x56: {  	_ =	shalt  }
0x57: {  	_ =	shalt  }
0x58: {  	_ =	shalt  }
0x59: {  	_ =	shalt  }
0x5a: {  	_ =	shalt  }
0x5b: {  	_ =	shalt  }
0x5c: {  	_ =	shalt  }
0x5d: {  	_ =	shalt  }
0x5e: {  	_ =	shalt  }
0x5f: {  	_ =	shalt  }
0x60: {  	_ =	shalt  }
0x61: {  	_ =	shalt  }
0x62: {  	_ =	shalt  }
0x63: {  	_ =	shalt  }
0x64: {  	_ =	shalt  }
0x65: {  	_ =	shalt  }
0x66: {  	_ =	shalt  }
0x67: {  	_ =	shalt  }
0x68: {  	_ =	shalt  }
0x69: {  	_ =	shalt  }
0x6a: {  	_ =	shalt  }
0x6b: {  	_ =	shalt  }
0x6c: {  	_ =	shalt  }
0x6d: {  	_ =	shalt  }
0x6e: {  	_ =	shalt  }
0x6f: {  	_ =	shalt  }
0x70: {  	_ =	shalt  }
0x71: {  	_ =	shalt  }
0x72: {  	_ =	shalt  }
0x73: {  	_ =	shalt  }
0x74: {  	_ =	shalt  }
0x75: {  	_ =	shalt  }
0x76: {  	_ =	shalt  }
0x77: {  	_ =	shalt  }
0x78: {  	_ =	shalt  }
0x79: {  	_ =	shalt  }
0x7a: {  	_ =	shalt  }
0x7b: {  	_ =	shalt  }
0x7c: {  	_ =	shalt  }
0x7d: {  	_ =	shalt  }
0x7e: {  	_ =	shalt  }
0x7f: {  	_ =	shalt  }
0x80: {  	_ =	shalt  }
0x81: {  	_ =	shalt  }
0x82: {  	_ =	shalt  }
0x83: {  	_ =	shalt  }
0x84: {  	_ =	shalt  }
0x85: {  	_ =	shalt  }
0x86: {  	_ =	shalt  }
0x87: {  	_ =	shalt  }
.Lfunc_end0:
.L_simem_size_0:
called_computation_lowered:
.L_overlay_start_0:
0x88: {  	s2 =	sld [smem:$0x3FD9]  }
0x89: {  	s3 =	sld [smem:$0x3FFE];
	_ =	sdelay $0x1  }
0x8a: {  	s1 =	srdreg.scid  }
0x8b: {  	s0 =	sand.u32 $0x1, s1  }
0x8c: {  	s17 =	sshll.u32 s0, $0xA;
	s2 =	sadd.s32 s3, s2  }
0x8d: {  	s2 =	sadd.s32 s2, s17  }
0x8e: {  	[smem:$0x3FC0] =	sst s2  }
0x8f: {  	_ = 	snop  }
0x90: {  	s2 =	sld [smem:$0x3FC8]  }
0x91: {  	s18 =	sld [smem:$0x3FC7]  }
0x92: {  	s4 =	sld [smem:$0x3FD0];
	(tm) =	ssettm $0x1  }
0x93: {  	s5 =	sld [smem:$0x3FFB];
	_ =	sdelay $0x3  }
0x94: {  	_ =	strace s5  }
0x95: {  	s5 =	sld [smem:$0x3FFC];
	_ =	sdelay $0x3  }
0x96: {  	_ =	strace s5  }
0x97: {  	s5 =	sld [smem:$0x3FFD];
	_ =	sdelay $0x3  }
0x98: {  	_ =	strace s5  }
0x99: {  	_ =	strace $0x8FFFFFFF  }
0x9a: {  	s19 =	sld [smem:$0x3FDB];
	_ =	sdelay $0x1  }
0x9b: {  	s6 =	simm.s32 $_scs_section_size  }
0x9c: {  	s7 =	simm.s32 $_size__tile_overlayer_lowered;
	s8 =	simm.s32 $_tile_overlayer_lowered  }
0x9d: {  	s22 =	simm.s32 $0x1BFF;
	s21 =	sshll.u32 s8, $0x1;
	s5 =	sadd.s32 s6, s19  }
0x9e: {  	s9 =	simm.s32 $0x0;
	s20 =	sshll.u32 s7, $0x1;
	s7 =	sadd.s32 s21, s5  }
0x9f: {  	[timem:s9], [sflag:s22] =	dma.local [hbm:s7], s20  }
0xa0: {  	_ =	swait.ge [sflag:s22], s20  }
0xa1: {  	s6 =	ssub.s32 $0x0, s20;
	[sflag:s22] =	ssyncset.done $0x0  }
0xa2: {  	[sflag:s22] =	ssyncadd.s32 s6;
	_ =	sdelay $0x1  }
0xa3: {  	s23 =	simm.s32 $0x1B8B  }
0xa4: {  	_ =	swait.ge [sflag:s23], $0x1  }
0xa5: {  	[sflag:s23] =	ssyncset.done $0x0  }
0xa6: {  	s25 =	simm.s32 $0x1B8E;
	s24 =	sld [smem:$0x3FFE];
	[sflag:s23] =	ssyncadd.s32 $0xFFFFFFFF  }
0xa7: {  	s26 =	simm.s32 $execute0_lowered;
	[smem:$0x3FD2] =	sst s25  }
0xa8: {  	s7 =	sshll.u32 s26, $0x1;
	_ =	strace $0x80000046;
	[dreg:$0x1] =	wrdreg $0xFFFFFFFF  }
0xa9: {  	s28 =	simm.s32 $_size_execute0_lowered;
	s5 =	sadd.s32 s5, s7;
	[dreg:$0x0] =	wrdreg $0x0  }
0xaa: {  	s7 =	sshll.u32 s28, $0x1;
	[dreg:$0x2] =	wrdreg s5  }
0xab: {  	[dreg:$0x3] =	wrdreg s7  }
0xac: {  	[dreg:$0x4] =	wrdreg $0xC0  }
0xad: {  	_ =	task [dreg:s9], $0x5FFFF  }
0xae: {  	[dreg:$0x1] =	wrdreg $0xFFFFFFFF  }
0xaf: {  	[dreg:$0x0] =	wrdreg $0x60  }
0xb0: {  	[dreg:$0x2] =	wrdreg s4  }
0xb1: {  	[dreg:$0x3] =	wrdreg s24  }
0xb2: {  	[dreg:$0x4] =	wrdreg s2  }
0xb3: {  	[dreg:$0x5] =	wrdreg s18  }
0xb4: {  	[dreg:$0x6] =	wrdreg $0xB3800  }
0xb5: {  	[dreg:$0x7] =	wrdreg $0x9  }
0xb6: {  	_ =	task.clear_ibuf [dreg:s9], $0x8FFFF;
	_ =	strace $0x90000046  }
0xb7: {  	s29 =	simm.s32 $0x9;
	_ =	strace $0x80000048  }
0xb8: {  	_ =	swait.ge [sflag:s29], $0x1  }
0xb9: {  	[sflag:s29] =	ssyncadd.s32 $0xFFFFFFFF  }
0xba: {  	_ =	strace $0x90000048  }
0xbb: {  	_ =	sfence  }
0xbc: {  	s30 =	sld [smem:$0x0];
	_ =	sdelay $0x2  }
0xbd: {  	s31 =	sshll.u32 s1, $0xD;
	s1 =	sshrl.u32 s1, $0x2  }
0xbe: {  	s3 =	sand.u32 $0x4000, s31;
	s1 =	sadd.s32 s1, s30  }
0xbf: {  	s0 =	sor.u32 s3, s0;
	s1 =	sshll.u32 s1, $0x11  }
0xc0: {  	s0 =	sor.u32 s1, s0  }
0xc1: {  	s0 =	sadd.s32 $0x8F2B, s0  }
0xc2: {  	[sflag:s0] =	ssyncadd.remote.s32 $0x1  }
0xc3: {  	_ =	sfence.sel $0xFFFF  }
0xc4: {  	[dreg:$0x0] =	wrdreg $0xFFFFFFFF;
	(pc) =	sbr.abs _section_cstart, $3  }
0xc5: {  	[dreg:$0x1] =	wrdreg $0xFFFFFFFF  }
0xc6: {  	_ =	task.clear_ibuf [dreg:s9], $0x2FFFF;
	_ =	strace $0x9FFFFFFF  }
0xc7: {  	(tm) =	ssettm $0x7FFFFFFF  }
tec
execute0_lowered:
.L_overlay_start_1:
0x0: {  	(tag) =	ssettag $0x1  }
0x1: {  	s0 =	rddreg [dreg:$0x1]  }
0x2: {  	s3 =	rddreg [dreg:$0x3]  }
0x3: {  	s4 =	rddreg [dreg:$0x4];
	s5 =	srdreg.scid  }
0x4: {  	s6 =	simm.s32 $0x0;
	s8 =	sand.u32 $0x1, s5;
	s5 =	stileid.u32  }
0x5: {  	[smem:$0x7FF] =	sst s6;
	s1 =	sadd.s32 $0x1200, s0;
	s12 =	sshll.u32 s5, $0xC  }
0x6: {  	_ =	strace $0x80000047;
	[dreg:$0x6] =	wrdreg s1;
	s1 =	sadd.s32 s12, s4  }
0x7: {  	s29 =	simm.s32 $0x0;
	s28 =	sadd.s32 $0x10000, s1;
	[dreg:$0x7] =	wrdreg s1  }
0x8: {  	s7 =	sadd.s32 $0x1400, s0;
	s30 =	sadd.s32 $0x20000, s1;
	[dreg:$0x9] =	wrdreg s28  }
0x9: {  	s9 =	smul.u32 $0xA000, s8;
	s31 =	sadd.s32 $0x30000, s1;
	[dreg:$0xa] =	wrdreg s30  }
0xa: {  	s10 =	smul.u32 $0xA00, s5;
	s13 =	sadd.s32 $0x60000, s1;
	[dreg:$0xb] =	wrdreg s31  }
0xb: {  	s11 =	ssub.s32 $0x2, s8;
	s15 =	sadd.s32 $0x70000, s1;
	[dreg:$0xe] =	wrdreg s13  }
0xc: {  	s14 =	smul.u32 $0x50000, s5;
	s16 =	sadd.s32 $0x80000, s1;
	[dreg:$0xf] =	wrdreg s15  }
0xd: {  	s26 =	sshrl.u32 s11, $0x1;
	s17 =	sadd.s32 $0x90000, s1;
	[dreg:$0x10] =	wrdreg s16  }
0xe: {  	s12 =	smul.u32 $0x2710, s8;
	s18 =	sadd.s32 $0xA0000, s1;
	[dreg:$0x11] =	wrdreg s17  }
0xf: {  	s10 =	sadd.s32 s10, s9;
	s20 =	sadd.s32 $0xB0000, s1;
	[dreg:$0x12] =	wrdreg s18  }
0x10: {  	s9 =	sadd.s32 $0x4F600, s0;
	s21 =	sadd.s32 $0xC0000, s1;
	[dreg:$0x14] =	wrdreg s20  }
0x11: {  	s19 =	sshrl.u32 s14, $0x2;
	s22 =	sadd.s32 $0xD0000, s1;
	[dreg:$0x15] =	wrdreg s21  }
0x12: {  	s24 =	sadd.s32 $0xE0000, s1;
	s25 =	sadd.s32 $0xF0000, s1;
	[dreg:$0x16] =	wrdreg s22  }
0x13: {  	s14 =	simm.s32 $0xA180;
	s10 =	sshrl.u32 s10, $0x3;
	[dreg:$0x17] =	wrdreg s24  }
0x14: {  	[dreg:$0x18] =	wrdreg s25;
	s28 =	sadd.s32 $0x110000, s1;
	s30 =	sadd.s32 $0x120000, s1  }
0x15: {  	s31 =	sadd.s32 $0x130000, s1;
	s13 =	simm.s32 $0x3;
	s15 =	simm.s32 $0x100  }
0x16: {  	s16 =	simm.s32 $0x50;
	s17 =	simm.s32 $0x180;
	s18 =	simm.s32 $0x80  }
0x17: {  	s20 =	simm.s32 $0x1;
	s21 =	simm.s32 $0x2;
	[dreg:$0x1a] =	wrdreg s28  }
0x18: {  	s0 =	sadd.s32 s10, s0;
	s10 =	ssub.s32 s11, s26;
	[dreg:$0x1b] =	wrdreg s30  }
0x19: {  	s11 =	smul.u32 $0x27100, s8;
	s8 =	sadd.s32 $0x40000, s1;
	[dreg:$0x1c] =	wrdreg s31  }
0x1a: {  	s22 =	simm.s32 $0x7980;
	s26 =	sadd.s32 $0x100000, s1;
	[dreg:$0xc] =	wrdreg s8  }
0x1b: {  	s25 =	simm.s32 $0x5180;
	s2 =	smax.u32 s10, $0x1;
	[dreg:$0x19] =	wrdreg s26  }
0x1c: {  	s10 =	sadd.s32 $0x50000, s1;
	s23 =	sadd.s32 $0x531600, s0;
	[dreg:$0x8] =	wrdreg s2  }
0x1d: {  	v1 =	vimm.f32 $0.0e+00;
	vm0 =	vmmov $0x1;
	vm1 =	vcmask $0x310;
	s0 =	sadd.s32 s19, s4;
	s19 =	simm.s32 $0x2980;
	[dreg:$0xd] =	wrdreg s10  }
0x1e: {  	vm2 =	vcmask $0x710;
	vm3 =	vcmask $0xB10;
	v0 =	vmov s12;
	s26 =	simm.s32 $0xB180;
	s1 =	simm.s32 $0x0;
	[dreg:$0x13] =	wrdreg s0  }
.LBB2_1:
0x1f: {  	[dreg:$0x1d] =	wrdreg s1  }
0x20: {  	s0 =	rddreg [dreg:$0x6];
	s31 =	simm.s32 $0xB280  }
0x21: {  	[tilespmem:s31], [sflag:$0x3] =	stream.linear.gather [hbm4b:s0+s6], $0x80, $0x38;
	[tilespmem:$0x1F380] =	vst v63  }
0x22: {  	_ =	swait.ge [sflag:s13], $0x80  }
0x23: {  	[sflag:s13] =	ssyncset.done $0x0  }
0x24: {  	[sflag:s13] =	ssyncadd.s32 $0xFFFFFF80  }
0x25: {  	v2 =	vld [tilespmem:$0xB280]  }
0x26: {  	s8 =	simm.s32 $0x200;
	s0 =	simm.s32 $0x0;
	v3 =	vld [tilespmem:$0xB290]  }
.LBB2_2:
0x27: {  	p0 =	sne.s32 s8, $0x9E00;
	[tilespmem:s0+$0x51F0] =	vst v1  }
0x28: {  	[tilespmem:s0+$0x5180] =	vst v1  }
0x29: {  	[tilespmem:s0+$0x5190] =	vst v1  }
.Ltmp0:
0x2a: {  	[tilespmem:s0+$0x51A0] =	vst v1;
	(pc) =	sbr.rel @p0 .LBB2_2-.Ltmp0, $4  }
0x2b: {  	[tilespmem:s0+$0x51B0] =	vst v1  }
0x2c: {  	[tilespmem:s0+$0x51C0] =	vst v1  }
0x2d: {  	[tilespmem:s0+$0x51D0] =	vst v1  }
0x2e: {  	[tilespmem:s0+$0x51E0] =	vst v1;
	s0 =	sshra.s32 s8, $0x2;
	s8 =	sadd.s32 $0x200, s8  }
0x2f: {  	[tilespmem:s0+$0x51F0] =	vst v1  }
0x30: {  	[tilespmem:s0+$0x5180] =	vst v1  }
0x31: {  	[tilespmem:s0+$0x5190] =	vst v1  }
0x32: {  	[tilespmem:s0+$0x51A0] =	vst v1  }
0x33: {  	[tilespmem:s0+$0x51B0] =	vst v1  }
0x34: {  	[tilespmem:s0+$0x51C0] =	vst v1  }
0x35: {  	[tilespmem:s0+$0x51D0] =	vst v1  }
0x36: {  	[tilespmem:s0+$0x51E0] =	vst v1;
	s0 =	simm.s32 $0x0;
	s8 =	simm.s32 $0x200  }
.LBB2_4:
0x37: {  	p0 =	sne.s32 s8, $0x3E00;
	[tilespmem:s0+$0xA1F0] =	vst v1  }
0x38: {  	[tilespmem:s0+$0xA180] =	vst v1  }
0x39: {  	[tilespmem:s0+$0xA190] =	vst v1  }
.Ltmp1:
0x3a: {  	[tilespmem:s0+$0xA1A0] =	vst v1;
	(pc) =	sbr.rel @p0 .LBB2_4-.Ltmp1, $4  }
0x3b: {  	[tilespmem:s0+$0xA1B0] =	vst v1  }
0x3c: {  	[tilespmem:s0+$0xA1C0] =	vst v1  }
0x3d: {  	[tilespmem:s0+$0xA1D0] =	vst v1  }
0x3e: {  	[tilespmem:s0+$0xA1E0] =	vst v1;
	s0 =	sshra.s32 s8, $0x2;
	s8 =	sadd.s32 $0x200, s8  }
0x3f: {  	[tilespmem:s0+$0xA1F0] =	vst v1  }
0x40: {  	[tilespmem:s0+$0xA180] =	vst v1  }
0x41: {  	[tilespmem:s0+$0xA190] =	vst v1  }
0x42: {  	[tilespmem:s0+$0xA1A0] =	vst v1  }
0x43: {  	[tilespmem:s0+$0xA1B0] =	vst v1  }
0x44: {  	[tilespmem:s0+$0xA1C0] =	vst v1  }
0x45: {  	[tilespmem:s0+$0xA1D0] =	vst v1  }
0x46: {  	[tilespmem:s0+$0xA1E0] =	vst v1;
	s12 =	rddreg [dreg:$0x7]  }
0x47: {  	[spmem:s12] =	stream.linear.scatter [tilespmem:s14], [sflag:$0x3], $0x1000, $0x38;
	[tilespmem:$0x1F380] =	vst v63  }
0x48: {  	_ =	swait.ge [sflag:s13], $0x1000  }
0x49: {  	[sflag:s13] =	ssyncset.done $0x0  }
0x4a: {  	s24 =	rddreg [dreg:$0x9];
	[sflag:s13] =	ssyncadd.s32 $0xFFFFF000  }
0x4b: {  	[spmem:s24] =	stream.linear.scatter [tilespmem:s14], [sflag:$0x3], $0x1000, $0x38;
	[tilespmem:$0x1F380] =	vst v63  }
0x4c: {  	_ =	swait.ge [sflag:s13], $0x1000  }
0x4d: {  	[sflag:s13] =	ssyncset.done $0x0  }
0x4e: {  	s28 =	rddreg [dreg:$0xa];
	[sflag:s13] =	ssyncadd.s32 $0xFFFFF000  }
0x4f: {  	[spmem:s28] =	stream.linear.scatter [tilespmem:s14], [sflag:$0x3], $0x1000, $0x38;
	[tilespmem:$0x1F380] =	vst v63  }
0x50: {  	_ =	swait.ge [sflag:s13], $0x1000  }
0x51: {  	[sflag:s13] =	ssyncset.done $0x0  }
0x52: {  	s31 =	rddreg [dreg:$0xb];
	[sflag:s13] =	ssyncadd.s32 $0xFFFFF000  }
0x53: {  	[spmem:s31] =	stream.linear.scatter [tilespmem:s14], [sflag:$0x3], $0x1000, $0x38;
	[tilespmem:$0x1F380] =	vst v63  }
0x54: {  	_ =	swait.ge [sflag:s13], $0x1000  }
0x55: {  	[sflag:s13] =	ssyncset.done $0x0  }
0x56: {  	s1 =	rddreg [dreg:$0xc];
	[sflag:s13] =	ssyncadd.s32 $0xFFFFF000  }
0x57: {  	[spmem:s1] =	stream.linear.scatter [tilespmem:s14], [sflag:$0x3], $0x1000, $0x38;
	[tilespmem:$0x1F380] =	vst v63  }
0x58: {  	_ =	swait.ge [sflag:s13], $0x1000  }
0x59: {  	[sflag:s13] =	ssyncset.done $0x0  }
0x5a: {  	s2 =	rddreg [dreg:$0xd];
	[sflag:s13] =	ssyncadd.s32 $0xFFFFF000  }
0x5b: {  	[spmem:s2] =	stream.linear.scatter [tilespmem:s14], [sflag:$0x3], $0x1000, $0x38;
	[tilespmem:$0x1F380] =	vst v63  }
0x5c: {  	_ =	swait.ge [sflag:s13], $0x1000  }
0x5d: {  	[sflag:s13] =	ssyncset.done $0x0  }
0x5e: {  	s8 =	rddreg [dreg:$0xe];
	[sflag:s13] =	ssyncadd.s32 $0xFFFFF000  }
0x5f: {  	[spmem:s8] =	stream.linear.scatter [tilespmem:s14], [sflag:$0x3], $0x1000, $0x38;
	[tilespmem:$0x1F380] =	vst v63  }
0x60: {  	_ =	swait.ge [sflag:s13], $0x1000  }
0x61: {  	[sflag:s13] =	ssyncset.done $0x0  }
0x62: {  	s10 =	rddreg [dreg:$0xf];
	[sflag:s13] =	ssyncadd.s32 $0xFFFFF000  }
0x63: {  	[spmem:s10] =	stream.linear.scatter [tilespmem:s14], [sflag:$0x3], $0x1000, $0x38;
	[tilespmem:$0x1F380] =	vst v63  }
0x64: {  	_ =	swait.ge [sflag:s13], $0x1000  }
0x65: {  	[sflag:s13] =	ssyncset.done $0x0  }
0x66: {  	s12 =	rddreg [dreg:$0x10];
	[sflag:s13] =	ssyncadd.s32 $0xFFFFF000  }
0x67: {  	[spmem:s12] =	stream.linear.scatter [tilespmem:s14], [sflag:$0x3], $0x1000, $0x38;
	[tilespmem:$0x1F380] =	vst v63  }
0x68: {  	_ =	swait.ge [sflag:s13], $0x1000  }
0x69: {  	[sflag:s13] =	ssyncset.done $0x0  }
0x6a: {  	s24 =	rddreg [dreg:$0x11];
	[sflag:s13] =	ssyncadd.s32 $0xFFFFF000  }
0x6b: {  	[spmem:s24] =	stream.linear.scatter [tilespmem:s14], [sflag:$0x3], $0x1000, $0x38;
	[tilespmem:$0x1F380] =	vst v63  }
0x6c: {  	_ =	swait.ge [sflag:s13], $0x1000  }
0x6d: {  	[sflag:s13] =	ssyncset.done $0x0  }
0x6e: {  	s28 =	rddreg [dreg:$0x12];
	[sflag:s13] =	ssyncadd.s32 $0xFFFFF000  }
0x6f: {  	[spmem:s28] =	stream.linear.scatter [tilespmem:s14], [sflag:$0x3], $0x1000, $0x38;
	[tilespmem:$0x1F380] =	vst v63  }
0x70: {  	_ =	swait.ge [sflag:s13], $0x1000  }
0x71: {  	[sflag:s13] =	ssyncset.done $0x0  }
0x72: {  	s31 =	rddreg [dreg:$0x14];
	[sflag:s13] =	ssyncadd.s32 $0xFFFFF000  }
0x73: {  	[spmem:s31] =	stream.linear.scatter [tilespmem:s14], [sflag:$0x3], $0x1000, $0x38;
	[tilespmem:$0x1F380] =	vst v63  }
0x74: {  	_ =	swait.ge [sflag:s13], $0x1000  }
0x75: {  	[sflag:s13] =	ssyncset.done $0x0  }
0x76: {  	s1 =	rddreg [dreg:$0x15];
	[sflag:s13] =	ssyncadd.s32 $0xFFFFF000  }
0x77: {  	[spmem:s1] =	stream.linear.scatter [tilespmem:s14], [sflag:$0x3], $0x1000, $0x38;
	[tilespmem:$0x1F380] =	vst v63  }
0x78: {  	_ =	swait.ge [sflag:s13], $0x1000  }
0x79: {  	[sflag:s13] =	ssyncset.done $0x0  }
0x7a: {  	s2 =	rddreg [dreg:$0x16];
	[sflag:s13] =	ssyncadd.s32 $0xFFFFF000  }
0x7b: {  	[spmem:s2] =	stream.linear.scatter [tilespmem:s14], [sflag:$0x3], $0x1000, $0x38;
	[tilespmem:$0x1F380] =	vst v63  }
0x7c: {  	_ =	swait.ge [sflag:s13], $0x1000  }
0x7d: {  	[sflag:s13] =	ssyncset.done $0x0  }
0x7e: {  	s8 =	rddreg [dreg:$0x17];
	[sflag:s13] =	ssyncadd.s32 $0xFFFFF000  }
0x7f: {  	[spmem:s8] =	stream.linear.scatter [tilespmem:s14], [sflag:$0x3], $0x1000, $0x38;
	[tilespmem:$0x1F380] =	vst v63  }
0x80: {  	_ =	swait.ge [sflag:s13], $0x1000  }
0x81: {  	[sflag:s13] =	ssyncset.done $0x0  }
0x82: {  	s10 =	rddreg [dreg:$0x18];
	[sflag:s13] =	ssyncadd.s32 $0xFFFFF000  }
0x83: {  	[spmem:s10] =	stream.linear.scatter [tilespmem:s14], [sflag:$0x3], $0x1000, $0x38;
	[tilespmem:$0x1F380] =	vst v63  }
0x84: {  	_ =	swait.ge [sflag:s13], $0x1000  }
0x85: {  	[sflag:s13] =	ssyncset.done $0x0  }
0x86: {  	s12 =	rddreg [dreg:$0x19];
	[sflag:s13] =	ssyncadd.s32 $0xFFFFF000  }
0x87: {  	[spmem:s12] =	stream.linear.scatter [tilespmem:s14], [sflag:$0x3], $0x1000, $0x38;
	[tilespmem:$0x1F380] =	vst v63  }
0x88: {  	_ =	swait.ge [sflag:s13], $0x1000  }
0x89: {  	[sflag:s13] =	ssyncset.done $0x0  }
0x8a: {  	s24 =	rddreg [dreg:$0x1a];
	[sflag:s13] =	ssyncadd.s32 $0xFFFFF000  }
0x8b: {  	[spmem:s24] =	stream.linear.scatter [tilespmem:s14], [sflag:$0x3], $0x1000, $0x38;
	[tilespmem:$0x1F380] =	vst v63  }
0x8c: {  	_ =	swait.ge [sflag:s13], $0x1000  }
0x8d: {  	[sflag:s13] =	ssyncset.done $0x0  }
0x8e: {  	s28 =	rddreg [dreg:$0x1b];
	[sflag:s13] =	ssyncadd.s32 $0xFFFFF000  }
0x8f: {  	[spmem:s28] =	stream.linear.scatter [tilespmem:s14], [sflag:$0x3], $0x1000, $0x38;
	[tilespmem:$0x1F380] =	vst v63  }
0x90: {  	_ =	swait.ge [sflag:s13], $0x1000  }
0x91: {  	[sflag:s13] =	ssyncset.done $0x0  }
0x92: {  	s31 =	rddreg [dreg:$0x1c];
	[sflag:s13] =	ssyncadd.s32 $0xFFFFF000  }
0x93: {  	[spmem:s31] =	stream.linear.scatter [tilespmem:s14], [sflag:$0x3], $0x1000, $0x38;
	[tilespmem:$0x1F380] =	vst v63  }
0x94: {  	_ =	swait.ge [sflag:s13], $0x1000  }
0x95: {  	[sflag:s13] =	ssyncset.done $0x0  }
0x96: {  	[sflag:s13] =	ssyncadd.s32 $0xFFFFF000  }
0x97: {  	s30 =	simm.s32 $0x0;
	[bflag:$0x0] =	sbarrier.arrive $0xFFFF  }
.LBB2_6:
0x98: {  	s0 =	sshll.u32 s30, $0x4  }
0x99: {  	s0 =	sor.u32 s5, s0  }
0x9a: {  	s31 =	smul.u32 $0x50, s0;
	_ =	sdelay $0x1  }
0x9b: {  	s1 =	rddreg [dreg:$0x2];
	s0 =	sshrl.u32 s31, $0x3  }
0x9c: {  	s8 =	sadd.s32 s1, s0  }
0x9d: {  	[tilespmem:s29], [sflag:$0x3] =	stream.linear.gather [hbm4b:s8+s29], $0x50, $0x38;
	[tilespmem:$0x1F380] =	vst v63  }
0x9e: {  	_ =	swait.ge [sflag:s13], $0x50  }
0x9f: {  	[sflag:s13] =	ssyncset.done $0x0  }
0xa0: {  	s0 =	sadd.s32 s3, s0;
	[sflag:s13] =	ssyncadd.s32 $0xFFFFFFB0  }
0xa1: {  	[tilespmem:s15], [sflag:$0x3] =	stream.linear.gather [hbm4b:s0+s29], $0x50, $0x38;
	[tilespmem:$0x1F380] =	vst v63  }
0xa2: {  	_ =	swait.ge [sflag:s13], $0x50  }
0xa3: {  	[sflag:s13] =	ssyncset.done $0x0  }
0xa4: {  	[sflag:s13] =	ssyncadd.s32 $0xFFFFFFB0  }
0xa5: {  	v4 =	vld [tilespmem:$0x0]  }
0xa6: {  	v5 =	vld [tilespmem:$0x100]  }
0xa7: {  	v6 =	vld [tilespmem:$0x10]  }
0xa8: {  	v7 =	vld [tilespmem:$0x110]  }
0xa9: {  	v8 =	vld [tilespmem:$0x20]  }
0xaa: {  	v9 =	vld [tilespmem:$0x120];
	v4 =	vadd.s32 v0, v4  }
0xab: {  	[tilespmem:$0x0] =	vst v4;
	v4 =	vadd.s32 v0, v5;
	v5 =	vld [tilespmem:$0x30]  }
0xac: {  	[tilespmem:$0x80] =	vst v4;
	v4 =	vadd.s32 v0, v6;
	v6 =	vld [tilespmem:$0x130]  }
0xad: {  	[tilespmem:$0x10] =	vst v4;
	v4 =	vadd.s32 v0, v7;
	v7 =	vld [tilespmem:$0x40]  }
0xae: {  	[tilespmem:$0x90] =	vst v4;
	v4 =	vadd.s32 v0, v8;
	v8 =	vld [tilespmem:$0x140]  }
0xaf: {  	[tilespmem:$0x20] =	vst v4;
	v4 =	vadd.s32 v0, v9  }
0xb0: {  	[tilespmem:$0xA0] =	vst v4;
	v4 =	vadd.s32 v0, v5  }
0xb1: {  	[tilespmem:$0x30] =	vst v4;
	v4 =	vadd.s32 v0, v6  }
0xb2: {  	[tilespmem:$0xB0] =	vst v4;
	v4 =	vadd.s32 v0, v7  }
0xb3: {  	[tilespmem:$0x40] =	vst v4;
	v4 =	vadd.s32 v0, v8  }
0xb4: {  	s28 =	rddreg [dreg:$0x0];
	[tilespmem:$0xC0] =	vst v4  }
0xb5: {  	[tilespmem:s17], [sflag:$0x1] =	stream.indirect.gather [hbm4b:s28+s16], $0x80, s29, s16, $0xb8;
	[tilespmem:$0x1F380] =	vst v63  }
0xb6: {  	_ = 	snop  }
0xb7: {  	[tilespmem:s19], [sflag:$0x2] =	stream.indirect.gather [hbm4b:s7+s16], $0x80, s18, s16, $0xb8;
	[tilespmem:$0x1F380] =	vst v63  }
0xb8: {  	_ =	swait.ge [sflag:s20], $0x2800  }
0xb9: {  	[sflag:s20] =	ssyncset.done $0x0  }
0xba: {  	[sflag:s20] =	ssyncadd.s32 $0xFFFFD800  }
0xbb: {  	_ =	swait.ge [sflag:s21], $0x2800  }
0xbc: {  	[sflag:s21] =	ssyncset.done $0x0  }
0xbd: {  	s0 =	simm.s32 $0x0;
	[sflag:s21] =	ssyncadd.s32 $0xFFFFD800  }
0xbe: {  	v4 =	vld [tilespmem:s0+$0x2990]  }
0xbf: {  	v5 =	vld [tilespmem:s0+$0x180]  }
0xc0: {  	v6 =	vld [tilespmem:s0+$0x190]  }
0xc1: {  	v7 =	vld [tilespmem:s0+$0x2980];
	_ =	sdelay $0x4  }
0xc2: {  	v4 =	vadd.f32 v4, v6;
	v5 =	vadd.f32 v7, v5;
	_ =	sdelay $0x1  }
0xc3: {  	v6 =	vmul.f32 $9.999999770e-03, v4;
	v7 =	vmul.f32 $9.999999770e-03, v5  }
0xc4: {  	vm4 =	vge.f32 v4, $0.0e+00;
	vm5 =	vge.f32 v5, $0.0e+00  }
0xc5: {  	v4 =	vsel vm4, v4, v6;
	v5 =	vsel vm5, v5, v7  }
0xc6: {  	v4 =	vmul.f32 v4, v3;
	v5 =	vmul.f32 v5, v2;
	_ =	sdelay $0x1  }
0xc7: {  	v4 =	vadd.f32 v4, v5;
	_ =	sdelay $0x1  }
0xc8: {  	[tilespmem:$0xB300] =	vst v4  }
0xc9: {  	v5 =	vld [tilespmem:s0+$0x1B0]  }
0xca: {  	v6 =	vld [tilespmem:s0+$0x29A0]  }
0xcb: {  	v7 =	vld [tilespmem:s0+$0x1A0]  }
0xcc: {  	v8 =	vld [tilespmem:s0+$0x29B0];
	_ =	sdelay $0x4  }
0xcd: {  	v6 =	vadd.f32 v6, v7;
	v5 =	vadd.f32 v8, v5;
	_ =	sdelay $0x1  }
0xce: {  	v7 =	vmul.f32 $9.999999770e-03, v6;
	v8 =	vmul.f32 $9.999999770e-03, v5  }
0xcf: {  	vm4 =	vge.f32 v6, $0.0e+00;
	vm5 =	vge.f32 v5, $0.0e+00  }
0xd0: {  	v6 =	vsel vm4, v6, v7;
	v5 =	vsel vm5, v5, v8  }
0xd1: {  	v6 =	vmul.f32 v6, v2;
	v5 =	vmul.f32 v5, v3;
	_ =	sdelay $0x1  }
0xd2: {  	v5 =	vadd.f32 v5, v6;
	_ =	sdelay $0x1  }
0xd3: {  	[tilespmem:$0xB320] =	vst v5  }
0xd4: {  	v6 =	vld [tilespmem:s0+$0x29D0]  }
0xd5: {  	v7 =	vld [tilespmem:s0+$0x29C0]  }
0xd6: {  	v8 =	vld [tilespmem:s0+$0x1C0]  }
0xd7: {  	v9 =	vld [tilespmem:s0+$0x1D0];
	_ =	sdelay $0x4  }
0xd8: {  	v7 =	vadd.f32 v7, v8;
	v6 =	vadd.f32 v6, v9;
	_ =	sdelay $0x1  }
0xd9: {  	v8 =	vmul.f32 $9.999999770e-03, v7;
	v9 =	vmul.f32 $9.999999770e-03, v6  }
0xda: {  	vm4 =	vge.f32 v7, $0.0e+00;
	vm5 =	vge.f32 v6, $0.0e+00  }
0xdb: {  	v7 =	vsel vm4, v7, v8;
	v6 =	vsel vm5, v6, v9  }
0xdc: {  	v7 =	vmul.f32 v7, v2;
	v6 =	vmul.f32 v6, v3;
	_ =	sdelay $0x1  }
0xdd: {  	v6 =	vadd.f32 v6, v7;
	_ =	sdelay $0x1  }
0xde: {  	[tilespmem:$0xB340] =	vst v6  }
0xdf: {  	v7 =	vld [tilespmem:s0+$0x1E0]  }
0xe0: {  	v8 =	vld [tilespmem:s0+$0x29E0]  }
0xe1: {  	v9 =	vld [tilespmem:s0+$0x29F0]  }
0xe2: {  	v10 =	vld [tilespmem:s0+$0x1F0];
	_ =	sdelay $0x4  }
0xe3: {  	v7 =	vadd.f32 v8, v7;
	v8 =	vadd.f32 v9, v10;
	_ =	sdelay $0x1  }
0xe4: {  	v9 =	vmul.f32 $9.999999770e-03, v7;
	v10 =	vmul.f32 $9.999999770e-03, v8  }
0xe5: {  	vm4 =	vge.f32 v7, $0.0e+00;
	vm5 =	vge.f32 v8, $0.0e+00  }
0xe6: {  	v7 =	vsel vm4, v7, v9;
	v8 =	vsel vm5, v8, v10  }
0xe7: {  	v7 =	vmul.f32 v7, v2;
	v8 =	vmul.f32 v8, v3;
	_ =	sdelay $0x1  }
0xe8: {  	v9 =	vld [tilespmem:$0xB308];
	v7 =	vadd.f32 v8, v7  }
0xe9: {  	v8 =	vld [tilespmem:$0xB328]  }
0xea: {  	v10 =	vld [tilespmem:$0xB348];
	[tilespmem:$0xB360] =	vst v7  }
0xeb: {  	v11 =	vld [tilespmem:$0xB368];
	_ =	sdelay $0x1  }
0xec: {  	v4 =	vadd.f32 v9, v4  }
0xed: {  	v5 =	vadd.f32 v8, v5  }
0xee: {  	v6 =	vadd.f32 v10, v6;
	[tilespmem:$0xB300] =	vst v4  }
0xef: {  	v8 =	vld [tilespmem:$0xB304];
	[tilespmem:$0xB320] =	vst v5;
	v7 =	vadd.f32 v11, v7  }
0xf0: {  	[tilespmem:$0xB340] =	vst v6;
	v9 =	vld [tilespmem:$0xB324]  }
0xf1: {  	v10 =	vld [tilespmem:$0xB344];
	[tilespmem:$0xB360] =	vst v7  }
0xf2: {  	v11 =	vld [tilespmem:$0xB364];
	_ =	sdelay $0x1  }
0xf3: {  	v4 =	vadd.f32 v8, v4  }
0xf4: {  	v5 =	vadd.f32 v9, v5  }
0xf5: {  	v6 =	vadd.f32 v10, v6;
	[tilespmem:$0xB300] =	vst v4  }
0xf6: {  	v8 =	vld [tilespmem:$0xB302];
	[tilespmem:$0xB320] =	vst v5;
	v7 =	vadd.f32 v11, v7  }
0xf7: {  	[tilespmem:$0xB340] =	vst v6;
	v9 =	vld [tilespmem:$0xB322]  }
0xf8: {  	v10 =	vld [tilespmem:$0xB342];
	[tilespmem:$0xB360] =	vst v7  }
0xf9: {  	v11 =	vld [tilespmem:$0xB362];
	_ =	sdelay $0x1  }
0xfa: {  	v4 =	vadd.f32 v8, v4  }
0xfb: {  	v5 =	vadd.f32 v9, v5  }
0xfc: {  	v6 =	vadd.f32 v10, v6;
	[tilespmem:$0xB300] =	vst v4  }
0xfd: {  	v8 =	vld [tilespmem:$0xB301];
	[tilespmem:$0xB320] =	vst v5;
	v7 =	vadd.f32 v11, v7  }
0xfe: {  	[tilespmem:$0xB340] =	vst v6;
	(v2sf) =	vpush v6, $0x0;
	v9 =	vld [tilespmem:$0xB321]  }
0xff: {  	v6 =	vld [tilespmem:$0xB341];
	(v2sf) =	vpush v5, $0x0;
	[tilespmem:$0xB360] =	vst v7  }
0x100: {  	(v2sf) =	vpush v7, $0x0;
	v5 =	vld [tilespmem:$0xB361]  }
0x101: {  	(v2sf) =	vpush v4, $0x0  }
0x102: {  	(v2sf) =	vpush v8, $0x0  }
0x103: {  	(v2sf) =	vpush v9, $0x0  }
0x104: {  	(v2sf) =	vpush v6, $0x0  }
0x105: {  	(v2sf) =	vpush v5, $0x0;
	_ =	sdelay $0x7  }
0x106: {  	s8 =	spop (v2sf)  }
0x107: {  	s10 =	spop (v2sf)  }
0x108: {  	s12 =	spop (v2sf)  }
0x109: {  	s24 =	spop (v2sf)  }
0x10a: {  	s28 =	spop (v2sf)  }
0x10b: {  	s24 =	sadd.f32 s28, s24;
	s1 =	spop (v2sf)  }
0x10c: {  	s10 =	sadd.f32 s1, s10;
	s2 =	spop (v2sf)  }
0x10d: {  	v4 =	vmov s24;
	s8 =	sadd.f32 s2, s8;
	s28 =	spop (v2sf)  }
0x10e: {  	v4 =	vmul.f32 $1.442695020e+00, v4;
	v5 =	vmov s10;
	s12 =	sadd.f32 s28, s12  }
0x10f: {  	v5 =	vmul.f32 $1.442695020e+00, v5;
	v6 =	vmov s8  }
0x110: {  	s10 =	simm.s32 $0x80;
	v8 =	vbroadcast v4, $0x0;
	v6 =	vmul.f32 $1.442695020e+00, v6;
	v7 =	vmov s12  }
0x111: {  	v4 =	vld [tilespmem:s10+$0x2990];
	v9 =	vbroadcast v5, $0x0;
	v10 =	vmul.f32 $1.442695020e+00, v7  }
0x112: {  	v5 =	vld [tilespmem:s10+$0x180];
	v7 =	vbroadcast v6, $0x0;
	(erf) = vpow2.f32 v8  }
0x113: {  	s8 =	simm.s32 $0x400;
	v6 =	vld [tilespmem:s10+$0x190];
	(erf) = vpow2.f32 v9;
	v8 =	vbroadcast v10, $0x0  }
.LBB2_7:
0x114: {  	p0 =	sne.s32 s8, $0x9E00;
	v9 =	vld [tilespmem:s10+$0x2980];
	(erf) = vpow2.f32 v7;
	s12 =	smov.u32 s8;
	s8 =	sadd.s32 $0x200, s8  }
0x115: {  	(erf) = vpow2.f32 v8;
	_ =	sdelay $0x2  }
0x116: {  	v4 =	vadd.f32 v4, v6  }
0x117: {  	v5 =	vadd.f32 v9, v5  }
0x118: {  	v6 =	vmul.f32 $9.999999770e-03, v4  }
0x119: {  	vm4 =	vge.f32 v4, $0.0e+00;
	v9 =	vmul.f32 $9.999999770e-03, v5;
	v8 =	vpop (erf)  }
0x11a: {  	vm5 =	vge.f32 v5, $0.0e+00;
	v4 =	vsel vm4, v4, v6;
	v6 =	vnsel vm0, $0x0, v8;
	v8 =	vpop (erf)  }
0x11b: {  	v5 =	vsel vm5, v5, v9;
	v4 =	vmul.f32 v4, v3;
	v6 =	vsel vm1, v6, v8;
	v7 =	vpop (erf)  }
0x11c: {  	v5 =	vmul.f32 v5, v2;
	v6 =	vsel vm2, v6, v7;
	v7 =	vpop (erf)  }
0x11d: {  	v6 =	vsel vm3, v6, v7  }
0x11e: {  	v4 =	vadd.f32 v4, v5;
	[tilespmem:s0+$0x5180] =	vst v6  }
0x11f: {  	[tilespmem:s0+$0x7980] =	vst v6;
	s0 =	smov.u32 s10  }
0x120: {  	[tilespmem:$0xB300] =	vst v4  }
0x121: {  	v5 =	vld [tilespmem:s0+$0x1B0]  }
0x122: {  	v6 =	vld [tilespmem:s0+$0x29A0]  }
0x123: {  	v7 =	vld [tilespmem:s0+$0x1A0]  }
0x124: {  	v8 =	vld [tilespmem:s0+$0x29B0];
	_ =	sdelay $0x3  }
0x125: {  	v6 =	vadd.f32 v6, v7  }
0x126: {  	v5 =	vadd.f32 v8, v5  }
0x127: {  	v7 =	vmul.f32 $9.999999770e-03, v6  }
0x128: {  	vm4 =	vge.f32 v6, $0.0e+00;
	v8 =	vmul.f32 $9.999999770e-03, v5  }
0x129: {  	v6 =	vsel vm4, v6, v7;
	vm4 =	vge.f32 v5, $0.0e+00  }
0x12a: {  	v5 =	vsel vm4, v5, v8  }
0x12b: {  	v6 =	vmul.f32 v6, v2;
	v5 =	vmul.f32 v5, v3;
	_ =	sdelay $0x1  }
0x12c: {  	v5 =	vadd.f32 v5, v6;
	_ =	sdelay $0x1  }
0x12d: {  	[tilespmem:$0xB320] =	vst v5  }
0x12e: {  	v6 =	vld [tilespmem:s0+$0x29D0]  }
0x12f: {  	v7 =	vld [tilespmem:s0+$0x29C0]  }
0x130: {  	v8 =	vld [tilespmem:s0+$0x1C0]  }
0x131: {  	v9 =	vld [tilespmem:s0+$0x1D0];
	_ =	sdelay $0x3  }
0x132: {  	v7 =	vadd.f32 v7, v8  }
0x133: {  	v6 =	vadd.f32 v6, v9  }
0x134: {  	v8 =	vmul.f32 $9.999999770e-03, v7  }
0x135: {  	vm4 =	vge.f32 v7, $0.0e+00;
	v9 =	vmul.f32 $9.999999770e-03, v6  }
0x136: {  	v7 =	vsel vm4, v7, v8;
	vm4 =	vge.f32 v6, $0.0e+00  }
0x137: {  	v6 =	vsel vm4, v6, v9  }
0x138: {  	v7 =	vmul.f32 v7, v2;
	v6 =	vmul.f32 v6, v3;
	_ =	sdelay $0x1  }
0x139: {  	v6 =	vadd.f32 v6, v7;
	v7 =	vld [tilespmem:$0xB308]  }
0x13a: {  	v8 =	vld [tilespmem:$0xB328]  }
0x13b: {  	[tilespmem:$0xB340] =	vst v6  }
0x13c: {  	v9 =	vld [tilespmem:s0+$0x1E0]  }
0x13d: {  	v10 =	vld [tilespmem:s0+$0x29E0]  }
0x13e: {  	v11 =	vld [tilespmem:s0+$0x29F0];
	v4 =	vadd.f32 v7, v4  }
0x13f: {  	v7 =	vld [tilespmem:s0+$0x1F0];
	v5 =	vadd.f32 v8, v5  }
0x140: {  	[tilespmem:$0xB300] =	vst v4  }
0x141: {  	[tilespmem:$0xB320] =	vst v5  }
0x142: {  	v8 =	vadd.f32 v10, v9;
	_ =	sdelay $0x1  }
0x143: {  	v7 =	vadd.f32 v11, v7;
	v9 =	vmul.f32 $9.999999770e-03, v8  }
0x144: {  	vm4 =	vge.f32 v8, $0.0e+00  }
0x145: {  	v8 =	vsel vm4, v8, v9;
	v9 =	vmul.f32 $9.999999770e-03, v7  }
0x146: {  	vm4 =	vge.f32 v7, $0.0e+00  }
0x147: {  	v7 =	vsel vm4, v7, v9  }
0x148: {  	v8 =	vmul.f32 v8, v2;
	v7 =	vmul.f32 v7, v3;
	_ =	sdelay $0x1  }
0x149: {  	v7 =	vadd.f32 v7, v8;
	_ =	sdelay $0x1  }
0x14a: {  	[tilespmem:$0xB360] =	vst v7;
	v8 =	vld [tilespmem:$0xB348]  }
0x14b: {  	v9 =	vld [tilespmem:$0xB368];
	_ =	sdelay $0x3  }
0x14c: {  	v6 =	vadd.f32 v8, v6  }
0x14d: {  	v7 =	vadd.f32 v9, v7;
	v8 =	vld [tilespmem:$0xB304]  }
0x14e: {  	[tilespmem:$0xB340] =	vst v6;
	v9 =	vld [tilespmem:$0xB324]  }
0x14f: {  	[tilespmem:$0xB360] =	vst v7;
	v10 =	vld [tilespmem:$0xB344]  }
0x150: {  	v11 =	vld [tilespmem:$0xB364];
	_ =	sdelay $0x1  }
0x151: {  	v4 =	vadd.f32 v8, v4  }
0x152: {  	v5 =	vadd.f32 v9, v5  }
0x153: {  	[tilespmem:$0xB300] =	vst v4;
	v6 =	vadd.f32 v10, v6  }
0x154: {  	[tilespmem:$0xB320] =	vst v5;
	v7 =	vadd.f32 v11, v7;
	v8 =	vld [tilespmem:$0xB302]  }
0x155: {  	[tilespmem:$0xB340] =	vst v6;
	v9 =	vld [tilespmem:$0xB322]  }
0x156: {  	[tilespmem:$0xB360] =	vst v7;
	v10 =	vld [tilespmem:$0xB342]  }
0x157: {  	v11 =	vld [tilespmem:$0xB362];
	_ =	sdelay $0x1  }
0x158: {  	v4 =	vadd.f32 v8, v4  }
0x159: {  	v5 =	vadd.f32 v9, v5  }
0x15a: {  	[tilespmem:$0xB300] =	vst v4;
	v6 =	vadd.f32 v10, v6  }
0x15b: {  	[tilespmem:$0xB320] =	vst v5;
	v7 =	vadd.f32 v11, v7;
	v8 =	vld [tilespmem:$0xB301]  }
0x15c: {  	[tilespmem:$0xB340] =	vst v6;
	v9 =	vld [tilespmem:$0xB321];
	(v2sf) =	vpush v6, $0x0  }
0x15d: {  	[tilespmem:$0xB360] =	vst v7;
	v6 =	vld [tilespmem:$0xB341];
	(v2sf) =	vpush v5, $0x0  }
0x15e: {  	v5 =	vld [tilespmem:$0xB361];
	(v2sf) =	vpush v7, $0x0  }
0x15f: {  	(v2sf) =	vpush v4, $0x0  }
0x160: {  	(v2sf) =	vpush v8, $0x0  }
0x161: {  	(v2sf) =	vpush v9, $0x0  }
0x162: {  	(v2sf) =	vpush v6, $0x0  }
0x163: {  	(v2sf) =	vpush v5, $0x0;
	_ =	sdelay $0x7  }
0x164: {  	s10 =	spop (v2sf)  }
0x165: {  	s24 =	spop (v2sf)  }
0x166: {  	s28 =	spop (v2sf)  }
0x167: {  	s1 =	spop (v2sf)  }
0x168: {  	s2 =	spop (v2sf)  }
0x169: {  	s1 =	sadd.f32 s2, s1;
	s2 =	spop (v2sf)  }
0x16a: {  	s2 =	sadd.f32 s2, s24;
	s24 =	spop (v2sf)  }
0x16b: {  	v4 =	vmov s1;
	s1 =	sadd.f32 s24, s10;
	s10 =	spop (v2sf)  }
0x16c: {  	v4 =	vmul.f32 $1.442695020e+00, v4;
	v5 =	vmov s2;
	s2 =	sadd.f32 s10, s28  }
.Ltmp2:
0x16d: {  	v5 =	vmul.f32 $1.442695020e+00, v5;
	v6 =	vmov s1;
	(pc) =	sbr.rel @p0 .LBB2_7-.Ltmp2, $4  }
0x16e: {  	s10 =	sshra.s32 s12, $0x2;
	v8 =	vbroadcast v4, $0x0;
	v6 =	vmul.f32 $1.442695020e+00, v6;
	v7 =	vmov s2  }
0x16f: {  	v4 =	vld [tilespmem:s10+$0x2990];
	v9 =	vbroadcast v5, $0x0;
	v10 =	vmul.f32 $1.442695020e+00, v7  }
0x170: {  	v5 =	vld [tilespmem:s10+$0x180];
	v7 =	vbroadcast v6, $0x0;
	(erf) = vpow2.f32 v8  }
0x171: {  	v6 =	vld [tilespmem:s10+$0x190];
	v8 =	vbroadcast v10, $0x0;
	(erf) = vpow2.f32 v9  }
0x172: {  	v9 =	vld [tilespmem:s10+$0x2980];
	(erf) = vpow2.f32 v7  }
0x173: {  	(erf) = vpow2.f32 v8;
	_ =	sdelay $0x3  }
0x174: {  	v4 =	vadd.f32 v4, v6;
	v5 =	vadd.f32 v9, v5;
	_ =	sdelay $0x1  }
0x175: {  	v6 =	vmul.f32 $9.999999770e-03, v4;
	v31 =	vmul.f32 $9.999999770e-03, v5;
	v32 =	vpop (erf)  }
0x176: {  	vm4 =	vge.f32 v4, $0.0e+00;
	vm5 =	vge.f32 v5, $0.0e+00;
	v8 =	vnsel vm0, $0x0, v32;
	v33 =	vpop (erf)  }
0x177: {  	v4 =	vsel vm4, v4, v6;
	v5 =	vsel vm5, v5, v31;
	v34 =	vsel vm1, v8, v33;
	v35 =	vpop (erf)  }
0x178: {  	v4 =	vmul.f32 v4, v3;
	v5 =	vmul.f32 v5, v2;
	v6 =	vsel vm2, v34, v35;
	v36 =	vpop (erf)  }
0x179: {  	v6 =	vsel vm3, v6, v36  }
0x17a: {  	v4 =	vadd.f32 v4, v5;
	[tilespmem:s0+$0x5180] =	vst v6  }
0x17b: {  	[tilespmem:s0+$0x7980] =	vst v6  }
0x17c: {  	[tilespmem:$0xB300] =	vst v4  }
0x17d: {  	v5 =	vld [tilespmem:s10+$0x1B0]  }
0x17e: {  	v6 =	vld [tilespmem:s10+$0x29A0]  }
0x17f: {  	v37 =	vld [tilespmem:s10+$0x1A0]  }
0x180: {  	v38 =	vld [tilespmem:s10+$0x29B0];
	_ =	sdelay $0x4  }
0x181: {  	v6 =	vadd.f32 v6, v37;
	v5 =	vadd.f32 v38, v5;
	_ =	sdelay $0x1  }
0x182: {  	v7 =	vmul.f32 $9.999999770e-03, v6;
	v8 =	vmul.f32 $9.999999770e-03, v5  }
0x183: {  	vm4 =	vge.f32 v6, $0.0e+00;
	vm5 =	vge.f32 v5, $0.0e+00  }
0x184: {  	v6 =	vsel vm4, v6, v7;
	v5 =	vsel vm5, v5, v8  }
0x185: {  	v6 =	vmul.f32 v6, v2;
	v5 =	vmul.f32 v5, v3;
	_ =	sdelay $0x1  }
0x186: {  	v5 =	vadd.f32 v5, v6;
	_ =	sdelay $0x1  }
0x187: {  	[tilespmem:$0xB320] =	vst v5  }
0x188: {  	v39 =	vld [tilespmem:s10+$0x29D0]  }
0x189: {  	v40 =	vld [tilespmem:s10+$0x29C0]  }
0x18a: {  	v41 =	vld [tilespmem:s10+$0x1C0]  }
0x18b: {  	v42 =	vld [tilespmem:s10+$0x1D0];
	_ =	sdelay $0x4  }
0x18c: {  	v7 =	vadd.f32 v40, v41;
	v6 =	vadd.f32 v39, v42;
	_ =	sdelay $0x1  }
0x18d: {  	v8 =	vmul.f32 $9.999999770e-03, v7;
	v9 =	vmul.f32 $9.999999770e-03, v6  }
0x18e: {  	vm4 =	vge.f32 v7, $0.0e+00;
	vm5 =	vge.f32 v6, $0.0e+00  }
0x18f: {  	v7 =	vsel vm4, v7, v8;
	v6 =	vsel vm5, v6, v9  }
0x190: {  	v7 =	vmul.f32 v7, v2;
	v6 =	vmul.f32 v6, v3;
	_ =	sdelay $0x1  }
0x191: {  	v6 =	vadd.f32 v6, v7;
	_ =	sdelay $0x1  }
0x192: {  	[tilespmem:$0xB340] =	vst v6  }
0x193: {  	v43 =	vld [tilespmem:s10+$0x1E0]  }
0x194: {  	v44 =	vld [tilespmem:s10+$0x29E0]  }
0x195: {  	v45 =	vld [tilespmem:s10+$0x29F0]  }
0x196: {  	v10 =	vld [tilespmem:s10+$0x1F0];
	_ =	sdelay $0x4  }
0x197: {  	v7 =	vadd.f32 v44, v43;
	v46 =	vadd.f32 v45, v10;
	_ =	sdelay $0x1  }
0x198: {  	v47 =	vmul.f32 $9.999999770e-03, v7;
	v10 =	vmul.f32 $9.999999770e-03, v46  }
0x199: {  	vm4 =	vge.f32 v7, $0.0e+00;
	vm5 =	vge.f32 v46, $0.0e+00  }
0x19a: {  	v7 =	vsel vm4, v7, v47;
	v8 =	vsel vm5, v46, v10  }
0x19b: {  	v7 =	vmul.f32 v7, v2;
	v8 =	vmul.f32 v8, v3;
	_ =	sdelay $0x1  }
0x19c: {  	v48 =	vld [tilespmem:$0xB308];
	v7 =	vadd.f32 v8, v7  }
0x19d: {  	v49 =	vld [tilespmem:$0xB328]  }
0x19e: {  	v50 =	vld [tilespmem:$0xB348];
	[tilespmem:$0xB360] =	vst v7  }
0x19f: {  	v11 =	vld [tilespmem:$0xB368];
	_ =	sdelay $0x1  }
0x1a0: {  	v4 =	vadd.f32 v48, v4  }
0x1a1: {  	v5 =	vadd.f32 v49, v5  }
0x1a2: {  	[tilespmem:$0xB300] =	vst v4;
	v6 =	vadd.f32 v50, v6  }
0x1a3: {  	[tilespmem:$0xB320] =	vst v5;
	v51 =	vld [tilespmem:$0xB304];
	v7 =	vadd.f32 v11, v7  }
0x1a4: {  	v52 =	vld [tilespmem:$0xB324];
	[tilespmem:$0xB340] =	vst v6  }
0x1a5: {  	v53 =	vld [tilespmem:$0xB344];
	[tilespmem:$0xB360] =	vst v7  }
0x1a6: {  	v54 =	vld [tilespmem:$0xB364];
	_ =	sdelay $0x1  }
0x1a7: {  	v4 =	vadd.f32 v51, v4  }
0x1a8: {  	v5 =	vadd.f32 v52, v5  }
0x1a9: {  	[tilespmem:$0xB300] =	vst v4;
	v6 =	vadd.f32 v53, v6  }
0x1aa: {  	[tilespmem:$0xB320] =	vst v5;
	v55 =	vld [tilespmem:$0xB302];
	v7 =	vadd.f32 v54, v7  }
0x1ab: {  	v56 =	vld [tilespmem:$0xB322];
	[tilespmem:$0xB340] =	vst v6  }
0x1ac: {  	v57 =	vld [tilespmem:$0xB342];
	[tilespmem:$0xB360] =	vst v7  }
0x1ad: {  	v58 =	vld [tilespmem:$0xB362];
	_ =	sdelay $0x1  }
0x1ae: {  	v4 =	vadd.f32 v55, v4  }
0x1af: {  	v5 =	vadd.f32 v56, v5  }
0x1b0: {  	[tilespmem:$0xB300] =	vst v4;
	v6 =	vadd.f32 v57, v6  }
0x1b1: {  	[tilespmem:$0xB320] =	vst v5;
	v59 =	vld [tilespmem:$0xB301];
	v7 =	vadd.f32 v58, v7  }
0x1b2: {  	v60 =	vld [tilespmem:$0xB321];
	[tilespmem:$0xB340] =	vst v6;
	(v2sf) =	vpush v6, $0x0  }
0x1b3: {  	v61 =	vld [tilespmem:$0xB341];
	(v2sf) =	vpush v5, $0x0;
	[tilespmem:$0xB360] =	vst v7  }
0x1b4: {  	(v2sf) =	vpush v7, $0x0;
	v5 =	vld [tilespmem:$0xB361]  }
0x1b5: {  	(v2sf) =	vpush v4, $0x0  }
0x1b6: {  	(v2sf) =	vpush v59, $0x0  }
0x1b7: {  	(v2sf) =	vpush v60, $0x0  }
0x1b8: {  	(v2sf) =	vpush v61, $0x0  }
0x1b9: {  	(v2sf) =	vpush v5, $0x0;
	_ =	sdelay $0x7  }
0x1ba: {  	s0 =	spop (v2sf)  }
0x1bb: {  	s1 =	spop (v2sf)  }
0x1bc: {  	s2 =	spop (v2sf)  }
0x1bd: {  	s8 =	spop (v2sf)  }
0x1be: {  	s12 =	spop (v2sf)  }
0x1bf: {  	s8 =	sadd.f32 s12, s8;
	s24 =	spop (v2sf)  }
0x1c0: {  	s1 =	sadd.f32 s24, s1;
	s28 =	spop (v2sf)  }
0x1c1: {  	v4 =	vmov s8;
	s0 =	sadd.f32 s28, s0;
	s24 =	spop (v2sf)  }
0x1c2: {  	v4 =	vmul.f32 $1.442695020e+00, v4;
	v5 =	vmov s1;
	s28 =	sadd.f32 s24, s2  }
0x1c3: {  	v5 =	vmul.f32 $1.442695020e+00, v5;
	v62 =	vmov s0  }
0x1c4: {  	v4 =	vbroadcast v4, $0x0;
	v6 =	vmul.f32 $1.442695020e+00, v62;
	v63 =	vmov s28  }
0x1c5: {  	v5 =	vbroadcast v5, $0x0;
	v7 =	vmul.f32 $1.442695020e+00, v63  }
0x1c6: {  	v6 =	vbroadcast v6, $0x0;
	(erf) = vpow2.f32 v4  }
0x1c7: {  	(erf) = vpow2.f32 v5;
	v4 =	vbroadcast v7, $0x0  }
0x1c8: {  	(erf) = vpow2.f32 v6  }
0x1c9: {  	(erf) = vpow2.f32 v4;
	_ =	sdelay $0x5  }
0x1ca: {  	v4 =	vpop (erf)  }
0x1cb: {  	v4 =	vnsel vm0, $0x0, v4;
	v5 =	vpop (erf)  }
0x1cc: {  	v4 =	vsel vm1, v4, v5;
	v5 =	vpop (erf)  }
0x1cd: {  	v4 =	vsel vm2, v4, v5;
	v5 =	vpop (erf)  }
0x1ce: {  	s31 =	sadd.s32 s11, s31;
	v4 =	vsel vm3, v4, v5  }
0x1cf: {  	s0 =	sshll.u32 s31, $0x4;
	[tilespmem:s10+$0x5180] =	vst v4  }
0x1d0: {  	s0 =	sadd.s32 s9, s0;
	[tilespmem:s10+$0x7980] =	vst v4  }
0x1d1: {  	[hbm4b:s0+s6] =	stream.linear.scatter [tilespmem:s22], [sflag:$0x3], $0x2800, $0x38;
	[tilespmem:$0x1F380] =	vst v63  }
0x1d2: {  	s30 =	sadd.s32 $0x1, s30;
	_ =	swait.ge [sflag:s13], $0x2800  }
0x1d3: {  	p0 =	sne.s32 s30, $0x7D;
	[sflag:s13] =	ssyncset.done $0x0  }
.Ltmp3:
0x1d4: {  	[sflag:s13] =	ssyncadd.s32 $0xFFFFD800;
	(pc) =	sbr.rel @p0 .LBB2_6-.Ltmp3, $4  }
0x1d5: {  	[spmem:s4] =	stream.indirect.scatter.add.f32 [tilespmem:s25], [sflag:$0x3], $0x80, s15, s16, $0xb8;
	[tilespmem:$0x1F380] =	vst v63  }
0x1d6: {  	_ =	swait.ge [sflag:s13], $0x2800  }
0x1d7: {  	[sflag:s13] =	ssyncset.done $0x0  }
0x1d8: {  	[sflag:s13] =	ssyncadd.s32 $0xFFFFD800  }
0x1d9: {  	[bflag:$0x0] =	sbarrier.arrive $0xFFFF  }
0x1da: {  	s8 =	rddreg [dreg:$0x13]  }
0x1db: {  	[tilespmem:s14], [sflag:$0x3] =	stream.linear.gather [spmem:s8], $0x1000, $0x38;
	[tilespmem:$0x1F380] =	vst v63  }
0x1dc: {  	_ =	swait.ge [sflag:s13], $0x1000  }
0x1dd: {  	[sflag:s13] =	ssyncset.done $0x0  }
0x1de: {  	[sflag:s13] =	ssyncadd.s32 $0xFFFFF000  }
0x1df: {  	v2 =	vld [tilespmem:$0xA180]  }
0x1e0: {  	v3 =	vld [tilespmem:$0xA200]  }
0x1e1: {  	v4 =	vld [tilespmem:$0xA280]  }
0x1e2: {  	v5 =	vld [tilespmem:$0xA300]  }
0x1e3: {  	v6 =	vld [tilespmem:$0xA380]  }
0x1e4: {  	[tilespmem:$0xB180] =	vst v2;
	v2 =	vld [tilespmem:$0xA400]  }
0x1e5: {  	[tilespmem:$0xB184] =	vst v3;
	v3 =	vld [tilespmem:$0xA480]  }
0x1e6: {  	v49 =	vld [tilespmem:$0xA500];
	[tilespmem:$0xB188] =	vst v4  }
0x1e7: {  	v50 =	vld [tilespmem:$0xA580];
	[tilespmem:$0xB18C] =	vst v5  }
0x1e8: {  	v51 =	vld [tilespmem:$0xA600];
	[tilespmem:$0xB190] =	vst v6  }
0x1e9: {  	[tilespmem:$0xB194] =	vst v2;
	v2 =	vld [tilespmem:$0xA680]  }
0x1ea: {  	[tilespmem:$0xB198] =	vst v3;
	v3 =	vld [tilespmem:$0xA700]  }
0x1eb: {  	v52 =	vld [tilespmem:$0xA780];
	[tilespmem:$0xB19C] =	vst v49  }
0x1ec: {  	v53 =	vld [tilespmem:$0xA800];
	[tilespmem:$0xB1A0] =	vst v50  }
0x1ed: {  	v54 =	vld [tilespmem:$0xA880];
	[tilespmem:$0xB1A4] =	vst v51  }
0x1ee: {  	[tilespmem:$0xB1A8] =	vst v2;
	v2 =	vld [tilespmem:$0xA900]  }
0x1ef: {  	[tilespmem:$0xB1AC] =	vst v3;
	v3 =	vld [tilespmem:$0xA980]  }
0x1f0: {  	v55 =	vld [tilespmem:$0xAA00];
	[tilespmem:$0xB1B0] =	vst v52  }
0x1f1: {  	v56 =	vld [tilespmem:$0xAA80];
	[tilespmem:$0xB1B4] =	vst v53  }
0x1f2: {  	v57 =	vld [tilespmem:$0xAB00];
	[tilespmem:$0xB1B8] =	vst v54  }
0x1f3: {  	[tilespmem:$0xB1BC] =	vst v2;
	v2 =	vld [tilespmem:$0xAB80]  }
0x1f4: {  	[tilespmem:$0xB1C0] =	vst v3;
	v3 =	vld [tilespmem:$0xAC00]  }
0x1f5: {  	v58 =	vld [tilespmem:$0xAC80];
	[tilespmem:$0xB1C4] =	vst v55  }
0x1f6: {  	v59 =	vld [tilespmem:$0xAD00];
	[tilespmem:$0xB1C8] =	vst v56  }
0x1f7: {  	v60 =	vld [tilespmem:$0xAD80];
	[tilespmem:$0xB1CC] =	vst v57  }
0x1f8: {  	[tilespmem:$0xB1D0] =	vst v2;
	v2 =	vld [tilespmem:$0xAE00]  }
0x1f9: {  	[tilespmem:$0xB1D4] =	vst v3;
	v3 =	vld [tilespmem:$0xAE80]  }
0x1fa: {  	v61 =	vld [tilespmem:$0xAF00];
	[tilespmem:$0xB1D8] =	vst v58  }
0x1fb: {  	v62 =	vld [tilespmem:$0xAF80];
	[tilespmem:$0xB1DC] =	vst v59  }
0x1fc: {  	v63 =	vld [tilespmem:$0xB000];
	[tilespmem:$0xB1E0] =	vst v60  }
0x1fd: {  	[tilespmem:$0xB1E4] =	vst v2;
	v2 =	vld [tilespmem:$0xB080]  }
0x1fe: {  	[tilespmem:$0xB1E8] =	vst v3;
	v3 =	vld [tilespmem:$0xB100]  }
0x1ff: {  	[tilespmem:$0xB1EC] =	vst v61  }
0x200: {  	[tilespmem:$0xB1F0] =	vst v62  }
0x201: {  	[tilespmem:$0xB1F4] =	vst v63  }
0x202: {  	[tilespmem:$0xB1F8] =	vst v2  }
0x203: {  	s0 =	sadd.s32 $0x0, s23;
	[tilespmem:$0xB1FC] =	vst v3  }
0x204: {  	[hbm4b:s0+s6] =	stream.linear.scatter [tilespmem:s26], [sflag:$0x3], $0x80, $0x38;
	[tilespmem:$0x1F380] =	vst v63  }
0x205: {  	_ =	swait.ge [sflag:s13], $0x80  }
0x206: {  	s0 =	simm.s32 $0x10;
	[sflag:s13] =	ssyncset.done $0x0  }
.LBB2_10:
0x207: {  	p0 =	sne.s32 s0, $0x130;
	[sflag:s13] =	ssyncadd.s32 $0xFFFFFF80;
	s8 =	sadd.s32 $0x1000, s8  }
0x208: {  	[tilespmem:s14], [sflag:$0x3] =	stream.linear.gather [spmem:s8], $0x1000, $0x38;
	[tilespmem:$0x1F380] =	vst v63  }
0x209: {  	s10 =	smov.u32 s0;
	s0 =	sadd.s32 $0x10, s0;
	_ =	swait.ge [sflag:s13], $0x1000  }
0x20a: {  	[sflag:s13] =	ssyncset.done $0x0  }
0x20b: {  	[sflag:s13] =	ssyncadd.s32 $0xFFFFF000  }
0x20c: {  	v2 =	vld [tilespmem:$0xA180]  }
0x20d: {  	v3 =	vld [tilespmem:$0xA200]  }
0x20e: {  	v4 =	vld [tilespmem:$0xA280]  }
0x20f: {  	v5 =	vld [tilespmem:$0xA300]  }
0x210: {  	v6 =	vld [tilespmem:$0xA380]  }
0x211: {  	[tilespmem:$0xB180] =	vst v2;
	v2 =	vld [tilespmem:$0xA400]  }
0x212: {  	[tilespmem:$0xB184] =	vst v3;
	v3 =	vld [tilespmem:$0xA480]  }
0x213: {  	[tilespmem:$0xB188] =	vst v4;
	v4 =	vld [tilespmem:$0xA500]  }
0x214: {  	[tilespmem:$0xB18C] =	vst v5;
	v5 =	vld [tilespmem:$0xA580]  }
0x215: {  	[tilespmem:$0xB190] =	vst v6;
	v6 =	vld [tilespmem:$0xA600]  }
0x216: {  	[tilespmem:$0xB194] =	vst v2;
	v2 =	vld [tilespmem:$0xA680]  }
0x217: {  	[tilespmem:$0xB198] =	vst v3;
	v3 =	vld [tilespmem:$0xA700]  }
0x218: {  	[tilespmem:$0xB19C] =	vst v4;
	v4 =	vld [tilespmem:$0xA780]  }
0x219: {  	[tilespmem:$0xB1A0] =	vst v5;
	v5 =	vld [tilespmem:$0xA800]  }
0x21a: {  	[tilespmem:$0xB1A4] =	vst v6;
	v6 =	vld [tilespmem:$0xA880]  }
0x21b: {  	[tilespmem:$0xB1A8] =	vst v2;
	v2 =	vld [tilespmem:$0xA900]  }
0x21c: {  	[tilespmem:$0xB1AC] =	vst v3;
	v3 =	vld [tilespmem:$0xA980]  }
0x21d: {  	[tilespmem:$0xB1B0] =	vst v4;
	v4 =	vld [tilespmem:$0xAA00]  }
0x21e: {  	[tilespmem:$0xB1B4] =	vst v5;
	v5 =	vld [tilespmem:$0xAA80]  }
0x21f: {  	[tilespmem:$0xB1B8] =	vst v6;
	v6 =	vld [tilespmem:$0xAB00]  }
0x220: {  	[tilespmem:$0xB1BC] =	vst v2;
	v2 =	vld [tilespmem:$0xAB80]  }
0x221: {  	[tilespmem:$0xB1C0] =	vst v3;
	v3 =	vld [tilespmem:$0xAC00]  }
0x222: {  	[tilespmem:$0xB1C4] =	vst v4;
	v4 =	vld [tilespmem:$0xAC80]  }
0x223: {  	[tilespmem:$0xB1C8] =	vst v5;
	v5 =	vld [tilespmem:$0xAD00]  }
0x224: {  	[tilespmem:$0xB1CC] =	vst v6;
	v6 =	vld [tilespmem:$0xAD80]  }
0x225: {  	[tilespmem:$0xB1D0] =	vst v2;
	v2 =	vld [tilespmem:$0xAE00]  }
0x226: {  	[tilespmem:$0xB1D4] =	vst v3;
	v3 =	vld [tilespmem:$0xAE80]  }
0x227: {  	[tilespmem:$0xB1D8] =	vst v4;
	v4 =	vld [tilespmem:$0xAF00]  }
0x228: {  	[tilespmem:$0xB1DC] =	vst v5;
	v5 =	vld [tilespmem:$0xAF80]  }
0x229: {  	[tilespmem:$0xB1E0] =	vst v6;
	v6 =	vld [tilespmem:$0xB000]  }
0x22a: {  	[tilespmem:$0xB1E4] =	vst v2;
	v2 =	vld [tilespmem:$0xB080]  }
0x22b: {  	[tilespmem:$0xB1E8] =	vst v3;
	v3 =	vld [tilespmem:$0xB100]  }
0x22c: {  	[tilespmem:$0xB1EC] =	vst v4  }
0x22d: {  	[tilespmem:$0xB1F0] =	vst v5  }
0x22e: {  	[tilespmem:$0xB1F4] =	vst v6  }
.Ltmp4:
0x22f: {  	[tilespmem:$0xB1F8] =	vst v2;
	(pc) =	sbr.rel @p0 .LBB2_10-.Ltmp4, $4  }
0x230: {  	s1 =	sadd.s32 s10, s23;
	[tilespmem:$0xB1FC] =	vst v3  }
0x231: {  	[hbm4b:s1+s6] =	stream.linear.scatter [tilespmem:s26], [sflag:$0x3], $0x80, $0x38;
	[tilespmem:$0x1F380] =	vst v63  }
0x232: {  	_ =	swait.ge [sflag:s13], $0x80  }
0x233: {  	[sflag:s13] =	ssyncset.done $0x0  }
0x234: {  	s1 =	rddreg [dreg:$0x1d]  }
0x235: {  	s0 =	rddreg [dreg:$0x8];
	s1 =	sadd.s32 $0x1, s1  }
0x236: {  	p0 =	sne.s32 s1, s0  }
.Ltmp5:
0x237: {  	_ = 	snop;
	(pc) =	sbr.rel @p0 .LBB2_1-.Ltmp5, $2  }
0x238: {  	_ =	sdelay $0x2  }
0x239: {  	[sflag:s13] =	ssyncadd.s32 $0xFFFFFF80  }
0x23a: {  	_ =	sfence.sel $0x180000  }
0x23b: {  	[bflag:$0x0] =	sbarrier.arrive $0xFFFF  }
0x23c: {  	_ =	strace $0x90000047  }
0x23d: {  	[bflag:$0x2] =	sbarrier.arrive $0xFFFF  }
0x23e: {  	p0 =	sne.s32 s5, $0x0;
	s0 =	rddreg [dreg:$0x5]  }
0x23f: {  	s0 =	sadd.s32 @!p0 $0x100000, s0  }
0x240: {  	[sflag:s0] =	ssyncadd.tile.s32 @!p0 $0x1;
	_ =	shalt  }
.Lfunc_end2:
_tile_overlayer_lowered:
.L_overlay_start_2:
0x241: {  	(tag) =	ssettag $0x2  }
0x242: {  	s0 =	rddreg [dreg:$0x0];
	s2 =	stileid.u32  }
0x243: {  	s1 =	rddreg [dreg:$0x1];
	p0 =	sne.s32 s2, $0x0  }
0x244: {  	s3 =	rddreg [dreg:$0x2];
	[bflag:$0x3] =	sbarrier.arrive $0xFFFF;
	s2 =	simm.s32 @!p0 $0x1C03  }
0x245: {  	[timem:s3], [sflag:s2] =	dma.local @!p0 [hbm:s0], s1  }
0x246: {  	s0 =	simm.s32 @!p0 $0x3  }
0x247: {  	_ =	swait.ge @!p0 [sflag:s0], s1  }
0x248: {  	s1 =	ssub.s32 @!p0 $0x0, s1;
	[sflag:s0] =	ssyncset.done @!p0 $0x0  }
0x249: {  	[sflag:s0] =	ssyncadd.s32 @!p0 s1  }
0x24a: {  	[bflag:$0x3] =	sbarrier.arrive $0xFFFF  }
0x24b: {  	_ =	shalt  }

// kernel: kernel.8.cloned.1.call-start
scs
__scs_entry_jumppad:
0x0: {  	(pc) =	sbr.rel $0x88, $3  }
0x1: {  	(tag) =	ssettag $0x0;
	lr =	simm.s32 $0x1  }
0x2: {  	[smem:$0x3F99] =	sst lr;
	_ =	strace $0xD0000000  }
0x3: {  	_ = 	snop  }
0x4: {  	_ = 	snop  }
0x5: {  	_ = 	snop  }
0x6: {  	_ = 	snop  }
0x7: {  	_ = 	snop  }
__scs_overlays_trampoline_lowered:
0x8: {  	[smem:$0x3FA8] =	sst s0  }
0x9: {  	[smem:$0x3FA9] =	sst s1  }
0xa: {  	[smem:$0x3FAA] =	sst s2  }
0xb: {  	[smem:$0x3FAB] =	sst s3  }
0xc: {  	[smem:$0x3FAC] =	sst s4  }
0xd: {  	[smem:$0x3FAD] =	sst s5  }
0xe: {  	[smem:$0x3FAE] =	sst s6  }
0xf: {  	[smem:$0x3FAF] =	sst s7  }
0x10: {  	[smem:$0x3FB0] =	sst s8  }
0x11: {  	[smem:$0x3FB1] =	sst s9;
	s0 =	simm.s32 @!p0 $0x0  }
0x12: {  	s1 =	sld [smem:$0x3F97];
	s0 =	simm.s32 @p0 $0x1  }
0x13: {  	[smem:$0x3FB2] =	sst s0;
	s0 =	simm.s32 @!p1 $0x0  }
0x14: {  	s2 =	sld [smem:$0x3F96];
	s0 =	simm.s32 @p1 $0x1  }
0x15: {  	[smem:$0x3FB3] =	sst s0;
	s0 =	simm.s32 @!p2 $0x0  }
0x16: {  	s3 =	sld [smem:$0x3FDB];
	s0 =	simm.s32 @p2 $0x1  }
0x17: {  	s4 =	simm.s32 $0x1BF5;
	[smem:$0x3FB5] =	sst s0  }
0x18: {  	s0 =	sld [smem:$0x3F98];
	_ =	swait.ge [sflag:s4], $0x0  }
0x19: {  	s7 =	sld [smem:$0x3F99]  }
0x1a: {  	s8 =	sadd.s32 $0xFFFFE003, lr  }
0x1b: {  	s9 =	sadd.s32 $0xFFFFFEF7, lr;
	s5 =	simm.s32 $0xFFFFFFFF;
	p2 =	slt.u32 s8, $0xFFFFF086  }
0x1c: {  	p1 =	slt.u32 s9, $0xF7A;
	s5 =	simm.s32 @!p2 $0x0  }
0x1d: {  	s5 =	simm.s32 @p1 $0x1;
	p0 =	seq.s32 s7, s2  }
0x1e: {  	s7 =	smul.u32 @!p0 $0xF7A, s2;
	p2 =	seq.s32 @!p0 s5, $0x0  }
0x1f: {  	s9 =	smul.u32 $0xF7A, s1;
	s8 =	simm.s32 @!p0 $0x1BF5;
	p2 =	por !p2, p0  }
0x20: {  	[sflag:s8] =	ssyncset.s32 @!p0 $0xFFFFF086;
	s6 =	sadd.s32 @!p0 s3, s7;
	s7 =	simm.s32 @!p0 $0x108  }
0x21: {  	s3 =	sadd.s32 s3, s9;
	s6 =	sadd.s32 @!p0 $0x88, s6;
	s7 =	simm.s32 @p2 $0x1082  }
0x22: {  	[simem:s7], [sflag:s8] =	dma.local @!p0 [hbm:s6], $0xF7A  }
0x23: {  	s9 =	sor.u32 $0xD0000000, s2;
	s6 =	simm.s32 $0x108;
	_ =	swait.ge @!p0 [sflag:s8], $0x0  }
0x24: {  	s3 =	sadd.s32 $0x88, s3;
	s6 =	simm.s32 @!p1 $0x1082;
	[sflag:s4] =	ssyncset.s32 $0xFFFFF086  }
0x25: {  	[simem:s6], [sflag:s4] =	dma.local [hbm:s3], $0xF7A  }
0x26: {  	[smem:$0x3F99] =	sst s1;
	(tag) =	ssettag s2;
	_ =	strace s9  }
0x27: {  	s1 =	sld [smem:$0x3FA9]  }
0x28: {  	s2 =	sld [smem:$0x3FAA]  }
0x29: {  	s4 =	sld [smem:$0x3FAC]  }
0x2a: {  	p0 =	seq.s32 s5, $0x0;
	s5 =	sld [smem:$0x3FAD]  }
0x2b: {  	s6 =	sld [smem:$0x3FAE]  }
0x2c: {  	s7 =	sld [smem:$0x3FAF]  }
0x2d: {  	s3 =	simm.s32 $0x108;
	s8 =	sld [smem:$0x3FB0]  }
0x2e: {  	s3 =	simm.s32 @!p0 $0x1082;
	s9 =	sld [smem:$0x3FB1]  }
0x2f: {  	lr =	sadd.s32 s0, s3;
	s0 =	sld [smem:$0x3FA8]  }
0x30: {  	s3 =	sld [smem:$0x3FAB]  }
0x31: {  	[smem:$0x3FB4] =	sst s10  }
0x32: {  	s10 =	sld [smem:$0x3FB2];
	_ =	sdelay $0x3  }
0x33: {  	p0 =	seq.s32 s10, $0x1;
	s10 =	sld [smem:$0x3FB4];
	_ =	sdelay $0x3  }
0x34: {  	[smem:$0x3FB4] =	sst s10  }
0x35: {  	s10 =	sld [smem:$0x3FB3];
	_ =	sdelay $0x3  }
0x36: {  	p1 =	seq.s32 s10, $0x1;
	s10 =	sld [smem:$0x3FB4];
	_ =	sdelay $0x3  }
0x37: {  	[smem:$0x3FB4] =	sst s10  }
0x38: {  	s10 =	sld [smem:$0x3FB5]  }
0x39: {  	_ = 	snop;
	(pc) =	sbr.ind lr, $3  }
0x3a: {  	_ = 	snop  }
0x3b: {  	_ = 	snop  }
0x3c: {  	p2 =	seq.s32 s10, $0x1;
	s10 =	sld [smem:$0x3FB4]  }
0x3d: {  	_ =	shalt  }
0x3e: {  	_ =	shalt  }
0x3f: {  	_ =	shalt  }
0x40: {  	_ =	shalt  }
0x41: {  	_ =	shalt  }
0x42: {  	_ =	shalt  }
0x43: {  	_ =	shalt  }
0x44: {  	_ =	shalt  }
0x45: {  	_ =	shalt  }
0x46: {  	_ =	shalt  }
0x47: {  	_ =	shalt  }
0x48: {  	_ =	shalt  }
0x49: {  	_ =	shalt  }
0x4a: {  	_ =	shalt  }
0x4b: {  	_ =	shalt  }
0x4c: {  	_ =	shalt  }
0x4d: {  	_ =	shalt  }
0x4e: {  	_ =	shalt  }
0x4f: {  	_ =	shalt  }
0x50: {  	_ =	shalt  }
0x51: {  	_ =	shalt  }
0x52: {  	_ =	shalt  }
0x53: {  	_ =	shalt  }
0x54: {  	_ =	shalt  }
0x55: {  	_ =	shalt  }
0x56: {  	_ =	shalt  }
0x57: {  	_ =	shalt  }
0x58: {  	_ =	shalt  }
0x59: {  	_ =	shalt  }
0x5a: {  	_ =	shalt  }
0x5b: {  	_ =	shalt  }
0x5c: {  	_ =	shalt  }
0x5d: {  	_ =	shalt  }
0x5e: {  	_ =	shalt  }
0x5f: {  	_ =	shalt  }
0x60: {  	_ =	shalt  }
0x61: {  	_ =	shalt  }
0x62: {  	_ =	shalt  }
0x63: {  	_ =	shalt  }
0x64: {  	_ =	shalt  }
0x65: {  	_ =	shalt  }
0x66: {  	_ =	shalt  }
0x67: {  	_ =	shalt  }
0x68: {  	_ =	shalt  }
0x69: {  	_ =	shalt  }
0x6a: {  	_ =	shalt  }
0x6b: {  	_ =	shalt  }
0x6c: {  	_ =	shalt  }
0x6d: {  	_ =	shalt  }
0x6e: {  	_ =	shalt  }
0x6f: {  	_ =	shalt  }
0x70: {  	_ =	shalt  }
0x71: {  	_ =	shalt  }
0x72: {  	_ =	shalt  }
0x73: {  	_ =	shalt  }
0x74: {  	_ =	shalt  }
0x75: {  	_ =	shalt  }
0x76: {  	_ =	shalt  }
0x77: {  	_ =	shalt  }
0x78: {  	_ =	shalt  }
0x79: {  	_ =	shalt  }
0x7a: {  	_ =	shalt  }
0x7b: {  	_ =	shalt  }
0x7c: {  	_ =	shalt  }
0x7d: {  	_ =	shalt  }
0x7e: {  	_ =	shalt  }
0x7f: {  	_ =	shalt  }
0x80: {  	_ =	shalt  }
0x81: {  	_ =	shalt  }
0x82: {  	_ =	shalt  }
0x83: {  	_ =	shalt  }
0x84: {  	_ =	shalt  }
0x85: {  	_ =	shalt  }
0x86: {  	_ =	shalt  }
0x87: {  	_ =	shalt  }
.Lfunc_end0:
.L_simem_size_0:
called_computation.1_lowered:
.L_overlay_start_0:
0x88: {  	s2 =	sld [smem:$0x3FD9]  }
0x89: {  	s3 =	sld [smem:$0x3FFE];
	_ =	sdelay $0x1  }
0x8a: {  	s1 =	srdreg.scid  }
0x8b: {  	s0 =	sand.u32 $0x1, s1  }
0x8c: {  	s17 =	sshll.u32 s0, $0xA;
	s2 =	sadd.s32 s3, s2  }
0x8d: {  	s2 =	sadd.s32 s2, s17  }
0x8e: {  	[smem:$0x3FC0] =	sst s2  }
0x8f: {  	_ = 	snop  }
0x90: {  	s2 =	sld [smem:$0x3FC8]  }
0x91: {  	s18 =	sld [smem:$0x3FC7]  }
0x92: {  	s4 =	sld [smem:$0x3FD0];
	(tm) =	ssettm $0x1  }
0x93: {  	s5 =	sld [smem:$0x3FFB];
	_ =	sdelay $0x3  }
0x94: {  	_ =	strace s5  }
0x95: {  	s5 =	sld [smem:$0x3FFC];
	_ =	sdelay $0x3  }
0x96: {  	_ =	strace s5  }
0x97: {  	s5 =	sld [smem:$0x3FFD];
	_ =	sdelay $0x3  }
0x98: {  	_ =	strace s5  }
0x99: {  	_ =	strace $0x8FFFFFFF  }
0x9a: {  	s19 =	sld [smem:$0x3FDB];
	_ =	sdelay $0x1  }
0x9b: {  	s6 =	simm.s32 $_scs_section_size  }
0x9c: {  	s7 =	simm.s32 $_size__tile_overlayer_lowered;
	s8 =	simm.s32 $_tile_overlayer_lowered  }
0x9d: {  	s22 =	simm.s32 $0x1BFF;
	s21 =	sshll.u32 s8, $0x1;
	s5 =	sadd.s32 s6, s19  }
0x9e: {  	s9 =	simm.s32 $0x0;
	s20 =	sshll.u32 s7, $0x1;
	s7 =	sadd.s32 s21, s5  }
0x9f: {  	[timem:s9], [sflag:s22] =	dma.local [hbm:s7], s20  }
0xa0: {  	_ =	swait.ge [sflag:s22], s20  }
0xa1: {  	s6 =	ssub.s32 $0x0, s20;
	[sflag:s22] =	ssyncset.done $0x0  }
0xa2: {  	[sflag:s22] =	ssyncadd.s32 s6;
	_ =	sdelay $0x1  }
0xa3: {  	s23 =	simm.s32 $0x1B8B  }
0xa4: {  	_ =	swait.ge [sflag:s23], $0x1  }
0xa5: {  	[sflag:s23] =	ssyncset.done $0x0  }
0xa6: {  	s25 =	simm.s32 $0x1B8E;
	s24 =	sld [smem:$0x3FFE];
	[sflag:s23] =	ssyncadd.s32 $0xFFFFFFFF  }
0xa7: {  	s26 =	simm.s32 $execute0_lowered;
	[smem:$0x3FD2] =	sst s25  }
0xa8: {  	s7 =	sshll.u32 s26, $0x1;
	_ =	strace $0x80000049;
	[dreg:$0x1] =	wrdreg $0xFFFFFFFF  }
0xa9: {  	s28 =	simm.s32 $_size_execute0_lowered;
	s5 =	sadd.s32 s5, s7;
	[dreg:$0x0] =	wrdreg $0x0  }
0xaa: {  	s7 =	sshll.u32 s28, $0x1;
	[dreg:$0x2] =	wrdreg s5  }
0xab: {  	[dreg:$0x3] =	wrdreg s7  }
0xac: {  	[dreg:$0x4] =	wrdreg $0xC0  }
0xad: {  	_ =	task [dreg:s9], $0x5FFFF  }
0xae: {  	[dreg:$0x1] =	wrdreg $0xFFFFFFFF  }
0xaf: {  	[dreg:$0x0] =	wrdreg $0x60  }
0xb0: {  	[dreg:$0x2] =	wrdreg s4  }
0xb1: {  	[dreg:$0x3] =	wrdreg s2  }
0xb2: {  	[dreg:$0x4] =	wrdreg s18  }
0xb3: {  	[dreg:$0x5] =	wrdreg s24  }
0xb4: {  	[dreg:$0x6] =	wrdreg $0x99800  }
0xb5: {  	[dreg:$0x7] =	wrdreg $0x9  }
0xb6: {  	_ =	task.clear_ibuf [dreg:s9], $0x8FFFF;
	_ =	strace $0x90000049  }
0xb7: {  	s29 =	simm.s32 $0x9;
	_ =	strace $0x8000004B  }
0xb8: {  	_ =	swait.ge [sflag:s29], $0x1  }
0xb9: {  	[sflag:s29] =	ssyncadd.s32 $0xFFFFFFFF  }
0xba: {  	_ =	strace $0x9000004B  }
0xbb: {  	_ =	sfence  }
0xbc: {  	s30 =	sld [smem:$0x0];
	_ =	sdelay $0x2  }
0xbd: {  	s31 =	sshll.u32 s1, $0xD;
	s1 =	sshrl.u32 s1, $0x2  }
0xbe: {  	s3 =	sand.u32 $0x4000, s31;
	s1 =	sadd.s32 s1, s30  }
0xbf: {  	s0 =	sor.u32 s3, s0;
	s1 =	sshll.u32 s1, $0x11  }
0xc0: {  	s0 =	sor.u32 s1, s0  }
0xc1: {  	s0 =	sadd.s32 $0x8F2B, s0  }
0xc2: {  	[sflag:s0] =	ssyncadd.remote.s32 $0x1  }
0xc3: {  	_ =	sfence.sel $0xFFFF  }
0xc4: {  	[dreg:$0x0] =	wrdreg $0xFFFFFFFF;
	(pc) =	sbr.abs _section_cstart, $3  }
0xc5: {  	[dreg:$0x1] =	wrdreg $0xFFFFFFFF  }
0xc6: {  	_ =	task.clear_ibuf [dreg:s9], $0x2FFFF;
	_ =	strace $0x9FFFFFFF  }
0xc7: {  	(tm) =	ssettm $0x7FFFFFFF  }
tec
execute0_lowered:
.L_overlay_start_1:
0x0: {  	(tag) =	ssettag $0x1  }
0x1: {  	s1 =	rddreg [dreg:$0x0]  }
0x2: {  	s2 =	rddreg [dreg:$0x1]  }
0x3: {  	s3 =	rddreg [dreg:$0x2]  }
0x4: {  	s0 =	rddreg [dreg:$0x3];
	s7 =	srdreg.scid  }
0x5: {  	s4 =	rddreg [dreg:$0x4];
	s13 =	sand.u32 $0x1, s7  }
0x6: {  	s5 =	simm.s32 $0x0;
	s6 =	sadd.s32 $0x531600, s0;
	s29 =	ssub.s32 $0x2, s13  }
0x7: {  	s8 =	sadd.s32 $0x4F600, s0;
	s7 =	stileid.u32;
	s12 =	sshrl.u32 s29, $0x1  }
0x8: {  	s9 =	sadd.s32 $0x533E00, s0;
	s15 =	sshll.u32 s7, $0xC;
	s0 =	ssub.s32 s29, s12  }
0x9: {  	[smem:$0x7FF] =	sst s5;
	s12 =	sadd.s32 s15, s4;
	s0 =	smax.u32 s0, $0x1  }
0xa: {  	_ =	strace $0x8000004A;
	s30 =	sadd.s32 $0x10000, s12;
	[dreg:$0x6] =	wrdreg s0  }
0xb: {  	s31 =	sadd.s32 $0x20000, s12;
	[dreg:$0x7] =	wrdreg s30  }
0xc: {  	s15 =	sadd.s32 $0x30000, s12;
	[dreg:$0x8] =	wrdreg s31  }
0xd: {  	s16 =	sadd.s32 $0x40000, s12;
	[dreg:$0x9] =	wrdreg s15  }
0xe: {  	s17 =	sadd.s32 $0x50000, s12;
	[dreg:$0xa] =	wrdreg s16  }
0xf: {  	s18 =	sadd.s32 $0x60000, s12;
	[dreg:$0xb] =	wrdreg s17  }
0x10: {  	s19 =	sadd.s32 $0x70000, s12;
	[dreg:$0xc] =	wrdreg s18  }
0x11: {  	s20 =	sadd.s32 $0x80000, s12;
	[dreg:$0xd] =	wrdreg s19  }
0x12: {  	s21 =	sadd.s32 $0x90000, s12;
	[dreg:$0xe] =	wrdreg s20  }
0x13: {  	s22 =	sadd.s32 $0xA0000, s12;
	[dreg:$0xf] =	wrdreg s21  }
0x14: {  	s23 =	sadd.s32 $0xB0000, s12;
	[dreg:$0x10] =	wrdreg s22  }
0x15: {  	s24 =	sadd.s32 $0xC0000, s12;
	[dreg:$0x11] =	wrdreg s23  }
0x16: {  	s25 =	sadd.s32 $0xD0000, s12;
	[dreg:$0x12] =	wrdreg s24  }
0x17: {  	s10 =	smul.u32 $0x27100, s13;
	s26 =	sadd.s32 $0xE0000, s12;
	[dreg:$0x13] =	wrdreg s25  }
0x18: {  	s14 =	smul.u32 $0x2710, s13;
	s28 =	sadd.s32 $0xF0000, s12;
	[dreg:$0x14] =	wrdreg s26  }
0x19: {  	s11 =	smul.u32 $0x140, s13;
	s29 =	sadd.s32 $0x100000, s12;
	[dreg:$0x15] =	wrdreg s28  }
0x1a: {  	s13 =	smul.u32 $0x140000, s13;
	[dreg:$0x16] =	wrdreg s29  }
0x1b: {  	s30 =	sadd.s32 $0x110000, s12;
	s31 =	sadd.s32 $0x120000, s12;
	s15 =	sadd.s32 $0x130000, s12  }
0x1c: {  	s16 =	simm.s32 $0x7900;
	s17 =	simm.s32 $0x2;
	s18 =	simm.s32 $0x80  }
0x1d: {  	s19 =	simm.s32 $0x5100;
	s20 =	simm.s32 $0x50;
	s21 =	simm.s32 $0x100  }
0x1e: {  	s22 =	simm.s32 $0x1;
	s23 =	simm.s32 $0x2900;
	[dreg:$0x17] =	wrdreg s30  }
0x1f: {  	v1 =	vimm.f32 $0.0e+00;
	v0 =	vmov s14;
	s24 =	simm.s32 $0x8900;
	s25 =	simm.s32 $0x0;
	[dreg:$0x18] =	wrdreg s31  }
.LBB2_1:
0x20: {  	s0 =	simm.s32 $0x0;
	s14 =	simm.s32 $0x200  }
.LBB2_2:
0x21: {  	p0 =	sne.s32 s14, $0x3E00;
	[tilespmem:s0+$0x7970] =	vst v1  }
0x22: {  	[tilespmem:s0+$0x7900] =	vst v1  }
0x23: {  	[tilespmem:s0+$0x7910] =	vst v1  }
.Ltmp0:
0x24: {  	[tilespmem:s0+$0x7920] =	vst v1;
	(pc) =	sbr.rel @p0 .LBB2_2-.Ltmp0, $4  }
0x25: {  	[tilespmem:s0+$0x7930] =	vst v1  }
0x26: {  	[tilespmem:s0+$0x7940] =	vst v1  }
0x27: {  	[tilespmem:s0+$0x7950] =	vst v1  }
0x28: {  	[tilespmem:s0+$0x7960] =	vst v1;
	s0 =	sshra.s32 s14, $0x2;
	s14 =	sadd.s32 $0x200, s14  }
0x29: {  	[tilespmem:s0+$0x7970] =	vst v1  }
0x2a: {  	[tilespmem:s0+$0x7900] =	vst v1  }
0x2b: {  	[tilespmem:s0+$0x7910] =	vst v1  }
0x2c: {  	[tilespmem:s0+$0x7920] =	vst v1  }
0x2d: {  	[tilespmem:s0+$0x7930] =	vst v1  }
0x2e: {  	[tilespmem:s0+$0x7940] =	vst v1  }
0x2f: {  	[tilespmem:s0+$0x7950] =	vst v1  }
0x30: {  	[tilespmem:s0+$0x7960] =	vst v1  }
0x31: {  	[spmem:s12] =	stream.linear.scatter [tilespmem:s16], [sflag:$0x2], $0x1000, $0x38;
	[tilespmem:$0x1D980] =	vst v63  }
0x32: {  	_ =	swait.ge [sflag:s17], $0x1000  }
0x33: {  	[sflag:s17] =	ssyncset.done $0x0  }
0x34: {  	s14 =	rddreg [dreg:$0x7];
	[sflag:s17] =	ssyncadd.s32 $0xFFFFF000  }
0x35: {  	[spmem:s14] =	stream.linear.scatter [tilespmem:s16], [sflag:$0x2], $0x1000, $0x38;
	[tilespmem:$0x1D980] =	vst v63  }
0x36: {  	_ =	swait.ge [sflag:s17], $0x1000  }
0x37: {  	[sflag:s17] =	ssyncset.done $0x0  }
0x38: {  	s26 =	rddreg [dreg:$0x8];
	[sflag:s17] =	ssyncadd.s32 $0xFFFFF000  }
0x39: {  	[spmem:s26] =	stream.linear.scatter [tilespmem:s16], [sflag:$0x2], $0x1000, $0x38;
	[tilespmem:$0x1D980] =	vst v63  }
0x3a: {  	_ =	swait.ge [sflag:s17], $0x1000  }
0x3b: {  	[sflag:s17] =	ssyncset.done $0x0  }
0x3c: {  	s28 =	rddreg [dreg:$0x9];
	[sflag:s17] =	ssyncadd.s32 $0xFFFFF000  }
0x3d: {  	[spmem:s28] =	stream.linear.scatter [tilespmem:s16], [sflag:$0x2], $0x1000, $0x38;
	[tilespmem:$0x1D980] =	vst v63  }
0x3e: {  	_ =	swait.ge [sflag:s17], $0x1000  }
0x3f: {  	[sflag:s17] =	ssyncset.done $0x0  }
0x40: {  	s29 =	rddreg [dreg:$0xa];
	[sflag:s17] =	ssyncadd.s32 $0xFFFFF000  }
0x41: {  	[spmem:s29] =	stream.linear.scatter [tilespmem:s16], [sflag:$0x2], $0x1000, $0x38;
	[tilespmem:$0x1D980] =	vst v63  }
0x42: {  	_ =	swait.ge [sflag:s17], $0x1000  }
0x43: {  	[sflag:s17] =	ssyncset.done $0x0  }
0x44: {  	s30 =	rddreg [dreg:$0xb];
	[sflag:s17] =	ssyncadd.s32 $0xFFFFF000  }
0x45: {  	[spmem:s30] =	stream.linear.scatter [tilespmem:s16], [sflag:$0x2], $0x1000, $0x38;
	[tilespmem:$0x1D980] =	vst v63  }
0x46: {  	_ =	swait.ge [sflag:s17], $0x1000  }
0x47: {  	[sflag:s17] =	ssyncset.done $0x0  }
0x48: {  	s31 =	rddreg [dreg:$0xc];
	[sflag:s17] =	ssyncadd.s32 $0xFFFFF000  }
0x49: {  	[spmem:s31] =	stream.linear.scatter [tilespmem:s16], [sflag:$0x2], $0x1000, $0x38;
	[tilespmem:$0x1D980] =	vst v63  }
0x4a: {  	_ =	swait.ge [sflag:s17], $0x1000  }
0x4b: {  	[sflag:s17] =	ssyncset.done $0x0  }
0x4c: {  	s14 =	rddreg [dreg:$0xd];
	[sflag:s17] =	ssyncadd.s32 $0xFFFFF000  }
0x4d: {  	[spmem:s14] =	stream.linear.scatter [tilespmem:s16], [sflag:$0x2], $0x1000, $0x38;
	[tilespmem:$0x1D980] =	vst v63  }
0x4e: {  	_ =	swait.ge [sflag:s17], $0x1000  }
0x4f: {  	[sflag:s17] =	ssyncset.done $0x0  }
0x50: {  	s26 =	rddreg [dreg:$0xe];
	[sflag:s17] =	ssyncadd.s32 $0xFFFFF000  }
0x51: {  	[spmem:s26] =	stream.linear.scatter [tilespmem:s16], [sflag:$0x2], $0x1000, $0x38;
	[tilespmem:$0x1D980] =	vst v63  }
0x52: {  	_ =	swait.ge [sflag:s17], $0x1000  }
0x53: {  	[sflag:s17] =	ssyncset.done $0x0  }
0x54: {  	s28 =	rddreg [dreg:$0xf];
	[sflag:s17] =	ssyncadd.s32 $0xFFFFF000  }
0x55: {  	[spmem:s28] =	stream.linear.scatter [tilespmem:s16], [sflag:$0x2], $0x1000, $0x38;
	[tilespmem:$0x1D980] =	vst v63  }
0x56: {  	_ =	swait.ge [sflag:s17], $0x1000  }
0x57: {  	[sflag:s17] =	ssyncset.done $0x0  }
0x58: {  	s29 =	rddreg [dreg:$0x10];
	[sflag:s17] =	ssyncadd.s32 $0xFFFFF000  }
0x59: {  	[spmem:s29] =	stream.linear.scatter [tilespmem:s16], [sflag:$0x2], $0x1000, $0x38;
	[tilespmem:$0x1D980] =	vst v63  }
0x5a: {  	_ =	swait.ge [sflag:s17], $0x1000  }
0x5b: {  	[sflag:s17] =	ssyncset.done $0x0  }
0x5c: {  	s30 =	rddreg [dreg:$0x11];
	[sflag:s17] =	ssyncadd.s32 $0xFFFFF000  }
0x5d: {  	[spmem:s30] =	stream.linear.scatter [tilespmem:s16], [sflag:$0x2], $0x1000, $0x38;
	[tilespmem:$0x1D980] =	vst v63  }
0x5e: {  	_ =	swait.ge [sflag:s17], $0x1000  }
0x5f: {  	[sflag:s17] =	ssyncset.done $0x0  }
0x60: {  	s31 =	rddreg [dreg:$0x12];
	[sflag:s17] =	ssyncadd.s32 $0xFFFFF000  }
0x61: {  	[spmem:s31] =	stream.linear.scatter [tilespmem:s16], [sflag:$0x2], $0x1000, $0x38;
	[tilespmem:$0x1D980] =	vst v63  }
0x62: {  	_ =	swait.ge [sflag:s17], $0x1000  }
0x63: {  	[sflag:s17] =	ssyncset.done $0x0  }
0x64: {  	s14 =	rddreg [dreg:$0x13];
	[sflag:s17] =	ssyncadd.s32 $0xFFFFF000  }
0x65: {  	[spmem:s14] =	stream.linear.scatter [tilespmem:s16], [sflag:$0x2], $0x1000, $0x38;
	[tilespmem:$0x1D980] =	vst v63  }
0x66: {  	_ =	swait.ge [sflag:s17], $0x1000  }
0x67: {  	[sflag:s17] =	ssyncset.done $0x0  }
0x68: {  	s26 =	rddreg [dreg:$0x14];
	[sflag:s17] =	ssyncadd.s32 $0xFFFFF000  }
0x69: {  	[spmem:s26] =	stream.linear.scatter [tilespmem:s16], [sflag:$0x2], $0x1000, $0x38;
	[tilespmem:$0x1D980] =	vst v63  }
0x6a: {  	_ =	swait.ge [sflag:s17], $0x1000  }
0x6b: {  	[sflag:s17] =	ssyncset.done $0x0  }
0x6c: {  	s28 =	rddreg [dreg:$0x15];
	[sflag:s17] =	ssyncadd.s32 $0xFFFFF000  }
0x6d: {  	[spmem:s28] =	stream.linear.scatter [tilespmem:s16], [sflag:$0x2], $0x1000, $0x38;
	[tilespmem:$0x1D980] =	vst v63  }
0x6e: {  	_ =	swait.ge [sflag:s17], $0x1000  }
0x6f: {  	[sflag:s17] =	ssyncset.done $0x0  }
0x70: {  	s29 =	rddreg [dreg:$0x16];
	[sflag:s17] =	ssyncadd.s32 $0xFFFFF000  }
0x71: {  	[spmem:s29] =	stream.linear.scatter [tilespmem:s16], [sflag:$0x2], $0x1000, $0x38;
	[tilespmem:$0x1D980] =	vst v63  }
0x72: {  	_ =	swait.ge [sflag:s17], $0x1000  }
0x73: {  	[sflag:s17] =	ssyncset.done $0x0  }
0x74: {  	s30 =	rddreg [dreg:$0x17];
	[sflag:s17] =	ssyncadd.s32 $0xFFFFF000  }
0x75: {  	[spmem:s30] =	stream.linear.scatter [tilespmem:s16], [sflag:$0x2], $0x1000, $0x38;
	[tilespmem:$0x1D980] =	vst v63  }
0x76: {  	_ =	swait.ge [sflag:s17], $0x1000  }
0x77: {  	[sflag:s17] =	ssyncset.done $0x0  }
0x78: {  	s31 =	rddreg [dreg:$0x18];
	[sflag:s17] =	ssyncadd.s32 $0xFFFFF000  }
0x79: {  	[spmem:s31] =	stream.linear.scatter [tilespmem:s16], [sflag:$0x2], $0x1000, $0x38;
	[tilespmem:$0x1D980] =	vst v63  }
0x7a: {  	_ =	swait.ge [sflag:s17], $0x1000  }
0x7b: {  	[sflag:s17] =	ssyncset.done $0x0  }
0x7c: {  	[sflag:s17] =	ssyncadd.s32 $0xFFFFF000  }
0x7d: {  	[spmem:s15] =	stream.linear.scatter [tilespmem:s16], [sflag:$0x2], $0x1000, $0x38;
	[tilespmem:$0x1D980] =	vst v63  }
0x7e: {  	_ =	swait.ge [sflag:s17], $0x1000  }
0x7f: {  	[sflag:s17] =	ssyncset.done $0x0  }
0x80: {  	[sflag:s17] =	ssyncadd.s32 $0xFFFFF000  }
0x81: {  	s0 =	simm.s32 $0x0;
	s14 =	simm.s32 $0x0;
	[bflag:$0x0] =	sbarrier.arrive $0xFFFF  }
.LBB2_4:
0x82: {  	s26 =	sshll.u32 s14, $0x4  }
0x83: {  	s26 =	sor.u32 s7, s26  }
0x84: {  	s26 =	smul.u32 $0x50, s26;
	_ =	sdelay $0x1  }
0x85: {  	s28 =	sshrl.u32 s26, $0x3  }
0x86: {  	s29 =	sadd.s32 s2, s28  }
0x87: {  	[tilespmem:s0], [sflag:$0x2] =	stream.linear.gather [hbm4b:s29+s0], $0x50, $0x38;
	[tilespmem:$0x1D980] =	vst v63  }
0x88: {  	_ =	swait.ge [sflag:s17], $0x50  }
0x89: {  	[sflag:s17] =	ssyncset.done $0x0  }
0x8a: {  	s28 =	sadd.s32 s3, s28;
	[sflag:s17] =	ssyncadd.s32 $0xFFFFFFB0  }
0x8b: {  	[tilespmem:s18], [sflag:$0x2] =	stream.linear.gather [hbm4b:s28+s0], $0x50, $0x38;
	[tilespmem:$0x1D980] =	vst v63  }
0x8c: {  	s26 =	sadd.s32 s10, s26;
	_ =	swait.ge [sflag:s17], $0x50  }
0x8d: {  	s26 =	sshll.u32 s26, $0x4;
	[sflag:s17] =	ssyncset.done $0x0  }
0x8e: {  	s26 =	sadd.s32 s8, s26;
	[sflag:s17] =	ssyncadd.s32 $0xFFFFFFB0  }
0x8f: {  	[tilespmem:s19], [sflag:$0x2] =	stream.linear.gather [hbm4b:s26+s0], $0x2800, $0x38;
	[tilespmem:$0x1D980] =	vst v63  }
0x90: {  	_ =	swait.ge [sflag:s17], $0x2800  }
0x91: {  	[sflag:s17] =	ssyncset.done $0x0  }
0x92: {  	[sflag:s17] =	ssyncadd.s32 $0xFFFFD800  }
0x93: {  	v2 =	vld [tilespmem:$0x0]  }
0x94: {  	v3 =	vld [tilespmem:$0x10]  }
0x95: {  	v4 =	vld [tilespmem:$0x20]  }
0x96: {  	v5 =	vld [tilespmem:$0x30]  }
0x97: {  	v6 =	vld [tilespmem:$0x40]  }
0x98: {  	v2 =	vadd.s32 v0, v2  }
0x99: {  	[tilespmem:$0x0] =	vst v2;
	v2 =	vadd.s32 v0, v3  }
0x9a: {  	[tilespmem:$0x10] =	vst v2;
	v2 =	vadd.s32 v0, v4  }
0x9b: {  	[tilespmem:$0x20] =	vst v2;
	v2 =	vadd.s32 v0, v5  }
0x9c: {  	[tilespmem:$0x30] =	vst v2;
	v2 =	vadd.s32 v0, v6  }
0x9d: {  	[tilespmem:$0x40] =	vst v2  }
0x9e: {  	[tilespmem:s21], [sflag:$0x1] =	stream.indirect.gather [hbm4b:s1+s20], $0x80, s0, s20, $0xb8;
	[tilespmem:$0x1D980] =	vst v63  }
0x9f: {  	_ =	swait.ge [sflag:s22], $0x2800  }
0xa0: {  	[sflag:s22] =	ssyncset.done $0x0  }
0xa1: {  	s28 =	simm.s32 $0x0;
	[sflag:s22] =	ssyncadd.s32 $0xFFFFD800  }
0xa2: {  	v3 =	vld [tilespmem:s28+$0x5100]  }
0xa3: {  	v7 =	vld [tilespmem:s28+$0x100]  }
0xa4: {  	v9 =	vld [tilespmem:s28+$0x170]  }
0xa5: {  	v11 =	vld [tilespmem:s28+$0x110]  }
0xa6: {  	v5 =	vld [tilespmem:s28+$0x120]  }
0xa7: {  	v4 =	vld [tilespmem:s28+$0x130];
	v13 =	vbroadcast v3, $0x0;
	v2 =	vbroadcast v3, $0x3  }
0xa8: {  	v6 =	vld [tilespmem:s28+$0x140];
	v8 =	vbroadcast v3, $0x1  }
0xa9: {  	v10 =	vmul.f32 v13, v7;
	v7 =	vld [tilespmem:s28+$0x150];
	v12 =	vmul.f32 v9, v2  }
0xaa: {  	s29 =	simm.s32 $0x400;
	s26 =	simm.s32 $0x80;
	v3 =	vbroadcast v3, $0x2;
	v11 =	vmul.f32 v11, v13;
	v9 =	vld [tilespmem:s28+$0x160]  }
.LBB2_5:
0xab: {  	p0 =	sne.s32 s29, $0x9E00;
	v13 =	vld [tilespmem:s26+$0x5100];
	v5 =	vmul.f32 v5, v8;
	[tilespmem:s28+$0x2970] =	vst v12  }
0xac: {  	v12 =	vld [tilespmem:s26+$0x100];
	[tilespmem:s28+$0x2900] =	vst v10;
	v4 =	vmul.f32 v4, v8  }
0xad: {  	v14 =	vld [tilespmem:s26+$0x170];
	[tilespmem:s28+$0x2910] =	vst v11;
	v6 =	vmul.f32 v6, v3  }
0xae: {  	v11 =	vld [tilespmem:s26+$0x110];
	[tilespmem:s28+$0x2920] =	vst v5;
	v7 =	vmul.f32 v7, v3  }
.Ltmp1:
0xaf: {  	v5 =	vld [tilespmem:s26+$0x120];
	[tilespmem:s28+$0x2930] =	vst v4;
	v9 =	vmul.f32 v9, v2;
	(pc) =	sbr.rel @p0 .LBB2_5-.Ltmp1, $4  }
0xb0: {  	v15 =	vbroadcast v13, $0x0;
	v4 =	vld [tilespmem:s26+$0x130];
	v2 =	vbroadcast v13, $0x3;
	[tilespmem:s28+$0x2940] =	vst v6  }
0xb1: {  	v8 =	vbroadcast v13, $0x1;
	v3 =	vbroadcast v13, $0x2;
	v6 =	vld [tilespmem:s26+$0x140];
	[tilespmem:s28+$0x2950] =	vst v7  }
0xb2: {  	v10 =	vmul.f32 v15, v12;
	v7 =	vld [tilespmem:s26+$0x150];
	v12 =	vmul.f32 v14, v2;
	[tilespmem:s28+$0x2960] =	vst v9;
	s28 =	smov.u32 s26  }
0xb3: {  	s26 =	sshra.s32 s29, $0x2;
	s29 =	sadd.s32 $0x200, s29;
	v11 =	vmul.f32 v11, v15;
	v9 =	vld [tilespmem:s28+$0x160]  }
0xb4: {  	v13 =	vld [tilespmem:s26+$0x5100];
	[tilespmem:s28+$0x2970] =	vst v12  }
0xb5: {  	v5 =	vmul.f32 v5, v8;
	v12 =	vld [tilespmem:s26+$0x100];
	[tilespmem:s28+$0x2900] =	vst v10  }
0xb6: {  	v4 =	vmul.f32 v4, v8;
	v10 =	vld [tilespmem:s26+$0x170];
	[tilespmem:s28+$0x2910] =	vst v11  }
0xb7: {  	v6 =	vmul.f32 v6, v3;
	v11 =	vld [tilespmem:s26+$0x110];
	[tilespmem:s28+$0x2920] =	vst v5  }
0xb8: {  	v3 =	vmul.f32 v7, v3;
	v5 =	vld [tilespmem:s26+$0x120];
	[tilespmem:s28+$0x2930] =	vst v4  }
0xb9: {  	v4 =	vld [tilespmem:s26+$0x130];
	[tilespmem:s28+$0x2940] =	vst v6;
	v57 =	vbroadcast v13, $0x3  }
0xba: {  	v2 =	vmul.f32 v9, v2;
	v6 =	vld [tilespmem:s26+$0x140];
	[tilespmem:s28+$0x2950] =	vst v3;
	v3 =	vbroadcast v13, $0x0  }
0xbb: {  	v59 =	vmul.f32 v10, v57  }
0xbc: {  	v58 =	vld [tilespmem:s26+$0x150];
	[tilespmem:s28+$0x2960] =	vst v2;
	v2 =	vbroadcast v13, $0x1;
	v60 =	vmul.f32 v3, v12  }
0xbd: {  	v61 =	vld [tilespmem:s26+$0x160];
	v3 =	vmul.f32 v11, v3;
	[tilespmem:s26+$0x2970] =	vst v59  }
0xbe: {  	v62 =	vbroadcast v13, $0x2;
	v5 =	vmul.f32 v5, v2;
	[tilespmem:s26+$0x2900] =	vst v60  }
0xbf: {  	v2 =	vmul.f32 v4, v2;
	[tilespmem:s26+$0x2910] =	vst v3  }
0xc0: {  	v3 =	vmul.f32 v6, v62;
	[tilespmem:s26+$0x2920] =	vst v5  }
0xc1: {  	v63 =	vmul.f32 v58, v62;
	[tilespmem:s26+$0x2930] =	vst v2  }
0xc2: {  	s14 =	sadd.s32 $0x1, s14;
	v2 =	vmul.f32 v61, v57;
	[tilespmem:s26+$0x2940] =	vst v3  }
0xc3: {  	p0 =	sne.s32 s14, $0x7D;
	[tilespmem:s26+$0x2950] =	vst v63  }
.Ltmp2:
0xc4: {  	[tilespmem:s26+$0x2960] =	vst v2;
	(pc) =	sbr.rel @p0 .LBB2_4-.Ltmp2, $4  }
0xc5: {  	[spmem:s4] =	stream.indirect.scatter.add.f32 [tilespmem:s23], [sflag:$0x2], $0x80, s18, s20, $0xb8;
	[tilespmem:$0x1D980] =	vst v63  }
0xc6: {  	_ =	swait.ge [sflag:s17], $0x2800  }
0xc7: {  	[sflag:s17] =	ssyncset.done $0x0  }
0xc8: {  	[sflag:s17] =	ssyncadd.s32 $0xFFFFD800  }
0xc9: {  	[bflag:$0x0] =	sbarrier.arrive $0xFFFF;
	s26 =	simm.s32 $0x0;
	s28 =	simm.s32 $0x0  }
.LBB2_8:
0xca: {  	s0 =	sshll.u32 s28, $0x4  }
0xcb: {  	s0 =	sor.u32 s7, s0  }
0xcc: {  	s29 =	sshll.u32 s0, $0xC  }
0xcd: {  	s14 =	sand.u32 $0x3FFFF000, s29  }
0xce: {  	s14 =	sadd.s32 s14, s4  }
0xcf: {  	[tilespmem:s16], [sflag:$0x2] =	stream.linear.gather [spmem:s14], $0x1000, $0x38;
	[tilespmem:$0x1D980] =	vst v63  }
0xd0: {  	s0 =	sadd.s32 s11, s0;
	_ =	swait.ge [sflag:s17], $0x1000  }
0xd1: {  	s0 =	sshll.u32 s0, $0x4;
	[sflag:s17] =	ssyncset.done $0x0  }
0xd2: {  	s30 =	simm.s32 $0x9900;
	s0 =	sadd.s32 s6, s0;
	[sflag:s17] =	ssyncadd.s32 $0xFFFFF000  }
0xd3: {  	[tilespmem:s30], [sflag:$0x2] =	stream.linear.gather [hbm4b:s0+s26], $0x80, $0x38;
	[tilespmem:$0x1D980] =	vst v63  }
0xd4: {  	_ =	swait.ge [sflag:s17], $0x80  }
0xd5: {  	[sflag:s17] =	ssyncset.done $0x0  }
0xd6: {  	[sflag:s17] =	ssyncadd.s32 $0xFFFFFF80  }
0xd7: {  	s31 =	simm.s32 $0x0;
	s0 =	simm.s32 $0x800;
	v2 =	vld [tilespmem:s30+$0x0]  }
.LBB2_9:
0xd8: {  	p0 =	sne.s32 s0, $0x3800  }
0xd9: {  	s14 =	sshra.s32 s31, $0x2;
	s31 =	smov.u32 s0  }
0xda: {  	v3 =	vld [tilespmem:s14+$0x7900]  }
0xdb: {  	v4 =	vld [tilespmem:s14+$0x7910]  }
0xdc: {  	v5 =	vld [tilespmem:s14+$0x7920];
	(erf) = vrcp.f32 v2  }
0xdd: {  	v6 =	vld [tilespmem:s14+$0x7930]  }
0xde: {  	v7 =	vld [tilespmem:s14+$0x7940]  }
0xdf: {  	v8 =	vld [tilespmem:s14+$0x7950]  }
0xe0: {  	v9 =	vld [tilespmem:s14+$0x7960]  }
0xe1: {  	v10 =	vld [tilespmem:s14+$0x7970]  }
0xe2: {  	v11 =	vld [tilespmem:s14+$0x7980]  }
0xe3: {  	v12 =	vld [tilespmem:s14+$0x7990]  }
0xe4: {  	v13 =	vld [tilespmem:s14+$0x79A0]  }
0xe5: {  	vm0 =	vgt.f32 v2, $0.0e+00;
	v2 =	vld [tilespmem:s14+$0x79B0];
	v14 =	vpop (erf)  }
0xe6: {  	v14 =	vnsel vm0, $0x0, v14;
	v15 =	vld [tilespmem:s14+$0x79C0]  }
0xe7: {  	v16 =	vbroadcast v14, $0x0;
	v17 =	vbroadcast v14, $0x1;
	v18 =	vld [tilespmem:s14+$0x79D0]  }
0xe8: {  	v19 =	vbroadcast v14, $0x2;
	v20 =	vbroadcast v14, $0x3;
	v21 =	vld [tilespmem:s14+$0x79E0]  }
0xe9: {  	v3 =	vmul.f32 v16, v3;
	v4 =	vmul.f32 v16, v4;
	v16 =	vld [tilespmem:s14+$0x79F0]  }
0xea: {  	v5 =	vmul.f32 v5, v17;
	v6 =	vmul.f32 v6, v17;
	v17 =	vld [tilespmem:s14+$0x7A00]  }
0xeb: {  	[tilespmem:s14+$0x8900] =	vst v3;
	v3 =	vmul.f32 v7, v19;
	v7 =	vmul.f32 v8, v19;
	v8 =	vld [tilespmem:s14+$0x7A10]  }
0xec: {  	[tilespmem:s14+$0x8910] =	vst v4;
	v4 =	vmul.f32 v9, v20;
	v9 =	vmul.f32 v10, v20;
	v10 =	vld [tilespmem:s14+$0x7A20]  }
0xed: {  	v19 =	vbroadcast v14, $0x5;
	[tilespmem:s14+$0x8920] =	vst v5;
	v5 =	vbroadcast v14, $0x4;
	v20 =	vld [tilespmem:s14+$0x7A30]  }
0xee: {  	v22 =	vbroadcast v14, $0x7;
	[tilespmem:s14+$0x8930] =	vst v6;
	v6 =	vbroadcast v14, $0x6;
	v23 =	vld [tilespmem:s14+$0x7A40]  }
0xef: {  	[tilespmem:s14+$0x8940] =	vst v3;
	v3 =	vmul.f32 v11, v5;
	v5 =	vmul.f32 v12, v5;
	v11 =	vld [tilespmem:s14+$0x7A50]  }
0xf0: {  	v2 =	vmul.f32 v2, v19;
	[tilespmem:s14+$0x8950] =	vst v7;
	v7 =	vmul.f32 v13, v19;
	v12 =	vld [tilespmem:s14+$0x7A60]  }
0xf1: {  	[tilespmem:s14+$0x8960] =	vst v4;
	v4 =	vmul.f32 v15, v6;
	v6 =	vmul.f32 v18, v6;
	v13 =	vld [tilespmem:s14+$0x7A70]  }
0xf2: {  	v15 =	vmul.f32 v16, v22;
	[tilespmem:s14+$0x8970] =	vst v9;
	v9 =	vmul.f32 v21, v22;
	v16 =	vld [tilespmem:s14+$0x7A80]  }
0xf3: {  	v18 =	vbroadcast v14, $0x9;
	[tilespmem:s14+$0x8980] =	vst v3;
	v3 =	vbroadcast v14, $0x8;
	v19 =	vld [tilespmem:s14+$0x7A90]  }
0xf4: {  	v21 =	vbroadcast v14, $0xB;
	[tilespmem:s14+$0x8990] =	vst v5;
	v5 =	vbroadcast v14, $0xA;
	v22 =	vld [tilespmem:s14+$0x7AA0]  }
0xf5: {  	[tilespmem:s14+$0x89A0] =	vst v7;
	v7 =	vmul.f32 v17, v3;
	v3 =	vmul.f32 v8, v3;
	v8 =	vld [tilespmem:s14+$0x7AB0]  }
0xf6: {  	[tilespmem:s14+$0x89B0] =	vst v2;
	v2 =	vmul.f32 v10, v18;
	v10 =	vmul.f32 v20, v18;
	v17 =	vld [tilespmem:s14+$0x7AC0]  }
0xf7: {  	[tilespmem:s14+$0x89C0] =	vst v4;
	v4 =	vmul.f32 v23, v5;
	v5 =	vmul.f32 v11, v5;
	v11 =	vld [tilespmem:s14+$0x7AD0]  }
0xf8: {  	[tilespmem:s14+$0x89D0] =	vst v6;
	v6 =	vmul.f32 v12, v21;
	v12 =	vmul.f32 v13, v21;
	v13 =	vld [tilespmem:s14+$0x7AE0]  }
0xf9: {  	v18 =	vbroadcast v14, $0xD;
	[tilespmem:s14+$0x89E0] =	vst v9;
	v9 =	vbroadcast v14, $0xC;
	v20 =	vld [tilespmem:s14+$0x7AF0]  }
0xfa: {  	[tilespmem:s14+$0x89F0] =	vst v15;
	v15 =	vbroadcast v14, $0xE;
	v14 =	vbroadcast v14, $0xF  }
0xfb: {  	[tilespmem:s14+$0x8A00] =	vst v7;
	v7 =	vmul.f32 v16, v9;
	v9 =	vmul.f32 v19, v9  }
0xfc: {  	v8 =	vmul.f32 v8, v18;
	[tilespmem:s14+$0x8A10] =	vst v3;
	v3 =	vmul.f32 v22, v18  }
0xfd: {  	v11 =	vmul.f32 v11, v15;
	[tilespmem:s14+$0x8A20] =	vst v2;
	v2 =	vmul.f32 v17, v15  }
0xfe: {  	[tilespmem:s14+$0x8A30] =	vst v10;
	v10 =	vmul.f32 v13, v14;
	v13 =	vmul.f32 v20, v14  }
0xff: {  	[tilespmem:s14+$0x8A40] =	vst v4  }
0x100: {  	[tilespmem:s14+$0x8A50] =	vst v5  }
0x101: {  	[tilespmem:s14+$0x8A60] =	vst v6  }
0x102: {  	[tilespmem:s14+$0x8A70] =	vst v12  }
0x103: {  	[tilespmem:s14+$0x8A80] =	vst v7  }
0x104: {  	[tilespmem:s14+$0x8A90] =	vst v9  }
0x105: {  	[tilespmem:s14+$0x8AA0] =	vst v3  }
0x106: {  	[tilespmem:s14+$0x8AB0] =	vst v8  }
.Ltmp3:
0x107: {  	[tilespmem:s14+$0x8AC0] =	vst v2;
	(pc) =	sbr.rel @p0 .LBB2_9-.Ltmp3, $4  }
0x108: {  	[tilespmem:s14+$0x8AD0] =	vst v11  }
0x109: {  	[tilespmem:s14+$0x8AE0] =	vst v10  }
0x10a: {  	s30 =	sadd.s32 $0x10, s30;
	[tilespmem:s14+$0x8AF0] =	vst v13  }
0x10b: {  	s0 =	sadd.s32 $0x800, s0;
	v2 =	vld [tilespmem:s30+$0x0]  }
0x10c: {  	_ =	sdelay $0x3  }
0x10d: {  	(erf) = vrcp.f32 v2;
	_ =	sdelay $0x6  }
0x10e: {  	s0 =	sshra.s32 s31, $0x2  }
0x10f: {  	v3 =	vld [tilespmem:s0+$0x7900]  }
0x110: {  	v4 =	vld [tilespmem:s0+$0x7910];
	vm0 =	vgt.f32 v2, $0.0e+00;
	v2 =	vpop (erf)  }
0x111: {  	v5 =	vld [tilespmem:s0+$0x7920];
	v2 =	vnsel vm0, $0x0, v2  }
0x112: {  	v6 =	vld [tilespmem:s0+$0x7930];
	v7 =	vbroadcast v2, $0x0  }
0x113: {  	v8 =	vld [tilespmem:s0+$0x7940]  }
0x114: {  	v9 =	vld [tilespmem:s0+$0x7950];
	v10 =	vbroadcast v2, $0x1;
	v3 =	vmul.f32 v7, v3  }
0x115: {  	v11 =	vld [tilespmem:s0+$0x7960];
	v4 =	vmul.f32 v7, v4  }
0x116: {  	v28 =	vld [tilespmem:s0+$0x7970];
	v12 =	vbroadcast v2, $0x2;
	v5 =	vmul.f32 v5, v10;
	[tilespmem:s0+$0x8900] =	vst v3  }
0x117: {  	v56 =	vld [tilespmem:s0+$0x7AC0];
	v6 =	vmul.f32 v6, v10;
	[tilespmem:s0+$0x8910] =	vst v4  }
0x118: {  	v57 =	vld [tilespmem:s0+$0x7AD0];
	v30 =	vbroadcast v2, $0x3;
	v8 =	vmul.f32 v8, v12;
	[tilespmem:s0+$0x8920] =	vst v5  }
0x119: {  	v29 =	vld [tilespmem:s0+$0x7990];
	v9 =	vmul.f32 v9, v12;
	[tilespmem:s0+$0x8930] =	vst v6  }
0x11a: {  	v31 =	vld [tilespmem:s0+$0x79A0];
	v61 =	vbroadcast v2, $0xE;
	v11 =	vmul.f32 v11, v30;
	[tilespmem:s0+$0x8940] =	vst v8  }
0x11b: {  	v7 =	vmul.f32 v28, v30;
	v3 =	vld [tilespmem:s0+$0x7980];
	[tilespmem:s0+$0x8950] =	vst v9  }
0x11c: {  	v32 =	vld [tilespmem:s0+$0x79B0];
	v33 =	vbroadcast v2, $0x4;
	v62 =	vmul.f32 v56, v61;
	[tilespmem:s0+$0x8960] =	vst v11  }
0x11d: {  	v34 =	vld [tilespmem:s0+$0x79C0];
	v36 =	vbroadcast v2, $0x5;
	v63 =	vmul.f32 v57, v61;
	[tilespmem:s0+$0x8970] =	vst v7  }
0x11e: {  	v35 =	vld [tilespmem:s0+$0x79D0];
	v4 =	vmul.f32 v29, v33;
	[tilespmem:s0+$0x8AC0] =	vst v62  }
0x11f: {  	v37 =	vld [tilespmem:s0+$0x79E0];
	v5 =	vmul.f32 v31, v36;
	[tilespmem:s0+$0x8AD0] =	vst v63  }
0x120: {  	v38 =	vld [tilespmem:s0+$0x79F0];
	v39 =	vbroadcast v2, $0x6;
	[tilespmem:s0+$0x8990] =	vst v4;
	v3 =	vmul.f32 v3, v33  }
0x121: {  	v40 =	vld [tilespmem:s0+$0x7A10];
	v6 =	vmul.f32 v32, v36;
	[tilespmem:s0+$0x89A0] =	vst v5  }
0x122: {  	v41 =	vbroadcast v2, $0x7;
	v8 =	vmul.f32 v34, v39;
	[tilespmem:s0+$0x8980] =	vst v3;
	v3 =	vld [tilespmem:s0+$0x7A00]  }
0x123: {  	v42 =	vld [tilespmem:s0+$0x7A20];
	v9 =	vmul.f32 v35, v39;
	[tilespmem:s0+$0x89B0] =	vst v6  }
0x124: {  	v43 =	vld [tilespmem:s0+$0x7A30];
	v44 =	vbroadcast v2, $0x8;
	v11 =	vmul.f32 v37, v41;
	[tilespmem:s0+$0x89C0] =	vst v8  }
0x125: {  	v45 =	vld [tilespmem:s0+$0x7A40];
	v7 =	vmul.f32 v38, v41;
	[tilespmem:s0+$0x89D0] =	vst v9  }
0x126: {  	v46 =	vld [tilespmem:s0+$0x7A50];
	v47 =	vbroadcast v2, $0x9;
	[tilespmem:s0+$0x89E0] =	vst v11;
	v4 =	vmul.f32 v40, v44  }
0x127: {  	v48 =	vld [tilespmem:s0+$0x7A60];
	[tilespmem:s0+$0x89F0] =	vst v7;
	v3 =	vmul.f32 v3, v44  }
0x128: {  	v49 =	vld [tilespmem:s0+$0x7A70];
	v50 =	vbroadcast v2, $0xA;
	v5 =	vmul.f32 v42, v47;
	[tilespmem:s0+$0x8A10] =	vst v4  }
0x129: {  	v6 =	vmul.f32 v43, v47;
	[tilespmem:s0+$0x8A00] =	vst v3;
	v3 =	vld [tilespmem:s0+$0x7A80]  }
0x12a: {  	v51 =	vld [tilespmem:s0+$0x7A90];
	v52 =	vbroadcast v2, $0xB;
	v8 =	vmul.f32 v45, v50;
	[tilespmem:s0+$0x8A20] =	vst v5  }
0x12b: {  	v54 =	vld [tilespmem:s0+$0x7AB0];
	v9 =	vmul.f32 v46, v50;
	[tilespmem:s0+$0x8A30] =	vst v6  }
0x12c: {  	v53 =	vld [tilespmem:s0+$0x7AA0];
	v55 =	vbroadcast v2, $0xC;
	v11 =	vmul.f32 v48, v52;
	[tilespmem:s0+$0x8A40] =	vst v8  }
0x12d: {  	v59 =	vld [tilespmem:s0+$0x7AE0];
	v7 =	vmul.f32 v49, v52;
	[tilespmem:s0+$0x8A50] =	vst v9  }
0x12e: {  	v60 =	vld [tilespmem:s0+$0x7AF0];
	v58 =	vbroadcast v2, $0xD;
	[tilespmem:s0+$0x8A60] =	vst v11;
	v3 =	vmul.f32 v3, v55  }
0x12f: {  	v4 =	vmul.f32 v51, v55;
	[tilespmem:s0+$0x8A70] =	vst v7  }
0x130: {  	v2 =	vbroadcast v2, $0xF;
	[tilespmem:s0+$0x8A80] =	vst v3;
	v3 =	vmul.f32 v54, v58  }
0x131: {  	v5 =	vmul.f32 v53, v58;
	[tilespmem:s0+$0x8A90] =	vst v4  }
0x132: {  	[tilespmem:s0+$0x8AB0] =	vst v3;
	v3 =	vmul.f32 v59, v2  }
0x133: {  	s14 =	sadd.s32 s13, s29;
	s28 =	sadd.s32 $0x1, s28;
	[tilespmem:s0+$0x8AA0] =	vst v5;
	v2 =	vmul.f32 v60, v2  }
0x134: {  	s14 =	sshrl.u32 s14, $0x3;
	p0 =	sne.s32 s28, $0x14;
	[tilespmem:s0+$0x8AE0] =	vst v3  }
.Ltmp4:
0x135: {  	s31 =	sadd.s32 s9, s14;
	[tilespmem:s0+$0x8AF0] =	vst v2;
	(pc) =	sbr.rel @p0 .LBB2_8-.Ltmp4, $4  }
0x136: {  	[hbm4b:s31+s5] =	stream.linear.scatter [tilespmem:s24], [sflag:$0x2], $0x1000, $0x38;
	[tilespmem:$0x1D980] =	vst v63  }
0x137: {  	_ =	swait.ge [sflag:s17], $0x1000  }
0x138: {  	[sflag:s17] =	ssyncset.done $0x0  }
0x139: {  	[sflag:s17] =	ssyncadd.s32 $0xFFFFF000  }
0x13a: {  	s25 =	sadd.s32 $0x1, s25;
	s0 =	rddreg [dreg:$0x6]  }
0x13b: {  	p0 =	sne.s32 s25, s0  }
.Ltmp5:
0x13c: {  	_ = 	snop;
	(pc) =	sbr.rel @p0 .LBB2_1-.Ltmp5, $1  }
0x13d: {  	_ =	sdelay $0x3  }
0x13e: {  	_ =	sfence.sel $0x180000  }
0x13f: {  	[bflag:$0x0] =	sbarrier.arrive $0xFFFF  }
0x140: {  	_ =	strace $0x9000004A  }
0x141: {  	[bflag:$0x2] =	sbarrier.arrive $0xFFFF  }
0x142: {  	p0 =	sne.s32 s7, $0x0;
	s0 =	rddreg [dreg:$0x5]  }
0x143: {  	s0 =	sadd.s32 @!p0 $0x100000, s0  }
0x144: {  	[sflag:s0] =	ssyncadd.tile.s32 @!p0 $0x1;
	_ =	shalt  }
.Lfunc_end2:
_tile_overlayer_lowered:
.L_overlay_start_2:
0x145: {  	(tag) =	ssettag $0x2  }
0x146: {  	s0 =	rddreg [dreg:$0x0];
	s2 =	stileid.u32  }
0x147: {  	s1 =	rddreg [dreg:$0x1];
	p0 =	sne.s32 s2, $0x0  }
0x148: {  	s3 =	rddreg [dreg:$0x2];
	[bflag:$0x3] =	sbarrier.arrive $0xFFFF;
	s2 =	simm.s32 @!p0 $0x1C02  }
0x149: {  	[timem:s3], [sflag:s2] =	dma.local @!p0 [hbm:s0], s1  }
0x14a: {  	s0 =	simm.s32 @!p0 $0x2  }
0x14b: {  	_ =	swait.ge @!p0 [sflag:s0], s1  }
0x14c: {  	s1 =	ssub.s32 @!p0 $0x0, s1;
	[sflag:s0] =	ssyncset.done @!p0 $0x0  }
0x14d: {  	[sflag:s0] =	ssyncadd.s32 @!p0 s1  }
0x14e: {  	[bflag:$0x3] =	sbarrier.arrive $0xFFFF  }
0x14f: {  	_ =	shalt  }

</sc_bundles>
